<compile_context>
chip_gen: v7x
topology: tpu7x:2x2x1
jax: 0.10.2.dev20260603
libtpu: 0.0.44.dev20260713+nightly
codegen_flags: <defaults>
</compile_context>

<pallas_src>
import functools

import jax
import jax.numpy as jnp
from jax import lax
from jax.experimental import pallas as pl
from jax.experimental.pallas import tpu as pltpu
from jax.experimental.pallas import tpu_sc as plsc

N = 10000
NP = 10240
D = 256
HID = 256
C = 64
E = 160000
EP = 163840
NC, NS = 2, 16
CH = 128
RPS = NP // NS

_MESH = plsc.VectorSubcoreMesh(
    core_axis_name="c", subcore_axis_name="s", num_cores=NC, num_subcores=NS)



@functools.partial(
    pl.kernel,
    out_type=jax.ShapeDtypeStruct((NC * NP, 128), jnp.float32),
    mesh=_MESH,
    scratch_types=[
        pltpu.VMEM((CH,), jnp.int32),
        pltpu.VMEM((CH,), jnp.int32),
        pltpu.VMEM((CH, 128), jnp.float32),
        pltpu.VMEM_SHARED((NP, 128), jnp.float32),
        pltpu.SemaphoreType.DMA,
        pltpu.SemaphoreType.DMA,
    ],
)
def _sc_degree(row_hbm, ones_hbm, zero_hbm, out_hbm,
               row_v0, row_v1, ones_v, acc, sem0, sem1):
    c = lax.axis_index("c")
    s = lax.axis_index("s")
    nch = EP // (NC * NS) // CH
    pltpu.sync_copy(zero_hbm, acc.at[pl.ds(s * RPS, RPS)])
    pltpu.sync_copy(ones_hbm, ones_v)
    plsc.subcore_barrier()
    base = c * (EP // NC) + s * (EP // (NC * NS))
    rows = (row_v0, row_v1)
    sems = (sem0, sem1)

    @pl.loop(0, nch, step=2)
    def _(j):
        for b in range(2):
            jj = j + b

            @pl.when(jj >= 2)
            def _():
                pltpu.make_async_copy(ones_v, acc.at[rows[b]], sems[b]).wait()

            pltpu.sync_copy(row_hbm.at[pl.ds(base + jj * CH, CH)], rows[b])
            pltpu.async_copy(ones_v, acc.at[rows[b]], sems[b], add=True)

    pltpu.make_async_copy(ones_v, acc.at[row_v0], sem0).wait()
    pltpu.make_async_copy(ones_v, acc.at[row_v1], sem1).wait()
    plsc.subcore_barrier()
    pltpu.sync_copy(acc.at[pl.ds(s * RPS, RPS)],
                    out_hbm.at[pl.ds(c * NP + s * RPS, RPS)])


_NB = 4


def _agg_body(nch):

    def body(g_hbm, pack_hbm, zero_hbm, out_hbm,
             idxs, buf, acc, isems, gsems, ssems, kbase, s):
        pltpu.sync_copy(zero_hbm, acc.at[pl.ds(s * RPS, RPS)])
        plsc.subcore_barrier()

        def idx_load(k, slot):
            pltpu.async_copy(pack_hbm.at[kbase + k], idxs[slot], isems[slot])

        def gather(k, bslot, qslot):
            for h in range(2):
                pltpu.async_copy(
                    g_hbm.at[idxs[qslot].at[0, pl.ds(h * (CH // 2), CH // 2)]],
                    buf.at[bslot, pl.ds(h * (CH // 2), CH // 2)],
                    gsems[bslot])

        idx_load(0, 0)
        idx_load(1, 1)
        pltpu.make_async_copy(pack_hbm.at[kbase], idxs[0], isems[0]).wait()
        gather(0, 0, 0)

        @pl.loop(0, nch, step=_NB)
        def _(j):
            for b in range(_NB):
                jj = j + b
                bb = b % 2
                b1 = (b + 1) % 2
                q1 = (b + 1) % _NB
                q2 = (b + 2) % _NB

                @pl.when(jj + 2 < nch)
                def _():
                    idx_load(jj + 2, q2)

                @pl.when(jj + 1 < nch)
                def _():
                    @pl.when(jj >= 1)
                    def _():
                        pltpu.make_async_copy(
                            buf.at[b1], acc.at[idxs[q1].at[1]],
                            ssems[b1]).wait()
                    pltpu.make_async_copy(
                        pack_hbm.at[kbase], idxs[q1], isems[q1]).wait()
                    gather(jj + 1, b1, q1)

                pltpu.make_async_copy(
                    g_hbm.at[idxs[b].at[0]], buf.at[bb], gsems[bb]).wait()
                pltpu.async_copy(buf.at[bb], acc.at[idxs[b].at[1]], ssems[bb],
                                 add=True)

        for k in (nch - 2, nch - 1):
            pltpu.make_async_copy(
                buf.at[k % 2], acc.at[idxs[k % _NB].at[1]],
                ssems[k % 2]).wait()
        plsc.subcore_barrier()

    return body


_AGG_SCRATCH = (
    [pltpu.VMEM((2, CH), jnp.int32) for _ in range(_NB)]
    + [pltpu.VMEM((2, CH, 128), jnp.float32),
       pltpu.VMEM_SHARED((NP, 128), jnp.float32)]
    + [pltpu.SemaphoreType.DMA] * _NB
    + [pltpu.SemaphoreType.DMA] * 2
    + [pltpu.SemaphoreType.DMA] * 2
)

_KCH = EP // CH


@functools.partial(
    pl.kernel,
    out_type=jax.ShapeDtypeStruct((NC * NP, 128), jnp.float32),
    mesh=_MESH,
    scratch_types=_AGG_SCRATCH,
)
def _sc_agg1(g_hbm, pack_hbm, zero_hbm, out_hbm, *sc):
    idxs = sc[:_NB]
    buf, acc = sc[_NB], sc[_NB + 1]
    isems = sc[_NB + 2:2 * _NB + 2]
    gsems = sc[2 * _NB + 2:2 * _NB + 4]
    ssems = sc[2 * _NB + 4:2 * _NB + 6]
    c = lax.axis_index("c")
    s = lax.axis_index("s")
    kbase = c * _KCH + s * (_KCH // NS)
    _agg_body(_KCH // NS)(g_hbm, pack_hbm, zero_hbm, out_hbm,
                          idxs, buf, acc, isems, gsems, ssems, kbase, s)
    pltpu.sync_copy(acc.at[pl.ds(s * RPS, RPS)],
                    out_hbm.at[pl.ds(c * NP + s * RPS, RPS)])


@functools.partial(
    pl.kernel,
    out_type=jax.ShapeDtypeStruct((NC * NP, 128), jnp.float32),
    mesh=_MESH,
    scratch_types=_AGG_SCRATCH,
)
def _sc_agg2(g_hbm, pack_hbm, zero_hbm, out_hbm, *sc):
    idxs = sc[:_NB]
    buf, acc = sc[_NB], sc[_NB + 1]
    isems = sc[_NB + 2:2 * _NB + 2]
    gsems = sc[2 * _NB + 2:2 * _NB + 4]
    ssems = sc[2 * _NB + 4:2 * _NB + 6]
    c = lax.axis_index("c")
    s = lax.axis_index("s")
    kbase = c * (_KCH // NC) + s * (_KCH // (NC * NS))
    _agg_body(_KCH // (NC * NS))(g_hbm, pack_hbm, zero_hbm, out_hbm,
                                 idxs, buf, acc, isems, gsems, ssems, kbase, s)
    pltpu.sync_copy(acc.at[pl.ds(s * RPS, RPS)],
                    out_hbm.at[pl.ds(c * NP + s * RPS, RPS)])



_BN = 256
_GRID = (NP // _BN,)


def _p_from_deg(dref):
    deg = dref[0, :, 0] + dref[1, :, 0] + 1.0 + 1e-8
    return lax.rsqrt(deg)


def _tc1_body(x_ref, w_ref, d_ref, h_ref, g_ref):
    p = _p_from_deg(d_ref)
    h = jnp.dot(x_ref[...], w_ref[...], preferred_element_type=jnp.float32)
    h_ref[...] = h
    g = h * p[:, None]
    g_ref[0] = g[:, :128]
    g_ref[1] = g[:, 128:]


_tc1 = pl.pallas_call(
    _tc1_body,
    grid=_GRID,
    in_specs=[
        pl.BlockSpec((_BN, D), lambda i: (i, 0)),
        pl.BlockSpec((D, HID), lambda i: (0, 0)),
        pl.BlockSpec((2, _BN, 16), lambda i: (0, i, 0)),
    ],
    out_specs=[
        pl.BlockSpec((_BN, HID), lambda i: (i, 0)),
        pl.BlockSpec((2, _BN, 128), lambda i: (0, i, 0)),
    ],
    out_shape=[
        jax.ShapeDtypeStruct((NP, HID), jnp.float32),
        jax.ShapeDtypeStruct((2, NP, 128), jnp.float32),
    ],
)


def _tc2_body(a_ref, h1_ref, d_ref, b_ref, w_ref, h2_ref, g2_ref):
    p = _p_from_deg(d_ref)
    agg = jnp.concatenate([a_ref[0], a_ref[1]], axis=1)
    z = p[:, None] * agg + (p * p)[:, None] * h1_ref[...] + b_ref[...]
    z = jnp.maximum(z, 0.0)
    h2 = jnp.dot(z, w_ref[...], preferred_element_type=jnp.float32)
    h2_ref[...] = h2
    g2_ref[:, :C] = h2 * p[:, None]
    g2_ref[:, C:] = jnp.zeros((_BN, 128 - C), jnp.float32)


_tc2 = pl.pallas_call(
    _tc2_body,
    grid=_GRID,
    in_specs=[
        pl.BlockSpec((2, _BN, 128), lambda i: (0, i, 0)),
        pl.BlockSpec((_BN, HID), lambda i: (i, 0)),
        pl.BlockSpec((2, _BN, 16), lambda i: (0, i, 0)),
        pl.BlockSpec((1, HID), lambda i: (0, 0)),
        pl.BlockSpec((HID, C), lambda i: (0, 0)),
    ],
    out_specs=[
        pl.BlockSpec((_BN, C), lambda i: (i, 0)),
        pl.BlockSpec((_BN, 128), lambda i: (i, 0)),
    ],
    out_shape=[
        jax.ShapeDtypeStruct((NP, C), jnp.float32),
        jax.ShapeDtypeStruct((NP, 128), jnp.float32),
    ],
)


def _tc3_body(a_ref, h2_ref, d_ref, b_ref, o_ref):
    p = _p_from_deg(d_ref)
    z = (p[:, None] * (a_ref[0, :, :C] + a_ref[1, :, :C])
         + (p * p)[:, None] * h2_ref[...] + b_ref[...])
    m = jnp.max(z, axis=-1, keepdims=True)
    e = jnp.exp(z - m)
    lse = jnp.log(jnp.sum(e, axis=-1, keepdims=True))
    o_ref[...] = z - m - lse


_tc3 = pl.pallas_call(
    _tc3_body,
    grid=_GRID,
    in_specs=[
        pl.BlockSpec((2, _BN, 128), lambda i: (0, i, 0)),
        pl.BlockSpec((_BN, C), lambda i: (i, 0)),
        pl.BlockSpec((2, _BN, 16), lambda i: (0, i, 0)),
        pl.BlockSpec((1, C), lambda i: (0, 0)),
    ],
    out_specs=pl.BlockSpec((_BN, C), lambda i: (i, 0)),
    out_shape=jax.ShapeDtypeStruct((NP, C), jnp.float32),
)



def kernel(x, edge_index, W1, b1, W2, b2):
    row = edge_index[0].astype(jnp.int32)
    col = edge_index[1].astype(jnp.int32)
    pad = jnp.full((EP - E,), NP - 1, jnp.int32)
    rowp = jnp.concatenate([row, pad])
    colp = jnp.concatenate([col, pad])
    kc = colp.reshape(_KCH, CH)
    kr = rowp.reshape(_KCH, CH)
    pack2 = jnp.stack([kc, kr], axis=1)
    pack1 = jnp.concatenate(
        [pack2, jnp.stack([kc + NP, kr], axis=1)], axis=0)

    xp = jnp.pad(x, ((0, NP - N), (0, 0)))
    ones128 = jnp.ones((CH, 128), jnp.float32)
    z1 = jnp.zeros((RPS, 128), jnp.float32)

    degp = _sc_degree(rowp, ones128, z1).reshape(2, NP, 128)[:, :, :16]
    h1, g1 = _tc1(xp, W1, degp)
    acc1 = _sc_agg1(g1.reshape(2 * NP, 128), pack1, z1).reshape(2, NP, 128)
    h2, g2 = _tc2(acc1, h1, degp, b1.reshape(1, HID), W2)
    acc2 = _sc_agg2(g2, pack2, z1).reshape(2, NP, 128)
    out = _tc3(acc2, h2, degp, b2.reshape(1, C))
    return out[:N]

# --- scband reference (transcript-rebuilt; emitter-appended) ---
"""Pipeline reference for scband-gcn-net-39075612459329 (READ-ONLY COPY).

The authoritative reference and input builder live on the scoring server;
editing this copy changes nothing except your own understanding.
"""

import jax, jax.numpy as jnp
import numpy as np

N_NODES = 10000
D_FEAT = 256
HIDDEN = 256
N_CLASSES = 64
N_EDGES = 160000


def setup_inputs(seed: int = 0) -> dict:
    key = jax.random.key(seed)
    k1, k2, k3, k4, k5, k6 = jax.random.split(key, 6)
    x = jax.random.normal(k1, (N_NODES, D_FEAT), dtype=jnp.float32)
    edge_index = jax.random.randint(k2, (2, N_EDGES), 0, N_NODES, dtype=jnp.int64)
    # Glorot-ish init for GCNConv weights
    s1 = 1.0 / np.sqrt(D_FEAT)
    s2 = 1.0 / np.sqrt(HIDDEN)
    W1 = jax.random.uniform(k3, (D_FEAT, HIDDEN), dtype=jnp.float32, minval=-s1, maxval=s1)
    b1 = jax.random.uniform(k4, (HIDDEN,), dtype=jnp.float32, minval=-s1, maxval=s1)
    W2 = jax.random.uniform(k5, (HIDDEN, N_CLASSES), dtype=jnp.float32, minval=-s2, maxval=s2)
    b2 = jax.random.uniform(k6, (N_CLASSES,), dtype=jnp.float32, minval=-s2, maxval=s2)
    return {"x": x, "edge_index": edge_index, "W1": W1, "b1": b1, "W2": W2, "b2": b2}


def _gcn_norm(edge_index, n_nodes):
    # symmetric_normalize with add_self_loops=True, eps=1e-8 (matches torch helper)
    row = edge_index[0]
    col = edge_index[1]
    diag = jnp.arange(n_nodes, dtype=row.dtype)
    row = jnp.concatenate([row, diag], axis=0)
    col = jnp.concatenate([col, diag], axis=0)
    val = jnp.ones(row.shape[0], dtype=jnp.float32)
    deg = jax.ops.segment_sum(val, row, num_segments=n_nodes) + 1e-8
    dinv = deg ** -0.5
    norm = dinv[row] * val * dinv[col]
    return row, col, norm


def _gcn_conv(x, W, b, row, col, norm, n_nodes):
    h = x @ W
    msg = norm[:, None] * jnp.take(h, col, axis=0)   # gather messages from source nodes
    out = jax.ops.segment_sum(msg, row, num_segments=n_nodes)  # scatter-add to dst nodes
    return out + b


def reference(x, edge_index, W1, b1, W2, b2):
    n = x.shape[0]
    row, col, norm = _gcn_norm(edge_index, n)
    h = _gcn_conv(x, W1, b1, row, col, norm, n)
    h = jax.nn.relu(h)
    out = _gcn_conv(h, W2, b2, row, col, norm, n)
    return jax.nn.log_softmax(out, axis=-1)

if __name__ == "__main__":
    import jax
    _d = setup_inputs()
    print(jax.jit(kernel)(*tuple(_d.values())))

</pallas_src>

<mosaic_0001>
#map = affine_map<(d0, d1) -> (0)>
#map1 = affine_map<(d0, d1) -> (0, 0)>
module attributes {stable_mosaic.version = 14 : i64} {
  func.func @_sc_degree(%arg0: i32, %arg1: i32, %arg2: memref<163840xi32, #tpu.memory_space<hbm>>, %arg3: memref<128x128xf32, #tpu.memory_space<hbm>>, %arg4: memref<640x128xf32, #tpu.memory_space<hbm>>, %arg5: memref<20480x128xf32, #tpu.memory_space<hbm>>, %arg6: memref<128xi32, #tpu.memory_space<vmem>>, %arg7: memref<128xi32, #tpu.memory_space<vmem>>, %arg8: memref<128x128xf32, #tpu.memory_space<vmem>>, %arg9: memref<10240x128xf32, #tpu.memory_space<vmem_shared>>, %arg10: memref<!tpu.dma_semaphore, #tpu.memory_space<semaphore_mem>>, %arg11: memref<!tpu.dma_semaphore, #tpu.memory_space<semaphore_mem>>) attributes {dimension_semantics = [#tpu.dimension_semantics<core_parallel>, #tpu.dimension_semantics<subcore_parallel>], iteration_bounds = array<i64: 2, 16>, scalar_prefetch = 0 : i64, scratch_operands = 6 : i64, tpu.core_type = #tpu.core_type<sc_vector_subcore>, window_params = [{transform_indices = #map}, {transform_indices = #map1}, {transform_indices = #map1}, {transform_indices = #map1}]} {
    %mul3A = arith.constant 640 : i32
    %mul3A_0 = arith.muli %arg1, %mul3A : i32
    "tpu.region"() ({
      %run_scoped3A = tpu.sem_alloc : memref<!tpu.dma_semaphore, #tpu.memory_space<semaphore_mem>>
      %dma_start3A = arith.constant 0 : i32
      %dma_start3A_22 = tpu.memref_slice %arg9[%mul3A_0, %dma_start3A] : memref<10240x128xf32, #tpu.memory_space<vmem_shared>> -> memref<640x128xf32, #tpu.memory_space<vmem_shared>>
      tpu.enqueue_dma source(%arg4 : memref<640x128xf32, #tpu.memory_space<hbm>>) target(%dma_start3A_22 : memref<640x128xf32, #tpu.memory_space<vmem_shared>>) target_semaphore(%run_scoped3A : memref<!tpu.dma_semaphore, #tpu.memory_space<semaphore_mem>>)
      %dma_wait3A_23 = arith.constant 0 : i32
      %dma_wait3A_24 = tpu.memref_slice %arg9[%mul3A_0, %dma_wait3A_23] : memref<10240x128xf32, #tpu.memory_space<vmem_shared>> -> memref<640x128xf32, #tpu.memory_space<vmem_shared>>
      tpu.wait_dma2 semaphore(%run_scoped3A : memref<!tpu.dma_semaphore, #tpu.memory_space<semaphore_mem>>) src(%arg4 : memref<640x128xf32, #tpu.memory_space<hbm>>) dst(%dma_wait3A_24 : memref<640x128xf32, #tpu.memory_space<vmem_shared>>)
      tpu.yield
    }) : () -> ()
    "tpu.region"() ({
      %run_scoped3A = tpu.sem_alloc : memref<!tpu.dma_semaphore, #tpu.memory_space<semaphore_mem>>
      tpu.enqueue_dma source(%arg3 : memref<128x128xf32, #tpu.memory_space<hbm>>) target(%arg8 : memref<128x128xf32, #tpu.memory_space<vmem>>) target_semaphore(%run_scoped3A : memref<!tpu.dma_semaphore, #tpu.memory_space<semaphore_mem>>)
      tpu.wait_dma2 semaphore(%run_scoped3A : memref<!tpu.dma_semaphore, #tpu.memory_space<semaphore_mem>>) src(%arg3 : memref<128x128xf32, #tpu.memory_space<hbm>>) dst(%arg8 : memref<128x128xf32, #tpu.memory_space<vmem>>)
      tpu.yield
    }) : () -> ()
    %barrier3A = arith.constant 0 : index
    tpu.barrier barrier_id(%barrier3A)
    %mul3A_1 = arith.constant 81920 : i32
    %mul3A_2 = arith.muli %arg0, %mul3A_1 : i32
    %mul3A_3 = arith.constant 5120 : i32
    %mul3A_4 = arith.muli %arg1, %mul3A_3 : i32
    %add3A = arith.addi %mul3A_2, %mul3A_4 : i32
    %scan3A = arith.constant 0 : i32
    %scan3A_5 = arith.constant 20 : i32
    %scan3A_6 = arith.addi %scan3A, %scan3A_5 : i32
    %scan3A_7 = arith.constant 1 : i32
    scf.for %scan3A_22 = %scan3A to %scan3A_6 step %scan3A_7  : i32 {
      %mul3A_23 = arith.constant 2 : i32
      %mul3A_24 = arith.muli %scan3A_22, %mul3A_23 : i32
      %add3A_25 = arith.constant 0 : i32
      %add3A_26 = arith.addi %add3A_25, %mul3A_24 : i32
      %add3A_27 = arith.constant 0 : i32
      %add3A_28 = arith.addi %add3A_26, %add3A_27 : i32
      %ge3A = arith.constant 2 : i32
      %ge3A_29 = arith.cmpi sge, %add3A_28, %ge3A : i32
      %convert_element_type3A = arith.extui %ge3A_29 : i1 to i32
      %cond3A = arith.constant 0 : i32
      %cond3A_30 = arith.cmpi ne, %convert_element_type3A, %cond3A : i32
      scf.if %cond3A_30 {
        %dma_wait3A_49 = arith.constant 0 : i32
        %dma_wait3A_50 = arith.constant 0 : i32
        %dma_wait3A_51 = tpu.memref_slice %arg9[%dma_wait3A_49, %dma_wait3A_50] : memref<10240x128xf32, #tpu.memory_space<vmem_shared>> -> memref<10240x128xf32, #tpu.memory_space<vmem_shared>>
        tpu.wait_indirect_dma semaphore(%arg10 : memref<!tpu.dma_semaphore, #tpu.memory_space<semaphore_mem>>) src(%arg8 : memref<128x128xf32, #tpu.memory_space<vmem>>) dst(%dma_wait3A_51 : memref<10240x128xf32, #tpu.memory_space<vmem_shared>>)
      } else {
      }
      %mul3A_31 = arith.constant 128 : i32
      %mul3A_32 = arith.muli %add3A_28, %mul3A_31 : i32
      %add3A_33 = arith.addi %add3A, %mul3A_32 : i32
      "tpu.region"() ({
        %run_scoped3A = tpu.sem_alloc : memref<!tpu.dma_semaphore, #tpu.memory_space<semaphore_mem>>
        %dma_start3A_49 = tpu.memref_slice %arg2[%add3A_33] : memref<163840xi32, #tpu.memory_space<hbm>> -> memref<128xi32, #tpu.memory_space<hbm>>
        %dma_start3A_50 = tpu.memref_slice %arg2[%add3A_33] : memref<163840xi32, #tpu.memory_space<hbm>> -> memref<128xi32, #tpu.memory_space<hbm>>
        tpu.enqueue_dma source(%dma_start3A_50 : memref<128xi32, #tpu.memory_space<hbm>>) target(%arg6 : memref<128xi32, #tpu.memory_space<vmem>>) target_semaphore(%run_scoped3A : memref<!tpu.dma_semaphore, #tpu.memory_space<semaphore_mem>>)
        %dma_wait3A_51 = tpu.memref_slice %arg2[%add3A_33] : memref<163840xi32, #tpu.memory_space<hbm>> -> memref<128xi32, #tpu.memory_space<hbm>>
        %dma_wait3A_52 = tpu.memref_slice %arg2[%add3A_33] : memref<163840xi32, #tpu.memory_space<hbm>> -> memref<128xi32, #tpu.memory_space<hbm>>
        tpu.wait_dma2 semaphore(%run_scoped3A : memref<!tpu.dma_semaphore, #tpu.memory_space<semaphore_mem>>) src(%dma_wait3A_52 : memref<128xi32, #tpu.memory_space<hbm>>) dst(%arg6 : memref<128xi32, #tpu.memory_space<vmem>>)
        tpu.yield
      }) : () -> ()
      %dma_start3A = arith.constant 0 : i32
      %dma_start3A_34 = arith.constant 0 : i32
      %dma_start3A_35 = tpu.memref_slice %arg9[%dma_start3A, %dma_start3A_34] : memref<10240x128xf32, #tpu.memory_space<vmem_shared>> -> memref<10240x128xf32, #tpu.memory_space<vmem_shared>>
      tpu.enqueue_indirect_dma source(%arg8 : memref<128x128xf32, #tpu.memory_space<vmem>>) target(%dma_start3A_35 : memref<10240x128xf32, #tpu.memory_space<vmem_shared>>) offsets(%arg6 : memref<128xi32, #tpu.memory_space<vmem>>) semaphore(%arg10 : memref<!tpu.dma_semaphore, #tpu.memory_space<semaphore_mem>>) {add = true}
      %add3A_36 = arith.constant 1 : i32
      %add3A_37 = arith.addi %add3A_26, %add3A_36 : i32
      %ge3A_38 = arith.constant 2 : i32
      %ge3A_39 = arith.cmpi sge, %add3A_37, %ge3A_38 : i32
      %convert_element_type3A_40 = arith.extui %ge3A_39 : i1 to i32
      %cond3A_41 = arith.constant 0 : i32
      %cond3A_42 = arith.cmpi ne, %convert_element_type3A_40, %cond3A_41 : i32
      scf.if %cond3A_42 {
        %dma_wait3A_49 = arith.constant 0 : i32
        %dma_wait3A_50 = arith.constant 0 : i32
        %dma_wait3A_51 = tpu.memref_slice %arg9[%dma_wait3A_49, %dma_wait3A_50] : memref<10240x128xf32, #tpu.memory_space<vmem_shared>> -> memref<10240x128xf32, #tpu.memory_space<vmem_shared>>
        tpu.wait_indirect_dma semaphore(%arg11 : memref<!tpu.dma_semaphore, #tpu.memory_space<semaphore_mem>>) src(%arg8 : memref<128x128xf32, #tpu.memory_space<vmem>>) dst(%dma_wait3A_51 : memref<10240x128xf32, #tpu.memory_space<vmem_shared>>)
      } else {
      }
      %mul3A_43 = arith.constant 128 : i32
      %mul3A_44 = arith.muli %add3A_37, %mul3A_43 : i32
      %add3A_45 = arith.addi %add3A, %mul3A_44 : i32
      "tpu.region"() ({
        %run_scoped3A = tpu.sem_alloc : memref<!tpu.dma_semaphore, #tpu.memory_space<semaphore_mem>>
        %dma_start3A_49 = tpu.memref_slice %arg2[%add3A_45] : memref<163840xi32, #tpu.memory_space<hbm>> -> memref<128xi32, #tpu.memory_space<hbm>>
        %dma_start3A_50 = tpu.memref_slice %arg2[%add3A_45] : memref<163840xi32, #tpu.memory_space<hbm>> -> memref<128xi32, #tpu.memory_space<hbm>>
        tpu.enqueue_dma source(%dma_start3A_50 : memref<128xi32, #tpu.memory_space<hbm>>) target(%arg7 : memref<128xi32, #tpu.memory_space<vmem>>) target_semaphore(%run_scoped3A : memref<!tpu.dma_semaphore, #tpu.memory_space<semaphore_mem>>)
        %dma_wait3A_51 = tpu.memref_slice %arg2[%add3A_45] : memref<163840xi32, #tpu.memory_space<hbm>> -> memref<128xi32, #tpu.memory_space<hbm>>
        %dma_wait3A_52 = tpu.memref_slice %arg2[%add3A_45] : memref<163840xi32, #tpu.memory_space<hbm>> -> memref<128xi32, #tpu.memory_space<hbm>>
        tpu.wait_dma2 semaphore(%run_scoped3A : memref<!tpu.dma_semaphore, #tpu.memory_space<semaphore_mem>>) src(%dma_wait3A_52 : memref<128xi32, #tpu.memory_space<hbm>>) dst(%arg7 : memref<128xi32, #tpu.memory_space<vmem>>)
        tpu.yield
      }) : () -> ()
      %dma_start3A_46 = arith.constant 0 : i32
      %dma_start3A_47 = arith.constant 0 : i32
      %dma_start3A_48 = tpu.memref_slice %arg9[%dma_start3A_46, %dma_start3A_47] : memref<10240x128xf32, #tpu.memory_space<vmem_shared>> -> memref<10240x128xf32, #tpu.memory_space<vmem_shared>>
      tpu.enqueue_indirect_dma source(%arg8 : memref<128x128xf32, #tpu.memory_space<vmem>>) target(%dma_start3A_48 : memref<10240x128xf32, #tpu.memory_space<vmem_shared>>) offsets(%arg7 : memref<128xi32, #tpu.memory_space<vmem>>) semaphore(%arg11 : memref<!tpu.dma_semaphore, #tpu.memory_space<semaphore_mem>>) {add = true}
    }
    %scan3A_8 = arith.constant 20 : i32
    %dma_wait3A = arith.constant 0 : i32
    %dma_wait3A_9 = arith.constant 0 : i32
    %dma_wait3A_10 = tpu.memref_slice %arg9[%dma_wait3A, %dma_wait3A_9] : memref<10240x128xf32, #tpu.memory_space<vmem_shared>> -> memref<10240x128xf32, #tpu.memory_space<vmem_shared>>
    tpu.wait_indirect_dma semaphore(%arg10 : memref<!tpu.dma_semaphore, #tpu.memory_space<semaphore_mem>>) src(%arg8 : memref<128x128xf32, #tpu.memory_space<vmem>>) dst(%dma_wait3A_10 : memref<10240x128xf32, #tpu.memory_space<vmem_shared>>)
    %dma_wait3A_11 = arith.constant 0 : i32
    %dma_wait3A_12 = arith.constant 0 : i32
    %dma_wait3A_13 = tpu.memref_slice %arg9[%dma_wait3A_11, %dma_wait3A_12] : memref<10240x128xf32, #tpu.memory_space<vmem_shared>> -> memref<10240x128xf32, #tpu.memory_space<vmem_shared>>
    tpu.wait_indirect_dma semaphore(%arg11 : memref<!tpu.dma_semaphore, #tpu.memory_space<semaphore_mem>>) src(%arg8 : memref<128x128xf32, #tpu.memory_space<vmem>>) dst(%dma_wait3A_13 : memref<10240x128xf32, #tpu.memory_space<vmem_shared>>)
    %barrier3A_14 = arith.constant 0 : index
    tpu.barrier barrier_id(%barrier3A_14)
    %mul3A_15 = arith.constant 640 : i32
    %mul3A_16 = arith.muli %arg1, %mul3A_15 : i32
    %mul3A_17 = arith.constant 10240 : i32
    %mul3A_18 = arith.muli %arg0, %mul3A_17 : i32
    %mul3A_19 = arith.constant 640 : i32
    %mul3A_20 = arith.muli %arg1, %mul3A_19 : i32
    %add3A_21 = arith.addi %mul3A_18, %mul3A_20 : i32
    "tpu.region"() ({
      %run_scoped3A = tpu.sem_alloc : memref<!tpu.dma_semaphore, #tpu.memory_space<semaphore_mem>>
      %dma_start3A = arith.constant 0 : i32
      %dma_start3A_22 = tpu.memref_slice %arg5[%add3A_21, %dma_start3A] : memref<20480x128xf32, #tpu.memory_space<hbm>> -> memref<640x128xf32, #tpu.memory_space<hbm>>
      %dma_start3A_23 = arith.constant 0 : i32
      %dma_start3A_24 = tpu.memref_slice %arg9[%mul3A_16, %dma_start3A_23] : memref<10240x128xf32, #tpu.memory_space<vmem_shared>> -> memref<640x128xf32, #tpu.memory_space<vmem_shared>>
      tpu.enqueue_dma source(%dma_start3A_24 : memref<640x128xf32, #tpu.memory_space<vmem_shared>>) target(%dma_start3A_22 : memref<640x128xf32, #tpu.memory_space<hbm>>) target_semaphore(%run_scoped3A : memref<!tpu.dma_semaphore, #tpu.memory_space<semaphore_mem>>)
      %dma_wait3A_25 = arith.constant 0 : i32
      %dma_wait3A_26 = tpu.memref_slice %arg5[%add3A_21, %dma_wait3A_25] : memref<20480x128xf32, #tpu.memory_space<hbm>> -> memref<640x128xf32, #tpu.memory_space<hbm>>
      %dma_wait3A_27 = arith.constant 0 : i32
      %dma_wait3A_28 = tpu.memref_slice %arg9[%mul3A_16, %dma_wait3A_27] : memref<10240x128xf32, #tpu.memory_space<vmem_shared>> -> memref<640x128xf32, #tpu.memory_space<vmem_shared>>
      tpu.wait_dma2 semaphore(%run_scoped3A : memref<!tpu.dma_semaphore, #tpu.memory_space<semaphore_mem>>) src(%dma_wait3A_28 : memref<640x128xf32, #tpu.memory_space<vmem_shared>>) dst(%dma_wait3A_26 : memref<640x128xf32, #tpu.memory_space<hbm>>)
      tpu.yield
    }) : () -> ()
    return
  }
}

#map = affine_map<(d0, d1) -> (0, 0)>
#map1 = affine_map<(d0, d1) -> (0, 0, 0)>
module attributes {stable_mosaic.version = 14 : i64} {
  func.func @_sc_agg1(%arg0: i32, %arg1: i32, %arg2: memref<20480x128xf32, #tpu.memory_space<hbm>>, %arg3: memref<2560x2x128xi32, #tpu.memory_space<hbm>>, %arg4: memref<640x128xf32, #tpu.memory_space<hbm>>, %arg5: memref<20480x128xf32, #tpu.memory_space<hbm>>, %arg6: memref<2x128xi32, #tpu.memory_space<vmem>>, %arg7: memref<2x128xi32, #tpu.memory_space<vmem>>, %arg8: memref<2x128xi32, #tpu.memory_space<vmem>>, %arg9: memref<2x128xi32, #tpu.memory_space<vmem>>, %arg10: memref<2x128x128xf32, #tpu.memory_space<vmem>>, %arg11: memref<10240x128xf32, #tpu.memory_space<vmem_shared>>, %arg12: memref<!tpu.dma_semaphore, #tpu.memory_space<semaphore_mem>>, %arg13: memref<!tpu.dma_semaphore, #tpu.memory_space<semaphore_mem>>, %arg14: memref<!tpu.dma_semaphore, #tpu.memory_space<semaphore_mem>>, %arg15: memref<!tpu.dma_semaphore, #tpu.memory_space<semaphore_mem>>, %arg16: memref<!tpu.dma_semaphore, #tpu.memory_space<semaphore_mem>>, %arg17: memref<!tpu.dma_semaphore, #tpu.memory_space<semaphore_mem>>, %arg18: memref<!tpu.dma_semaphore, #tpu.memory_space<semaphore_mem>>, %arg19: memref<!tpu.dma_semaphore, #tpu.memory_space<semaphore_mem>>) attributes {dimension_semantics = [#tpu.dimension_semantics<core_parallel>, #tpu.dimension_semantics<subcore_parallel>], iteration_bounds = array<i64: 2, 16>, scalar_prefetch = 0 : i64, scratch_operands = 14 : i64, tpu.core_type = #tpu.core_type<sc_vector_subcore>, window_params = [{transform_indices = #map}, {transform_indices = #map1}, {transform_indices = #map}, {transform_indices = #map}]} {
    %mul3A = arith.constant 1280 : i32
    %mul3A_0 = arith.muli %arg0, %mul3A : i32
    %mul3A_1 = arith.constant 80 : i32
    %mul3A_2 = arith.muli %arg1, %mul3A_1 : i32
    %add3A = arith.addi %mul3A_0, %mul3A_2 : i32
    %mul3A_3 = arith.constant 640 : i32
    %mul3A_4 = arith.muli %arg1, %mul3A_3 : i32
    "tpu.region"() ({
      %run_scoped3A = tpu.sem_alloc : memref<!tpu.dma_semaphore, #tpu.memory_space<semaphore_mem>>
      %dma_start3A_91 = arith.constant 0 : i32
      %dma_start3A_92 = tpu.memref_slice %arg11[%mul3A_4, %dma_start3A_91] : memref<10240x128xf32, #tpu.memory_space<vmem_shared>> -> memref<640x128xf32, #tpu.memory_space<vmem_shared>>
      tpu.enqueue_dma source(%arg4 : memref<640x128xf32, #tpu.memory_space<hbm>>) target(%dma_start3A_92 : memref<640x128xf32, #tpu.memory_space<vmem_shared>>) target_semaphore(%run_scoped3A : memref<!tpu.dma_semaphore, #tpu.memory_space<semaphore_mem>>)
      %dma_wait3A_93 = arith.constant 0 : i32
      %dma_wait3A_94 = tpu.memref_slice %arg11[%mul3A_4, %dma_wait3A_93] : memref<10240x128xf32, #tpu.memory_space<vmem_shared>> -> memref<640x128xf32, #tpu.memory_space<vmem_shared>>
      tpu.wait_dma2 semaphore(%run_scoped3A : memref<!tpu.dma_semaphore, #tpu.memory_space<semaphore_mem>>) src(%arg4 : memref<640x128xf32, #tpu.memory_space<hbm>>) dst(%dma_wait3A_94 : memref<640x128xf32, #tpu.memory_space<vmem_shared>>)
      tpu.yield
    }) : () -> ()
    %barrier3A = arith.constant 0 : index
    tpu.barrier barrier_id(%barrier3A)
    %add3A_5 = arith.constant 0 : i32
    %add3A_6 = arith.addi %add3A, %add3A_5 : i32
    %dma_start3A = arith.constant 0 : i32
    %dma_start3A_7 = arith.constant 0 : i32
    %dma_start3A_8 = tpu.memref_slice %arg3[%add3A_6, %dma_start3A, %dma_start3A_7] : memref<2560x2x128xi32, #tpu.memory_space<hbm>> -> memref<1x2x128xi32, #tpu.memory_space<hbm>>
    %dma_start3A_9 = tpu.memref_squeeze %dma_start3A_8 : memref<1x2x128xi32, #tpu.memory_space<hbm>> -> memref<2x128xi32, #tpu.memory_space<hbm>>
    %dma_start3A_10 = arith.constant 0 : i32
    %dma_start3A_11 = arith.constant 0 : i32
    %dma_start3A_12 = tpu.memref_slice %arg3[%add3A_6, %dma_start3A_10, %dma_start3A_11] : memref<2560x2x128xi32, #tpu.memory_space<hbm>> -> memref<1x2x128xi32, #tpu.memory_space<hbm>>
    %dma_start3A_13 = tpu.memref_squeeze %dma_start3A_12 : memref<1x2x128xi32, #tpu.memory_space<hbm>> -> memref<2x128xi32, #tpu.memory_space<hbm>>
    tpu.enqueue_dma source(%dma_start3A_13 : memref<2x128xi32, #tpu.memory_space<hbm>>) target(%arg6 : memref<2x128xi32, #tpu.memory_space<vmem>>) target_semaphore(%arg12 : memref<!tpu.dma_semaphore, #tpu.memory_space<semaphore_mem>>)
    %add3A_14 = arith.constant 1 : i32
    %add3A_15 = arith.addi %add3A, %add3A_14 : i32
    %dma_start3A_16 = arith.constant 0 : i32
    %dma_start3A_17 = arith.constant 0 : i32
    %dma_start3A_18 = tpu.memref_slice %arg3[%add3A_15, %dma_start3A_16, %dma_start3A_17] : memref<2560x2x128xi32, #tpu.memory_space<hbm>> -> memref<1x2x128xi32, #tpu.memory_space<hbm>>
    %dma_start3A_19 = tpu.memref_squeeze %dma_start3A_18 : memref<1x2x128xi32, #tpu.memory_space<hbm>> -> memref<2x128xi32, #tpu.memory_space<hbm>>
    %dma_start3A_20 = arith.constant 0 : i32
    %dma_start3A_21 = arith.constant 0 : i32
    %dma_start3A_22 = tpu.memref_slice %arg3[%add3A_15, %dma_start3A_20, %dma_start3A_21] : memref<2560x2x128xi32, #tpu.memory_space<hbm>> -> memref<1x2x128xi32, #tpu.memory_space<hbm>>
    %dma_start3A_23 = tpu.memref_squeeze %dma_start3A_22 : memref<1x2x128xi32, #tpu.memory_space<hbm>> -> memref<2x128xi32, #tpu.memory_space<hbm>>
    tpu.enqueue_dma source(%dma_start3A_23 : memref<2x128xi32, #tpu.memory_space<hbm>>) target(%arg7 : memref<2x128xi32, #tpu.memory_space<vmem>>) target_semaphore(%arg13 : memref<!tpu.dma_semaphore, #tpu.memory_space<semaphore_mem>>)
    %dma_wait3A = arith.constant 0 : i32
    %dma_wait3A_24 = arith.constant 0 : i32
    %dma_wait3A_25 = tpu.memref_slice %arg3[%add3A, %dma_wait3A, %dma_wait3A_24] : memref<2560x2x128xi32, #tpu.memory_space<hbm>> -> memref<1x2x128xi32, #tpu.memory_space<hbm>>
    %dma_wait3A_26 = tpu.memref_squeeze %dma_wait3A_25 : memref<1x2x128xi32, #tpu.memory_space<hbm>> -> memref<2x128xi32, #tpu.memory_space<hbm>>
    %dma_wait3A_27 = arith.constant 0 : i32
    %dma_wait3A_28 = arith.constant 0 : i32
    %dma_wait3A_29 = tpu.memref_slice %arg3[%add3A, %dma_wait3A_27, %dma_wait3A_28] : memref<2560x2x128xi32, #tpu.memory_space<hbm>> -> memref<1x2x128xi32, #tpu.memory_space<hbm>>
    %dma_wait3A_30 = tpu.memref_squeeze %dma_wait3A_29 : memref<1x2x128xi32, #tpu.memory_space<hbm>> -> memref<2x128xi32, #tpu.memory_space<hbm>>
    tpu.wait_dma2 semaphore(%arg12 : memref<!tpu.dma_semaphore, #tpu.memory_space<semaphore_mem>>) src(%dma_wait3A_30 : memref<2x128xi32, #tpu.memory_space<hbm>>) dst(%arg6 : memref<2x128xi32, #tpu.memory_space<vmem>>)
    %dma_start3A_31 = arith.constant 0 : i32
    %dma_start3A_32 = arith.constant 0 : i32
    %dma_start3A_33 = arith.constant 0 : i32
    %dma_start3A_34 = arith.constant 0 : i32
    %dma_start3A_35 = tpu.memref_slice %arg10[%dma_start3A_32, %dma_start3A_33, %dma_start3A_34] : memref<2x128x128xf32, #tpu.memory_space<vmem>> -> memref<1x64x128xf32, #tpu.memory_space<vmem>>
    %dma_start3A_36 = tpu.memref_squeeze %dma_start3A_35 : memref<1x64x128xf32, #tpu.memory_space<vmem>> -> memref<64x128xf32, #tpu.memory_space<vmem>>
    %dma_start3A_37 = arith.constant 0 : i32
    %dma_start3A_38 = tpu.memref_slice %arg6[%dma_start3A_31, %dma_start3A_37] : memref<2x128xi32, #tpu.memory_space<vmem>> -> memref<1x64xi32, #tpu.memory_space<vmem>>
    %dma_start3A_39 = tpu.memref_squeeze %dma_start3A_38 : memref<1x64xi32, #tpu.memory_space<vmem>> -> memref<64xi32, #tpu.memory_space<vmem>>
    %dma_start3A_40 = arith.constant 0 : i32
    %dma_start3A_41 = arith.constant 0 : i32
    %dma_start3A_42 = tpu.memref_slice %arg2[%dma_start3A_40, %dma_start3A_41] : memref<20480x128xf32, #tpu.memory_space<hbm>> -> memref<20480x128xf32, #tpu.memory_space<hbm>>
    tpu.enqueue_indirect_dma source(%dma_start3A_42 : memref<20480x128xf32, #tpu.memory_space<hbm>>) target(%dma_start3A_36 : memref<64x128xf32, #tpu.memory_space<vmem>>) offsets(%dma_start3A_39 : memref<64xi32, #tpu.memory_space<vmem>>) semaphore(%arg16 : memref<!tpu.dma_semaphore, #tpu.memory_space<semaphore_mem>>)
    %dma_start3A_43 = arith.constant 0 : i32
    %dma_start3A_44 = arith.constant 0 : i32
    %dma_start3A_45 = arith.constant 64 : i32
    %dma_start3A_46 = arith.constant 0 : i32
    %dma_start3A_47 = tpu.memref_slice %arg10[%dma_start3A_44, %dma_start3A_45, %dma_start3A_46] : memref<2x128x128xf32, #tpu.memory_space<vmem>> -> memref<1x64x128xf32, #tpu.memory_space<vmem>>
    %dma_start3A_48 = tpu.memref_squeeze %dma_start3A_47 : memref<1x64x128xf32, #tpu.memory_space<vmem>> -> memref<64x128xf32, #tpu.memory_space<vmem>>
    %dma_start3A_49 = arith.constant 64 : i32
    %dma_start3A_50 = tpu.memref_slice %arg6[%dma_start3A_43, %dma_start3A_49] : memref<2x128xi32, #tpu.memory_space<vmem>> -> memref<1x64xi32, #tpu.memory_space<vmem>>
    %dma_start3A_51 = tpu.memref_squeeze %dma_start3A_50 : memref<1x64xi32, #tpu.memory_space<vmem>> -> memref<64xi32, #tpu.memory_space<vmem>>
    %dma_start3A_52 = arith.constant 0 : i32
    %dma_start3A_53 = arith.constant 0 : i32
    %dma_start3A_54 = tpu.memref_slice %arg2[%dma_start3A_52, %dma_start3A_53] : memref<20480x128xf32, #tpu.memory_space<hbm>> -> memref<20480x128xf32, #tpu.memory_space<hbm>>
    tpu.enqueue_indirect_dma source(%dma_start3A_54 : memref<20480x128xf32, #tpu.memory_space<hbm>>) target(%dma_start3A_48 : memref<64x128xf32, #tpu.memory_space<vmem>>) offsets(%dma_start3A_51 : memref<64xi32, #tpu.memory_space<vmem>>) semaphore(%arg16 : memref<!tpu.dma_semaphore, #tpu.memory_space<semaphore_mem>>)
    %scan3A = arith.constant 0 : i32
    %scan3A_55 = arith.constant 20 : i32
    %scan3A_56 = arith.addi %scan3A, %scan3A_55 : i32
    %scan3A_57 = arith.constant 1 : i32
    scf.for %scan3A_91 = %scan3A to %scan3A_56 step %scan3A_57  : i32 {
      %mul3A_92 = arith.constant 4 : i32
      %mul3A_93 = arith.muli %scan3A_91, %mul3A_92 : i32
      %add3A_94 = arith.constant 0 : i32
      %add3A_95 = arith.addi %add3A_94, %mul3A_93 : i32
      %add3A_96 = arith.constant 0 : i32
      %add3A_97 = arith.addi %add3A_95, %add3A_96 : i32
      %add3A_98 = arith.constant 2 : i32
      %add3A_99 = arith.addi %add3A_97, %add3A_98 : i32
      %lt3A = arith.constant 80 : i32
      %lt3A_100 = arith.cmpi slt, %add3A_99, %lt3A : i32
      %convert_element_type3A = arith.extui %lt3A_100 : i1 to i32
      %cond3A = arith.constant 0 : i32
      %cond3A_101 = arith.cmpi ne, %convert_element_type3A, %cond3A : i32
      scf.if %cond3A_101 {
        %add3A_253 = arith.constant 2 : i32
        %add3A_254 = arith.addi %add3A_97, %add3A_253 : i32
        %add3A_255 = arith.addi %add3A, %add3A_254 : i32
        %dma_start3A_256 = arith.constant 0 : i32
        %dma_start3A_257 = arith.constant 0 : i32
        %dma_start3A_258 = tpu.memref_slice %arg3[%add3A_255, %dma_start3A_256, %dma_start3A_257] : memref<2560x2x128xi32, #tpu.memory_space<hbm>> -> memref<1x2x128xi32, #tpu.memory_space<hbm>>
        %dma_start3A_259 = tpu.memref_squeeze %dma_start3A_258 : memref<1x2x128xi32, #tpu.memory_space<hbm>> -> memref<2x128xi32, #tpu.memory_space<hbm>>
        %dma_start3A_260 = arith.constant 0 : i32
        %dma_start3A_261 = arith.constant 0 : i32
        %dma_start3A_262 = tpu.memref_slice %arg3[%add3A_255, %dma_start3A_260, %dma_start3A_261] : memref<2560x2x128xi32, #tpu.memory_space<hbm>> -> memref<1x2x128xi32, #tpu.memory_space<hbm>>
        %dma_start3A_263 = tpu.memref_squeeze %dma_start3A_262 : memref<1x2x128xi32, #tpu.memory_space<hbm>> -> memref<2x128xi32, #tpu.memory_space<hbm>>
        tpu.enqueue_dma source(%dma_start3A_263 : memref<2x128xi32, #tpu.memory_space<hbm>>) target(%arg8 : memref<2x128xi32, #tpu.memory_space<vmem>>) target_semaphore(%arg14 : memref<!tpu.dma_semaphore, #tpu.memory_space<semaphore_mem>>)
      } else {
      }
      %add3A_102 = arith.constant 1 : i32
      %add3A_103 = arith.addi %add3A_97, %add3A_102 : i32
      %lt3A_104 = arith.constant 80 : i32
      %lt3A_105 = arith.cmpi slt, %add3A_103, %lt3A_104 : i32
      %convert_element_type3A_106 = arith.extui %lt3A_105 : i1 to i32
      %cond3A_107 = arith.constant 0 : i32
      %cond3A_108 = arith.cmpi ne, %convert_element_type3A_106, %cond3A_107 : i32
      scf.if %cond3A_108 {
        %ge3A = arith.constant 1 : i32
        %ge3A_253 = arith.cmpi sge, %add3A_97, %ge3A : i32
        %convert_element_type3A_254 = arith.extui %ge3A_253 : i1 to i32
        %cond3A_255 = arith.constant 0 : i32
        %cond3A_256 = arith.cmpi ne, %convert_element_type3A_254, %cond3A_255 : i32
        scf.if %cond3A_256 {
          %dma_wait3A_291 = arith.constant 1 : i32
          %dma_wait3A_292 = arith.constant 1 : i32
          %dma_wait3A_293 = arith.constant 0 : i32
          %dma_wait3A_294 = arith.constant 0 : i32
          %dma_wait3A_295 = tpu.memref_slice %arg10[%dma_wait3A_291, %dma_wait3A_293, %dma_wait3A_294] : memref<2x128x128xf32, #tpu.memory_space<vmem>> -> memref<1x128x128xf32, #tpu.memory_space<vmem>>
          %dma_wait3A_296 = tpu.memref_squeeze %dma_wait3A_295 : memref<1x128x128xf32, #tpu.memory_space<vmem>> -> memref<128x128xf32, #tpu.memory_space<vmem>>
          %dma_wait3A_297 = arith.constant 0 : i32
          %dma_wait3A_298 = tpu.memref_slice %arg7[%dma_wait3A_292, %dma_wait3A_297] : memref<2x128xi32, #tpu.memory_space<vmem>> -> memref<1x128xi32, #tpu.memory_space<vmem>>
          %dma_wait3A_299 = tpu.memref_squeeze %dma_wait3A_298 : memref<1x128xi32, #tpu.memory_space<vmem>> -> memref<128xi32, #tpu.memory_space<vmem>>
          %dma_wait3A_300 = arith.constant 0 : i32
          %dma_wait3A_301 = arith.constant 0 : i32
          %dma_wait3A_302 = tpu.memref_slice %arg11[%dma_wait3A_300, %dma_wait3A_301] : memref<10240x128xf32, #tpu.memory_space<vmem_shared>> -> memref<10240x128xf32, #tpu.memory_space<vmem_shared>>
          tpu.wait_indirect_dma semaphore(%arg19 : memref<!tpu.dma_semaphore, #tpu.memory_space<semaphore_mem>>) src(%dma_wait3A_296 : memref<128x128xf32, #tpu.memory_space<vmem>>) dst(%dma_wait3A_302 : memref<10240x128xf32, #tpu.memory_space<vmem_shared>>)
        } else {
        }
        %dma_wait3A_257 = arith.constant 0 : i32
        %dma_wait3A_258 = arith.constant 0 : i32
        %dma_wait3A_259 = tpu.memref_slice %arg3[%add3A, %dma_wait3A_257, %dma_wait3A_258] : memref<2560x2x128xi32, #tpu.memory_space<hbm>> -> memref<1x2x128xi32, #tpu.memory_space<hbm>>
        %dma_wait3A_260 = tpu.memref_squeeze %dma_wait3A_259 : memref<1x2x128xi32, #tpu.memory_space<hbm>> -> memref<2x128xi32, #tpu.memory_space<hbm>>
        %dma_wait3A_261 = arith.constant 0 : i32
        %dma_wait3A_262 = arith.constant 0 : i32
        %dma_wait3A_263 = tpu.memref_slice %arg3[%add3A, %dma_wait3A_261, %dma_wait3A_262] : memref<2560x2x128xi32, #tpu.memory_space<hbm>> -> memref<1x2x128xi32, #tpu.memory_space<hbm>>
        %dma_wait3A_264 = tpu.memref_squeeze %dma_wait3A_263 : memref<1x2x128xi32, #tpu.memory_space<hbm>> -> memref<2x128xi32, #tpu.memory_space<hbm>>
        tpu.wait_dma2 semaphore(%arg13 : memref<!tpu.dma_semaphore, #tpu.memory_space<semaphore_mem>>) src(%dma_wait3A_264 : memref<2x128xi32, #tpu.memory_space<hbm>>) dst(%arg7 : memref<2x128xi32, #tpu.memory_space<vmem>>)
        %add3A_265 = arith.constant 1 : i32
        %add3A_266 = arith.addi %add3A_97, %add3A_265 : i32
        %dma_start3A_267 = arith.constant 0 : i32
        %dma_start3A_268 = arith.constant 1 : i32
        %dma_start3A_269 = arith.constant 0 : i32
        %dma_start3A_270 = arith.constant 0 : i32
        %dma_start3A_271 = tpu.memref_slice %arg10[%dma_start3A_268, %dma_start3A_269, %dma_start3A_270] : memref<2x128x128xf32, #tpu.memory_space<vmem>> -> memref<1x64x128xf32, #tpu.memory_space<vmem>>
        %dma_start3A_272 = tpu.memref_squeeze %dma_start3A_271 : memref<1x64x128xf32, #tpu.memory_space<vmem>> -> memref<64x128xf32, #tpu.memory_space<vmem>>
        %dma_start3A_273 = arith.constant 0 : i32
        %dma_start3A_274 = tpu.memref_slice %arg7[%dma_start3A_267, %dma_start3A_273] : memref<2x128xi32, #tpu.memory_space<vmem>> -> memref<1x64xi32, #tpu.memory_space<vmem>>
        %dma_start3A_275 = tpu.memref_squeeze %dma_start3A_274 : memref<1x64xi32, #tpu.memory_space<vmem>> -> memref<64xi32, #tpu.memory_space<vmem>>
        %dma_start3A_276 = arith.constant 0 : i32
        %dma_start3A_277 = arith.constant 0 : i32
        %dma_start3A_278 = tpu.memref_slice %arg2[%dma_start3A_276, %dma_start3A_277] : memref<20480x128xf32, #tpu.memory_space<hbm>> -> memref<20480x128xf32, #tpu.memory_space<hbm>>
        tpu.enqueue_indirect_dma source(%dma_start3A_278 : memref<20480x128xf32, #tpu.memory_space<hbm>>) target(%dma_start3A_272 : memref<64x128xf32, #tpu.memory_space<vmem>>) offsets(%dma_start3A_275 : memref<64xi32, #tpu.memory_space<vmem>>) semaphore(%arg17 : memref<!tpu.dma_semaphore, #tpu.memory_space<semaphore_mem>>)
        %dma_start3A_279 = arith.constant 0 : i32
        %dma_start3A_280 = arith.constant 1 : i32
        %dma_start3A_281 = arith.constant 64 : i32
        %dma_start3A_282 = arith.constant 0 : i32
        %dma_start3A_283 = tpu.memref_slice %arg10[%dma_start3A_280, %dma_start3A_281, %dma_start3A_282] : memref<2x128x128xf32, #tpu.memory_space<vmem>> -> memref<1x64x128xf32, #tpu.memory_space<vmem>>
        %dma_start3A_284 = tpu.memref_squeeze %dma_start3A_283 : memref<1x64x128xf32, #tpu.memory_space<vmem>> -> memref<64x128xf32, #tpu.memory_space<vmem>>
        %dma_start3A_285 = arith.constant 64 : i32
        %dma_start3A_286 = tpu.memref_slice %arg7[%dma_start3A_279, %dma_start3A_285] : memref<2x128xi32, #tpu.memory_space<vmem>> -> memref<1x64xi32, #tpu.memory_space<vmem>>
        %dma_start3A_287 = tpu.memref_squeeze %dma_start3A_286 : memref<1x64xi32, #tpu.memory_space<vmem>> -> memref<64xi32, #tpu.memory_space<vmem>>
        %dma_start3A_288 = arith.constant 0 : i32
        %dma_start3A_289 = arith.constant 0 : i32
        %dma_start3A_290 = tpu.memref_slice %arg2[%dma_start3A_288, %dma_start3A_289] : memref<20480x128xf32, #tpu.memory_space<hbm>> -> memref<20480x128xf32, #tpu.memory_space<hbm>>
        tpu.enqueue_indirect_dma source(%dma_start3A_290 : memref<20480x128xf32, #tpu.memory_space<hbm>>) target(%dma_start3A_284 : memref<64x128xf32, #tpu.memory_space<vmem>>) offsets(%dma_start3A_287 : memref<64xi32, #tpu.memory_space<vmem>>) semaphore(%arg17 : memref<!tpu.dma_semaphore, #tpu.memory_space<semaphore_mem>>)
      } else {
      }
      %dma_wait3A_109 = arith.constant 0 : i32
      %dma_wait3A_110 = arith.constant 0 : i32
      %dma_wait3A_111 = arith.constant 0 : i32
      %dma_wait3A_112 = arith.constant 0 : i32
      %dma_wait3A_113 = tpu.memref_slice %arg10[%dma_wait3A_110, %dma_wait3A_111, %dma_wait3A_112] : memref<2x128x128xf32, #tpu.memory_space<vmem>> -> memref<1x128x128xf32, #tpu.memory_space<vmem>>
      %dma_wait3A_114 = tpu.memref_squeeze %dma_wait3A_113 : memref<1x128x128xf32, #tpu.memory_space<vmem>> -> memref<128x128xf32, #tpu.memory_space<vmem>>
      %dma_wait3A_115 = arith.constant 0 : i32
      %dma_wait3A_116 = tpu.memref_slice %arg6[%dma_wait3A_109, %dma_wait3A_115] : memref<2x128xi32, #tpu.memory_space<vmem>> -> memref<1x128xi32, #tpu.memory_space<vmem>>
      %dma_wait3A_117 = tpu.memref_squeeze %dma_wait3A_116 : memref<1x128xi32, #tpu.memory_space<vmem>> -> memref<128xi32, #tpu.memory_space<vmem>>
      %dma_wait3A_118 = arith.constant 0 : i32
      %dma_wait3A_119 = arith.constant 0 : i32
      %dma_wait3A_120 = tpu.memref_slice %arg2[%dma_wait3A_118, %dma_wait3A_119] : memref<20480x128xf32, #tpu.memory_space<hbm>> -> memref<20480x128xf32, #tpu.memory_space<hbm>>
      tpu.wait_indirect_dma semaphore(%arg16 : memref<!tpu.dma_semaphore, #tpu.memory_space<semaphore_mem>>) src(%dma_wait3A_120 : memref<20480x128xf32, #tpu.memory_space<hbm>>) dst(%dma_wait3A_114 : memref<128x128xf32, #tpu.memory_space<vmem>>)
      %dma_start3A_121 = arith.constant 0 : i32
      %dma_start3A_122 = arith.constant 1 : i32
      %dma_start3A_123 = arith.constant 0 : i32
      %dma_start3A_124 = arith.constant 0 : i32
      %dma_start3A_125 = tpu.memref_slice %arg10[%dma_start3A_121, %dma_start3A_123, %dma_start3A_124] : memref<2x128x128xf32, #tpu.memory_space<vmem>> -> memref<1x128x128xf32, #tpu.memory_space<vmem>>
      %dma_start3A_126 = tpu.memref_squeeze %dma_start3A_125 : memref<1x128x128xf32, #tpu.memory_space<vmem>> -> memref<128x128xf32, #tpu.memory_space<vmem>>
      %dma_start3A_127 = arith.constant 0 : i32
      %dma_start3A_128 = tpu.memref_slice %arg6[%dma_start3A_122, %dma_start3A_127] : memref<2x128xi32, #tpu.memory_space<vmem>> -> memref<1x128xi32, #tpu.memory_space<vmem>>
      %dma_start3A_129 = tpu.memref_squeeze %dma_start3A_128 : memref<1x128xi32, #tpu.memory_space<vmem>> -> memref<128xi32, #tpu.memory_space<vmem>>
      %dma_start3A_130 = arith.constant 0 : i32
      %dma_start3A_131 = arith.constant 0 : i32
      %dma_start3A_132 = tpu.memref_slice %arg11[%dma_start3A_130, %dma_start3A_131] : memref<10240x128xf32, #tpu.memory_space<vmem_shared>> -> memref<10240x128xf32, #tpu.memory_space<vmem_shared>>
      tpu.enqueue_indirect_dma source(%dma_start3A_126 : memref<128x128xf32, #tpu.memory_space<vmem>>) target(%dma_start3A_132 : memref<10240x128xf32, #tpu.memory_space<vmem_shared>>) offsets(%dma_start3A_129 : memref<128xi32, #tpu.memory_space<vmem>>) semaphore(%arg18 : memref<!tpu.dma_semaphore, #tpu.memory_space<semaphore_mem>>) {add = true}
      %add3A_133 = arith.constant 1 : i32
      %add3A_134 = arith.addi %add3A_95, %add3A_133 : i32
      %add3A_135 = arith.constant 2 : i32
      %add3A_136 = arith.addi %add3A_134, %add3A_135 : i32
      %lt3A_137 = arith.constant 80 : i32
      %lt3A_138 = arith.cmpi slt, %add3A_136, %lt3A_137 : i32
      %convert_element_type3A_139 = arith.extui %lt3A_138 : i1 to i32
      %cond3A_140 = arith.constant 0 : i32
      %cond3A_141 = arith.cmpi ne, %convert_element_type3A_139, %cond3A_140 : i32
      scf.if %cond3A_141 {
        %add3A_253 = arith.constant 2 : i32
        %add3A_254 = arith.addi %add3A_134, %add3A_253 : i32
        %add3A_255 = arith.addi %add3A, %add3A_254 : i32
        %dma_start3A_256 = arith.constant 0 : i32
        %dma_start3A_257 = arith.constant 0 : i32
        %dma_start3A_258 = tpu.memref_slice %arg3[%add3A_255, %dma_start3A_256, %dma_start3A_257] : memref<2560x2x128xi32, #tpu.memory_space<hbm>> -> memref<1x2x128xi32, #tpu.memory_space<hbm>>
        %dma_start3A_259 = tpu.memref_squeeze %dma_start3A_258 : memref<1x2x128xi32, #tpu.memory_space<hbm>> -> memref<2x128xi32, #tpu.memory_space<hbm>>
        %dma_start3A_260 = arith.constant 0 : i32
        %dma_start3A_261 = arith.constant 0 : i32
        %dma_start3A_262 = tpu.memref_slice %arg3[%add3A_255, %dma_start3A_260, %dma_start3A_261] : memref<2560x2x128xi32, #tpu.memory_space<hbm>> -> memref<1x2x128xi32, #tpu.memory_space<hbm>>
        %dma_start3A_263 = tpu.memref_squeeze %dma_start3A_262 : memref<1x2x128xi32, #tpu.memory_space<hbm>> -> memref<2x128xi32, #tpu.memory_space<hbm>>
        tpu.enqueue_dma source(%dma_start3A_263 : memref<2x128xi32, #tpu.memory_space<hbm>>) target(%arg9 : memref<2x128xi32, #tpu.memory_space<vmem>>) target_semaphore(%arg15 : memref<!tpu.dma_semaphore, #tpu.memory_space<semaphore_mem>>)
      } else {
      }
      %add3A_142 = arith.constant 1 : i32
      %add3A_143 = arith.addi %add3A_134, %add3A_142 : i32
      %lt3A_144 = arith.constant 80 : i32
      %lt3A_145 = arith.cmpi slt, %add3A_143, %lt3A_144 : i32
      %convert_element_type3A_146 = arith.extui %lt3A_145 : i1 to i32
      %cond3A_147 = arith.constant 0 : i32
      %cond3A_148 = arith.cmpi ne, %convert_element_type3A_146, %cond3A_147 : i32
      scf.if %cond3A_148 {
        %ge3A = arith.constant 1 : i32
        %ge3A_253 = arith.cmpi sge, %add3A_134, %ge3A : i32
        %convert_element_type3A_254 = arith.extui %ge3A_253 : i1 to i32
        %cond3A_255 = arith.constant 0 : i32
        %cond3A_256 = arith.cmpi ne, %convert_element_type3A_254, %cond3A_255 : i32
        scf.if %cond3A_256 {
          %dma_wait3A_291 = arith.constant 0 : i32
          %dma_wait3A_292 = arith.constant 1 : i32
          %dma_wait3A_293 = arith.constant 0 : i32
          %dma_wait3A_294 = arith.constant 0 : i32
          %dma_wait3A_295 = tpu.memref_slice %arg10[%dma_wait3A_291, %dma_wait3A_293, %dma_wait3A_294] : memref<2x128x128xf32, #tpu.memory_space<vmem>> -> memref<1x128x128xf32, #tpu.memory_space<vmem>>
          %dma_wait3A_296 = tpu.memref_squeeze %dma_wait3A_295 : memref<1x128x128xf32, #tpu.memory_space<vmem>> -> memref<128x128xf32, #tpu.memory_space<vmem>>
          %dma_wait3A_297 = arith.constant 0 : i32
          %dma_wait3A_298 = tpu.memref_slice %arg8[%dma_wait3A_292, %dma_wait3A_297] : memref<2x128xi32, #tpu.memory_space<vmem>> -> memref<1x128xi32, #tpu.memory_space<vmem>>
          %dma_wait3A_299 = tpu.memref_squeeze %dma_wait3A_298 : memref<1x128xi32, #tpu.memory_space<vmem>> -> memref<128xi32, #tpu.memory_space<vmem>>
          %dma_wait3A_300 = arith.constant 0 : i32
          %dma_wait3A_301 = arith.constant 0 : i32
          %dma_wait3A_302 = tpu.memref_slice %arg11[%dma_wait3A_300, %dma_wait3A_301] : memref<10240x128xf32, #tpu.memory_space<vmem_shared>> -> memref<10240x128xf32, #tpu.memory_space<vmem_shared>>
          tpu.wait_indirect_dma semaphore(%arg18 : memref<!tpu.dma_semaphore, #tpu.memory_space<semaphore_mem>>) src(%dma_wait3A_296 : memref<128x128xf32, #tpu.memory_space<vmem>>) dst(%dma_wait3A_302 : memref<10240x128xf32, #tpu.memory_space<vmem_shared>>)
        } else {
        }
        %dma_wait3A_257 = arith.constant 0 : i32
        %dma_wait3A_258 = arith.constant 0 : i32
        %dma_wait3A_259 = tpu.memref_slice %arg3[%add3A, %dma_wait3A_257, %dma_wait3A_258] : memref<2560x2x128xi32, #tpu.memory_space<hbm>> -> memref<1x2x128xi32, #tpu.memory_space<hbm>>
        %dma_wait3A_260 = tpu.memref_squeeze %dma_wait3A_259 : memref<1x2x128xi32, #tpu.memory_space<hbm>> -> memref<2x128xi32, #tpu.memory_space<hbm>>
        %dma_wait3A_261 = arith.constant 0 : i32
        %dma_wait3A_262 = arith.constant 0 : i32
        %dma_wait3A_263 = tpu.memref_slice %arg3[%add3A, %dma_wait3A_261, %dma_wait3A_262] : memref<2560x2x128xi32, #tpu.memory_space<hbm>> -> memref<1x2x128xi32, #tpu.memory_space<hbm>>
        %dma_wait3A_264 = tpu.memref_squeeze %dma_wait3A_263 : memref<1x2x128xi32, #tpu.memory_space<hbm>> -> memref<2x128xi32, #tpu.memory_space<hbm>>
        tpu.wait_dma2 semaphore(%arg14 : memref<!tpu.dma_semaphore, #tpu.memory_space<semaphore_mem>>) src(%dma_wait3A_264 : memref<2x128xi32, #tpu.memory_space<hbm>>) dst(%arg8 : memref<2x128xi32, #tpu.memory_space<vmem>>)
        %add3A_265 = arith.constant 1 : i32
        %add3A_266 = arith.addi %add3A_134, %add3A_265 : i32
        %dma_start3A_267 = arith.constant 0 : i32
        %dma_start3A_268 = arith.constant 0 : i32
        %dma_start3A_269 = arith.constant 0 : i32
        %dma_start3A_270 = arith.constant 0 : i32
        %dma_start3A_271 = tpu.memref_slice %arg10[%dma_start3A_268, %dma_start3A_269, %dma_start3A_270] : memref<2x128x128xf32, #tpu.memory_space<vmem>> -> memref<1x64x128xf32, #tpu.memory_space<vmem>>
        %dma_start3A_272 = tpu.memref_squeeze %dma_start3A_271 : memref<1x64x128xf32, #tpu.memory_space<vmem>> -> memref<64x128xf32, #tpu.memory_space<vmem>>
        %dma_start3A_273 = arith.constant 0 : i32
        %dma_start3A_274 = tpu.memref_slice %arg8[%dma_start3A_267, %dma_start3A_273] : memref<2x128xi32, #tpu.memory_space<vmem>> -> memref<1x64xi32, #tpu.memory_space<vmem>>
        %dma_start3A_275 = tpu.memref_squeeze %dma_start3A_274 : memref<1x64xi32, #tpu.memory_space<vmem>> -> memref<64xi32, #tpu.memory_space<vmem>>
        %dma_start3A_276 = arith.constant 0 : i32
        %dma_start3A_277 = arith.constant 0 : i32
        %dma_start3A_278 = tpu.memref_slice %arg2[%dma_start3A_276, %dma_start3A_277] : memref<20480x128xf32, #tpu.memory_space<hbm>> -> memref<20480x128xf32, #tpu.memory_space<hbm>>
        tpu.enqueue_indirect_dma source(%dma_start3A_278 : memref<20480x128xf32, #tpu.memory_space<hbm>>) target(%dma_start3A_272 : memref<64x128xf32, #tpu.memory_space<vmem>>) offsets(%dma_start3A_275 : memref<64xi32, #tpu.memory_space<vmem>>) semaphore(%arg16 : memref<!tpu.dma_semaphore, #tpu.memory_space<semaphore_mem>>)
        %dma_start3A_279 = arith.constant 0 : i32
        %dma_start3A_280 = arith.constant 0 : i32
        %dma_start3A_281 = arith.constant 64 : i32
        %dma_start3A_282 = arith.constant 0 : i32
        %dma_start3A_283 = tpu.memref_slice %arg10[%dma_start3A_280, %dma_start3A_281, %dma_start3A_282] : memref<2x128x128xf32, #tpu.memory_space<vmem>> -> memref<1x64x128xf32, #tpu.memory_space<vmem>>
        %dma_start3A_284 = tpu.memref_squeeze %dma_start3A_283 : memref<1x64x128xf32, #tpu.memory_space<vmem>> -> memref<64x128xf32, #tpu.memory_space<vmem>>
        %dma_start3A_285 = arith.constant 64 : i32
        %dma_start3A_286 = tpu.memref_slice %arg8[%dma_start3A_279, %dma_start3A_285] : memref<2x128xi32, #tpu.memory_space<vmem>> -> memref<1x64xi32, #tpu.memory_space<vmem>>
        %dma_start3A_287 = tpu.memref_squeeze %dma_start3A_286 : memref<1x64xi32, #tpu.memory_space<vmem>> -> memref<64xi32, #tpu.memory_space<vmem>>
        %dma_start3A_288 = arith.constant 0 : i32
        %dma_start3A_289 = arith.constant 0 : i32
        %dma_start3A_290 = tpu.memref_slice %arg2[%dma_start3A_288, %dma_start3A_289] : memref<20480x128xf32, #tpu.memory_space<hbm>> -> memref<20480x128xf32, #tpu.memory_space<hbm>>
        tpu.enqueue_indirect_dma source(%dma_start3A_290 : memref<20480x128xf32, #tpu.memory_space<hbm>>) target(%dma_start3A_284 : memref<64x128xf32, #tpu.memory_space<vmem>>) offsets(%dma_start3A_287 : memref<64xi32, #tpu.memory_space<vmem>>) semaphore(%arg16 : memref<!tpu.dma_semaphore, #tpu.memory_space<semaphore_mem>>)
      } else {
      }
      %dma_wait3A_149 = arith.constant 0 : i32
      %dma_wait3A_150 = arith.constant 1 : i32
      %dma_wait3A_151 = arith.constant 0 : i32
      %dma_wait3A_152 = arith.constant 0 : i32
      %dma_wait3A_153 = tpu.memref_slice %arg10[%dma_wait3A_150, %dma_wait3A_151, %dma_wait3A_152] : memref<2x128x128xf32, #tpu.memory_space<vmem>> -> memref<1x128x128xf32, #tpu.memory_space<vmem>>
      %dma_wait3A_154 = tpu.memref_squeeze %dma_wait3A_153 : memref<1x128x128xf32, #tpu.memory_space<vmem>> -> memref<128x128xf32, #tpu.memory_space<vmem>>
      %dma_wait3A_155 = arith.constant 0 : i32
      %dma_wait3A_156 = tpu.memref_slice %arg7[%dma_wait3A_149, %dma_wait3A_155] : memref<2x128xi32, #tpu.memory_space<vmem>> -> memref<1x128xi32, #tpu.memory_space<vmem>>
      %dma_wait3A_157 = tpu.memref_squeeze %dma_wait3A_156 : memref<1x128xi32, #tpu.memory_space<vmem>> -> memref<128xi32, #tpu.memory_space<vmem>>
      %dma_wait3A_158 = arith.constant 0 : i32
      %dma_wait3A_159 = arith.constant 0 : i32
      %dma_wait3A_160 = tpu.memref_slice %arg2[%dma_wait3A_158, %dma_wait3A_159] : memref<20480x128xf32, #tpu.memory_space<hbm>> -> memref<20480x128xf32, #tpu.memory_space<hbm>>
      tpu.wait_indirect_dma semaphore(%arg17 : memref<!tpu.dma_semaphore, #tpu.memory_space<semaphore_mem>>) src(%dma_wait3A_160 : memref<20480x128xf32, #tpu.memory_space<hbm>>) dst(%dma_wait3A_154 : memref<128x128xf32, #tpu.memory_space<vmem>>)
      %dma_start3A_161 = arith.constant 1 : i32
      %dma_start3A_162 = arith.constant 1 : i32
      %dma_start3A_163 = arith.constant 0 : i32
      %dma_start3A_164 = arith.constant 0 : i32
      %dma_start3A_165 = tpu.memref_slice %arg10[%dma_start3A_161, %dma_start3A_163, %dma_start3A_164] : memref<2x128x128xf32, #tpu.memory_space<vmem>> -> memref<1x128x128xf32, #tpu.memory_space<vmem>>
      %dma_start3A_166 = tpu.memref_squeeze %dma_start3A_165 : memref<1x128x128xf32, #tpu.memory_space<vmem>> -> memref<128x128xf32, #tpu.memory_space<vmem>>
      %dma_start3A_167 = arith.constant 0 : i32
      %dma_start3A_168 = tpu.memref_slice %arg7[%dma_start3A_162, %dma_start3A_167] : memref<2x128xi32, #tpu.memory_space<vmem>> -> memref<1x128xi32, #tpu.memory_space<vmem>>
      %dma_start3A_169 = tpu.memref_squeeze %dma_start3A_168 : memref<1x128xi32, #tpu.memory_space<vmem>> -> memref<128xi32, #tpu.memory_space<vmem>>
      %dma_start3A_170 = arith.constant 0 : i32
      %dma_start3A_171 = arith.constant 0 : i32
      %dma_start3A_172 = tpu.memref_slice %arg11[%dma_start3A_170, %dma_start3A_171] : memref<10240x128xf32, #tpu.memory_space<vmem_shared>> -> memref<10240x128xf32, #tpu.memory_space<vmem_shared>>
      tpu.enqueue_indirect_dma source(%dma_start3A_166 : memref<128x128xf32, #tpu.memory_space<vmem>>) target(%dma_start3A_172 : memref<10240x128xf32, #tpu.memory_space<vmem_shared>>) offsets(%dma_start3A_169 : memref<128xi32, #tpu.memory_space<vmem>>) semaphore(%arg19 : memref<!tpu.dma_semaphore, #tpu.memory_space<semaphore_mem>>) {add = true}
      %add3A_173 = arith.constant 2 : i32
      %add3A_174 = arith.addi %add3A_95, %add3A_173 : i32
      %add3A_175 = arith.constant 2 : i32
      %add3A_176 = arith.addi %add3A_174, %add3A_175 : i32
      %lt3A_177 = arith.constant 80 : i32
      %lt3A_178 = arith.cmpi slt, %add3A_176, %lt3A_177 : i32
      %convert_element_type3A_179 = arith.extui %lt3A_178 : i1 to i32
      %cond3A_180 = arith.constant 0 : i32
      %cond3A_181 = arith.cmpi ne, %convert_element_type3A_179, %cond3A_180 : i32
      scf.if %cond3A_181 {
        %add3A_253 = arith.constant 2 : i32
        %add3A_254 = arith.addi %add3A_174, %add3A_253 : i32
        %add3A_255 = arith.addi %add3A, %add3A_254 : i32
        %dma_start3A_256 = arith.constant 0 : i32
        %dma_start3A_257 = arith.constant 0 : i32
        %dma_start3A_258 = tpu.memref_slice %arg3[%add3A_255, %dma_start3A_256, %dma_start3A_257] : memref<2560x2x128xi32, #tpu.memory_space<hbm>> -> memref<1x2x128xi32, #tpu.memory_space<hbm>>
        %dma_start3A_259 = tpu.memref_squeeze %dma_start3A_258 : memref<1x2x128xi32, #tpu.memory_space<hbm>> -> memref<2x128xi32, #tpu.memory_space<hbm>>
        %dma_start3A_260 = arith.constant 0 : i32
        %dma_start3A_261 = arith.constant 0 : i32
        %dma_start3A_262 = tpu.memref_slice %arg3[%add3A_255, %dma_start3A_260, %dma_start3A_261] : memref<2560x2x128xi32, #tpu.memory_space<hbm>> -> memref<1x2x128xi32, #tpu.memory_space<hbm>>
        %dma_start3A_263 = tpu.memref_squeeze %dma_start3A_262 : memref<1x2x128xi32, #tpu.memory_space<hbm>> -> memref<2x128xi32, #tpu.memory_space<hbm>>
        tpu.enqueue_dma source(%dma_start3A_263 : memref<2x128xi32, #tpu.memory_space<hbm>>) target(%arg6 : memref<2x128xi32, #tpu.memory_space<vmem>>) target_semaphore(%arg12 : memref<!tpu.dma_semaphore, #tpu.memory_space<semaphore_mem>>)
      } else {
      }
      %add3A_182 = arith.constant 1 : i32
      %add3A_183 = arith.addi %add3A_174, %add3A_182 : i32
      %lt3A_184 = arith.constant 80 : i32
      %lt3A_185 = arith.cmpi slt, %add3A_183, %lt3A_184 : i32
      %convert_element_type3A_186 = arith.extui %lt3A_185 : i1 to i32
      %cond3A_187 = arith.constant 0 : i32
      %cond3A_188 = arith.cmpi ne, %convert_element_type3A_186, %cond3A_187 : i32
      scf.if %cond3A_188 {
        %ge3A = arith.constant 1 : i32
        %ge3A_253 = arith.cmpi sge, %add3A_174, %ge3A : i32
        %convert_element_type3A_254 = arith.extui %ge3A_253 : i1 to i32
        %cond3A_255 = arith.constant 0 : i32
        %cond3A_256 = arith.cmpi ne, %convert_element_type3A_254, %cond3A_255 : i32
        scf.if %cond3A_256 {
          %dma_wait3A_291 = arith.constant 1 : i32
          %dma_wait3A_292 = arith.constant 1 : i32
          %dma_wait3A_293 = arith.constant 0 : i32
          %dma_wait3A_294 = arith.constant 0 : i32
          %dma_wait3A_295 = tpu.memref_slice %arg10[%dma_wait3A_291, %dma_wait3A_293, %dma_wait3A_294] : memref<2x128x128xf32, #tpu.memory_space<vmem>> -> memref<1x128x128xf32, #tpu.memory_space<vmem>>
          %dma_wait3A_296 = tpu.memref_squeeze %dma_wait3A_295 : memref<1x128x128xf32, #tpu.memory_space<vmem>> -> memref<128x128xf32, #tpu.memory_space<vmem>>
          %dma_wait3A_297 = arith.constant 0 : i32
          %dma_wait3A_298 = tpu.memref_slice %arg9[%dma_wait3A_292, %dma_wait3A_297] : memref<2x128xi32, #tpu.memory_space<vmem>> -> memref<1x128xi32, #tpu.memory_space<vmem>>
          %dma_wait3A_299 = tpu.memref_squeeze %dma_wait3A_298 : memref<1x128xi32, #tpu.memory_space<vmem>> -> memref<128xi32, #tpu.memory_space<vmem>>
          %dma_wait3A_300 = arith.constant 0 : i32
          %dma_wait3A_301 = arith.constant 0 : i32
          %dma_wait3A_302 = tpu.memref_slice %arg11[%dma_wait3A_300, %dma_wait3A_301] : memref<10240x128xf32, #tpu.memory_space<vmem_shared>> -> memref<10240x128xf32, #tpu.memory_space<vmem_shared>>
          tpu.wait_indirect_dma semaphore(%arg19 : memref<!tpu.dma_semaphore, #tpu.memory_space<semaphore_mem>>) src(%dma_wait3A_296 : memref<128x128xf32, #tpu.memory_space<vmem>>) dst(%dma_wait3A_302 : memref<10240x128xf32, #tpu.memory_space<vmem_shared>>)
        } else {
        }
        %dma_wait3A_257 = arith.constant 0 : i32
        %dma_wait3A_258 = arith.constant 0 : i32
        %dma_wait3A_259 = tpu.memref_slice %arg3[%add3A, %dma_wait3A_257, %dma_wait3A_258] : memref<2560x2x128xi32, #tpu.memory_space<hbm>> -> memref<1x2x128xi32, #tpu.memory_space<hbm>>
        %dma_wait3A_260 = tpu.memref_squeeze %dma_wait3A_259 : memref<1x2x128xi32, #tpu.memory_space<hbm>> -> memref<2x128xi32, #tpu.memory_space<hbm>>
        %dma_wait3A_261 = arith.constant 0 : i32
        %dma_wait3A_262 = arith.constant 0 : i32
        %dma_wait3A_263 = tpu.memref_slice %arg3[%add3A, %dma_wait3A_261, %dma_wait3A_262] : memref<2560x2x128xi32, #tpu.memory_space<hbm>> -> memref<1x2x128xi32, #tpu.memory_space<hbm>>
        %dma_wait3A_264 = tpu.memref_squeeze %dma_wait3A_263 : memref<1x2x128xi32, #tpu.memory_space<hbm>> -> memref<2x128xi32, #tpu.memory_space<hbm>>
        tpu.wait_dma2 semaphore(%arg15 : memref<!tpu.dma_semaphore, #tpu.memory_space<semaphore_mem>>) src(%dma_wait3A_264 : memref<2x128xi32, #tpu.memory_space<hbm>>) dst(%arg9 : memref<2x128xi32, #tpu.memory_space<vmem>>)
        %add3A_265 = arith.constant 1 : i32
        %add3A_266 = arith.addi %add3A_174, %add3A_265 : i32
        %dma_start3A_267 = arith.constant 0 : i32
        %dma_start3A_268 = arith.constant 1 : i32
        %dma_start3A_269 = arith.constant 0 : i32
        %dma_start3A_270 = arith.constant 0 : i32
        %dma_start3A_271 = tpu.memref_slice %arg10[%dma_start3A_268, %dma_start3A_269, %dma_start3A_270] : memref<2x128x128xf32, #tpu.memory_space<vmem>> -> memref<1x64x128xf32, #tpu.memory_space<vmem>>
        %dma_start3A_272 = tpu.memref_squeeze %dma_start3A_271 : memref<1x64x128xf32, #tpu.memory_space<vmem>> -> memref<64x128xf32, #tpu.memory_space<vmem>>
        %dma_start3A_273 = arith.constant 0 : i32
        %dma_start3A_274 = tpu.memref_slice %arg9[%dma_start3A_267, %dma_start3A_273] : memref<2x128xi32, #tpu.memory_space<vmem>> -> memref<1x64xi32, #tpu.memory_space<vmem>>
        %dma_start3A_275 = tpu.memref_squeeze %dma_start3A_274 : memref<1x64xi32, #tpu.memory_space<vmem>> -> memref<64xi32, #tpu.memory_space<vmem>>
        %dma_start3A_276 = arith.constant 0 : i32
        %dma_start3A_277 = arith.constant 0 : i32
        %dma_start3A_278 = tpu.memref_slice %arg2[%dma_start3A_276, %dma_start3A_277] : memref<20480x128xf32, #tpu.memory_space<hbm>> -> memref<20480x128xf32, #tpu.memory_space<hbm>>
        tpu.enqueue_indirect_dma source(%dma_start3A_278 : memref<20480x128xf32, #tpu.memory_space<hbm>>) target(%dma_start3A_272 : memref<64x128xf32, #tpu.memory_space<vmem>>) offsets(%dma_start3A_275 : memref<64xi32, #tpu.memory_space<vmem>>) semaphore(%arg17 : memref<!tpu.dma_semaphore, #tpu.memory_space<semaphore_mem>>)
        %dma_start3A_279 = arith.constant 0 : i32
        %dma_start3A_280 = arith.constant 1 : i32
        %dma_start3A_281 = arith.constant 64 : i32
        %dma_start3A_282 = arith.constant 0 : i32
        %dma_start3A_283 = tpu.memref_slice %arg10[%dma_start3A_280, %dma_start3A_281, %dma_start3A_282] : memref<2x128x128xf32, #tpu.memory_space<vmem>> -> memref<1x64x128xf32, #tpu.memory_space<vmem>>
        %dma_start3A_284 = tpu.memref_squeeze %dma_start3A_283 : memref<1x64x128xf32, #tpu.memory_space<vmem>> -> memref<64x128xf32, #tpu.memory_space<vmem>>
        %dma_start3A_285 = arith.constant 64 : i32
        %dma_start3A_286 = tpu.memref_slice %arg9[%dma_start3A_279, %dma_start3A_285] : memref<2x128xi32, #tpu.memory_space<vmem>> -> memref<1x64xi32, #tpu.memory_space<vmem>>
        %dma_start3A_287 = tpu.memref_squeeze %dma_start3A_286 : memref<1x64xi32, #tpu.memory_space<vmem>> -> memref<64xi32, #tpu.memory_space<vmem>>
        %dma_start3A_288 = arith.constant 0 : i32
        %dma_start3A_289 = arith.constant 0 : i32
        %dma_start3A_290 = tpu.memref_slice %arg2[%dma_start3A_288, %dma_start3A_289] : memref<20480x128xf32, #tpu.memory_space<hbm>> -> memref<20480x128xf32, #tpu.memory_space<hbm>>
        tpu.enqueue_indirect_dma source(%dma_start3A_290 : memref<20480x128xf32, #tpu.memory_space<hbm>>) target(%dma_start3A_284 : memref<64x128xf32, #tpu.memory_space<vmem>>) offsets(%dma_start3A_287 : memref<64xi32, #tpu.memory_space<vmem>>) semaphore(%arg17 : memref<!tpu.dma_semaphore, #tpu.memory_space<semaphore_mem>>)
      } else {
      }
      %dma_wait3A_189 = arith.constant 0 : i32
      %dma_wait3A_190 = arith.constant 0 : i32
      %dma_wait3A_191 = arith.constant 0 : i32
      %dma_wait3A_192 = arith.constant 0 : i32
      %dma_wait3A_193 = tpu.memref_slice %arg10[%dma_wait3A_190, %dma_wait3A_191, %dma_wait3A_192] : memref<2x128x128xf32, #tpu.memory_space<vmem>> -> memref<1x128x128xf32, #tpu.memory_space<vmem>>
      %dma_wait3A_194 = tpu.memref_squeeze %dma_wait3A_193 : memref<1x128x128xf32, #tpu.memory_space<vmem>> -> memref<128x128xf32, #tpu.memory_space<vmem>>
      %dma_wait3A_195 = arith.constant 0 : i32
      %dma_wait3A_196 = tpu.memref_slice %arg8[%dma_wait3A_189, %dma_wait3A_195] : memref<2x128xi32, #tpu.memory_space<vmem>> -> memref<1x128xi32, #tpu.memory_space<vmem>>
      %dma_wait3A_197 = tpu.memref_squeeze %dma_wait3A_196 : memref<1x128xi32, #tpu.memory_space<vmem>> -> memref<128xi32, #tpu.memory_space<vmem>>
      %dma_wait3A_198 = arith.constant 0 : i32
      %dma_wait3A_199 = arith.constant 0 : i32
      %dma_wait3A_200 = tpu.memref_slice %arg2[%dma_wait3A_198, %dma_wait3A_199] : memref<20480x128xf32, #tpu.memory_space<hbm>> -> memref<20480x128xf32, #tpu.memory_space<hbm>>
      tpu.wait_indirect_dma semaphore(%arg16 : memref<!tpu.dma_semaphore, #tpu.memory_space<semaphore_mem>>) src(%dma_wait3A_200 : memref<20480x128xf32, #tpu.memory_space<hbm>>) dst(%dma_wait3A_194 : memref<128x128xf32, #tpu.memory_space<vmem>>)
      %dma_start3A_201 = arith.constant 0 : i32
      %dma_start3A_202 = arith.constant 1 : i32
      %dma_start3A_203 = arith.constant 0 : i32
      %dma_start3A_204 = arith.constant 0 : i32
      %dma_start3A_205 = tpu.memref_slice %arg10[%dma_start3A_201, %dma_start3A_203, %dma_start3A_204] : memref<2x128x128xf32, #tpu.memory_space<vmem>> -> memref<1x128x128xf32, #tpu.memory_space<vmem>>
      %dma_start3A_206 = tpu.memref_squeeze %dma_start3A_205 : memref<1x128x128xf32, #tpu.memory_space<vmem>> -> memref<128x128xf32, #tpu.memory_space<vmem>>
      %dma_start3A_207 = arith.constant 0 : i32
      %dma_start3A_208 = tpu.memref_slice %arg8[%dma_start3A_202, %dma_start3A_207] : memref<2x128xi32, #tpu.memory_space<vmem>> -> memref<1x128xi32, #tpu.memory_space<vmem>>
      %dma_start3A_209 = tpu.memref_squeeze %dma_start3A_208 : memref<1x128xi32, #tpu.memory_space<vmem>> -> memref<128xi32, #tpu.memory_space<vmem>>
      %dma_start3A_210 = arith.constant 0 : i32
      %dma_start3A_211 = arith.constant 0 : i32
      %dma_start3A_212 = tpu.memref_slice %arg11[%dma_start3A_210, %dma_start3A_211] : memref<10240x128xf32, #tpu.memory_space<vmem_shared>> -> memref<10240x128xf32, #tpu.memory_space<vmem_shared>>
      tpu.enqueue_indirect_dma source(%dma_start3A_206 : memref<128x128xf32, #tpu.memory_space<vmem>>) target(%dma_start3A_212 : memref<10240x128xf32, #tpu.memory_space<vmem_shared>>) offsets(%dma_start3A_209 : memref<128xi32, #tpu.memory_space<vmem>>) semaphore(%arg18 : memref<!tpu.dma_semaphore, #tpu.memory_space<semaphore_mem>>) {add = true}
      %add3A_213 = arith.constant 3 : i32
      %add3A_214 = arith.addi %add3A_95, %add3A_213 : i32
      %add3A_215 = arith.constant 2 : i32
      %add3A_216 = arith.addi %add3A_214, %add3A_215 : i32
      %lt3A_217 = arith.constant 80 : i32
      %lt3A_218 = arith.cmpi slt, %add3A_216, %lt3A_217 : i32
      %convert_element_type3A_219 = arith.extui %lt3A_218 : i1 to i32
      %cond3A_220 = arith.constant 0 : i32
      %cond3A_221 = arith.cmpi ne, %convert_element_type3A_219, %cond3A_220 : i32
      scf.if %cond3A_221 {
        %add3A_253 = arith.constant 2 : i32
        %add3A_254 = arith.addi %add3A_214, %add3A_253 : i32
        %add3A_255 = arith.addi %add3A, %add3A_254 : i32
        %dma_start3A_256 = arith.constant 0 : i32
        %dma_start3A_257 = arith.constant 0 : i32
        %dma_start3A_258 = tpu.memref_slice %arg3[%add3A_255, %dma_start3A_256, %dma_start3A_257] : memref<2560x2x128xi32, #tpu.memory_space<hbm>> -> memref<1x2x128xi32, #tpu.memory_space<hbm>>
        %dma_start3A_259 = tpu.memref_squeeze %dma_start3A_258 : memref<1x2x128xi32, #tpu.memory_space<hbm>> -> memref<2x128xi32, #tpu.memory_space<hbm>>
        %dma_start3A_260 = arith.constant 0 : i32
        %dma_start3A_261 = arith.constant 0 : i32
        %dma_start3A_262 = tpu.memref_slice %arg3[%add3A_255, %dma_start3A_260, %dma_start3A_261] : memref<2560x2x128xi32, #tpu.memory_space<hbm>> -> memref<1x2x128xi32, #tpu.memory_space<hbm>>
        %dma_start3A_263 = tpu.memref_squeeze %dma_start3A_262 : memref<1x2x128xi32, #tpu.memory_space<hbm>> -> memref<2x128xi32, #tpu.memory_space<hbm>>
        tpu.enqueue_dma source(%dma_start3A_263 : memref<2x128xi32, #tpu.memory_space<hbm>>) target(%arg7 : memref<2x128xi32, #tpu.memory_space<vmem>>) target_semaphore(%arg13 : memref<!tpu.dma_semaphore, #tpu.memory_space<semaphore_mem>>)
      } else {
      }
      %add3A_222 = arith.constant 1 : i32
      %add3A_223 = arith.addi %add3A_214, %add3A_222 : i32
      %lt3A_224 = arith.constant 80 : i32
      %lt3A_225 = arith.cmpi slt, %add3A_223, %lt3A_224 : i32
      %convert_element_type3A_226 = arith.extui %lt3A_225 : i1 to i32
      %cond3A_227 = arith.constant 0 : i32
      %cond3A_228 = arith.cmpi ne, %convert_element_type3A_226, %cond3A_227 : i32
      scf.if %cond3A_228 {
        %ge3A = arith.constant 1 : i32
        %ge3A_253 = arith.cmpi sge, %add3A_214, %ge3A : i32
        %convert_element_type3A_254 = arith.extui %ge3A_253 : i1 to i32
        %cond3A_255 = arith.constant 0 : i32
        %cond3A_256 = arith.cmpi ne, %convert_element_type3A_254, %cond3A_255 : i32
        scf.if %cond3A_256 {
          %dma_wait3A_291 = arith.constant 0 : i32
          %dma_wait3A_292 = arith.constant 1 : i32
          %dma_wait3A_293 = arith.constant 0 : i32
          %dma_wait3A_294 = arith.constant 0 : i32
          %dma_wait3A_295 = tpu.memref_slice %arg10[%dma_wait3A_291, %dma_wait3A_293, %dma_wait3A_294] : memref<2x128x128xf32, #tpu.memory_space<vmem>> -> memref<1x128x128xf32, #tpu.memory_space<vmem>>
          %dma_wait3A_296 = tpu.memref_squeeze %dma_wait3A_295 : memref<1x128x128xf32, #tpu.memory_space<vmem>> -> memref<128x128xf32, #tpu.memory_space<vmem>>
          %dma_wait3A_297 = arith.constant 0 : i32
          %dma_wait3A_298 = tpu.memref_slice %arg6[%dma_wait3A_292, %dma_wait3A_297] : memref<2x128xi32, #tpu.memory_space<vmem>> -> memref<1x128xi32, #tpu.memory_space<vmem>>
          %dma_wait3A_299 = tpu.memref_squeeze %dma_wait3A_298 : memref<1x128xi32, #tpu.memory_space<vmem>> -> memref<128xi32, #tpu.memory_space<vmem>>
          %dma_wait3A_300 = arith.constant 0 : i32
          %dma_wait3A_301 = arith.constant 0 : i32
          %dma_wait3A_302 = tpu.memref_slice %arg11[%dma_wait3A_300, %dma_wait3A_301] : memref<10240x128xf32, #tpu.memory_space<vmem_shared>> -> memref<10240x128xf32, #tpu.memory_space<vmem_shared>>
          tpu.wait_indirect_dma semaphore(%arg18 : memref<!tpu.dma_semaphore, #tpu.memory_space<semaphore_mem>>) src(%dma_wait3A_296 : memref<128x128xf32, #tpu.memory_space<vmem>>) dst(%dma_wait3A_302 : memref<10240x128xf32, #tpu.memory_space<vmem_shared>>)
        } else {
        }
        %dma_wait3A_257 = arith.constant 0 : i32
        %dma_wait3A_258 = arith.constant 0 : i32
        %dma_wait3A_259 = tpu.memref_slice %arg3[%add3A, %dma_wait3A_257, %dma_wait3A_258] : memref<2560x2x128xi32, #tpu.memory_space<hbm>> -> memref<1x2x128xi32, #tpu.memory_space<hbm>>
        %dma_wait3A_260 = tpu.memref_squeeze %dma_wait3A_259 : memref<1x2x128xi32, #tpu.memory_space<hbm>> -> memref<2x128xi32, #tpu.memory_space<hbm>>
        %dma_wait3A_261 = arith.constant 0 : i32
        %dma_wait3A_262 = arith.constant 0 : i32
        %dma_wait3A_263 = tpu.memref_slice %arg3[%add3A, %dma_wait3A_261, %dma_wait3A_262] : memref<2560x2x128xi32, #tpu.memory_space<hbm>> -> memref<1x2x128xi32, #tpu.memory_space<hbm>>
        %dma_wait3A_264 = tpu.memref_squeeze %dma_wait3A_263 : memref<1x2x128xi32, #tpu.memory_space<hbm>> -> memref<2x128xi32, #tpu.memory_space<hbm>>
        tpu.wait_dma2 semaphore(%arg12 : memref<!tpu.dma_semaphore, #tpu.memory_space<semaphore_mem>>) src(%dma_wait3A_264 : memref<2x128xi32, #tpu.memory_space<hbm>>) dst(%arg6 : memref<2x128xi32, #tpu.memory_space<vmem>>)
        %add3A_265 = arith.constant 1 : i32
        %add3A_266 = arith.addi %add3A_214, %add3A_265 : i32
        %dma_start3A_267 = arith.constant 0 : i32
        %dma_start3A_268 = arith.constant 0 : i32
        %dma_start3A_269 = arith.constant 0 : i32
        %dma_start3A_270 = arith.constant 0 : i32
        %dma_start3A_271 = tpu.memref_slice %arg10[%dma_start3A_268, %dma_start3A_269, %dma_start3A_270] : memref<2x128x128xf32, #tpu.memory_space<vmem>> -> memref<1x64x128xf32, #tpu.memory_space<vmem>>
        %dma_start3A_272 = tpu.memref_squeeze %dma_start3A_271 : memref<1x64x128xf32, #tpu.memory_space<vmem>> -> memref<64x128xf32, #tpu.memory_space<vmem>>
        %dma_start3A_273 = arith.constant 0 : i32
        %dma_start3A_274 = tpu.memref_slice %arg6[%dma_start3A_267, %dma_start3A_273] : memref<2x128xi32, #tpu.memory_space<vmem>> -> memref<1x64xi32, #tpu.memory_space<vmem>>
        %dma_start3A_275 = tpu.memref_squeeze %dma_start3A_274 : memref<1x64xi32, #tpu.memory_space<vmem>> -> memref<64xi32, #tpu.memory_space<vmem>>
        %dma_start3A_276 = arith.constant 0 : i32
        %dma_start3A_277 = arith.constant 0 : i32
        %dma_start3A_278 = tpu.memref_slice %arg2[%dma_start3A_276, %dma_start3A_277] : memref<20480x128xf32, #tpu.memory_space<hbm>> -> memref<20480x128xf32, #tpu.memory_space<hbm>>
        tpu.enqueue_indirect_dma source(%dma_start3A_278 : memref<20480x128xf32, #tpu.memory_space<hbm>>) target(%dma_start3A_272 : memref<64x128xf32, #tpu.memory_space<vmem>>) offsets(%dma_start3A_275 : memref<64xi32, #tpu.memory_space<vmem>>) semaphore(%arg16 : memref<!tpu.dma_semaphore, #tpu.memory_space<semaphore_mem>>)
        %dma_start3A_279 = arith.constant 0 : i32
        %dma_start3A_280 = arith.constant 0 : i32
        %dma_start3A_281 = arith.constant 64 : i32
        %dma_start3A_282 = arith.constant 0 : i32
        %dma_start3A_283 = tpu.memref_slice %arg10[%dma_start3A_280, %dma_start3A_281, %dma_start3A_282] : memref<2x128x128xf32, #tpu.memory_space<vmem>> -> memref<1x64x128xf32, #tpu.memory_space<vmem>>
        %dma_start3A_284 = tpu.memref_squeeze %dma_start3A_283 : memref<1x64x128xf32, #tpu.memory_space<vmem>> -> memref<64x128xf32, #tpu.memory_space<vmem>>
        %dma_start3A_285 = arith.constant 64 : i32
        %dma_start3A_286 = tpu.memref_slice %arg6[%dma_start3A_279, %dma_start3A_285] : memref<2x128xi32, #tpu.memory_space<vmem>> -> memref<1x64xi32, #tpu.memory_space<vmem>>
        %dma_start3A_287 = tpu.memref_squeeze %dma_start3A_286 : memref<1x64xi32, #tpu.memory_space<vmem>> -> memref<64xi32, #tpu.memory_space<vmem>>
        %dma_start3A_288 = arith.constant 0 : i32
        %dma_start3A_289 = arith.constant 0 : i32
        %dma_start3A_290 = tpu.memref_slice %arg2[%dma_start3A_288, %dma_start3A_289] : memref<20480x128xf32, #tpu.memory_space<hbm>> -> memref<20480x128xf32, #tpu.memory_space<hbm>>
        tpu.enqueue_indirect_dma source(%dma_start3A_290 : memref<20480x128xf32, #tpu.memory_space<hbm>>) target(%dma_start3A_284 : memref<64x128xf32, #tpu.memory_space<vmem>>) offsets(%dma_start3A_287 : memref<64xi32, #tpu.memory_space<vmem>>) semaphore(%arg16 : memref<!tpu.dma_semaphore, #tpu.memory_space<semaphore_mem>>)
      } else {
      }
      %dma_wait3A_229 = arith.constant 0 : i32
      %dma_wait3A_230 = arith.constant 1 : i32
      %dma_wait3A_231 = arith.constant 0 : i32
      %dma_wait3A_232 = arith.constant 0 : i32
      %dma_wait3A_233 = tpu.memref_slice %arg10[%dma_wait3A_230, %dma_wait3A_231, %dma_wait3A_232] : memref<2x128x128xf32, #tpu.memory_space<vmem>> -> memref<1x128x128xf32, #tpu.memory_space<vmem>>
      %dma_wait3A_234 = tpu.memref_squeeze %dma_wait3A_233 : memref<1x128x128xf32, #tpu.memory_space<vmem>> -> memref<128x128xf32, #tpu.memory_space<vmem>>
      %dma_wait3A_235 = arith.constant 0 : i32
      %dma_wait3A_236 = tpu.memref_slice %arg9[%dma_wait3A_229, %dma_wait3A_235] : memref<2x128xi32, #tpu.memory_space<vmem>> -> memref<1x128xi32, #tpu.memory_space<vmem>>
      %dma_wait3A_237 = tpu.memref_squeeze %dma_wait3A_236 : memref<1x128xi32, #tpu.memory_space<vmem>> -> memref<128xi32, #tpu.memory_space<vmem>>
      %dma_wait3A_238 = arith.constant 0 : i32
      %dma_wait3A_239 = arith.constant 0 : i32
      %dma_wait3A_240 = tpu.memref_slice %arg2[%dma_wait3A_238, %dma_wait3A_239] : memref<20480x128xf32, #tpu.memory_space<hbm>> -> memref<20480x128xf32, #tpu.memory_space<hbm>>
      tpu.wait_indirect_dma semaphore(%arg17 : memref<!tpu.dma_semaphore, #tpu.memory_space<semaphore_mem>>) src(%dma_wait3A_240 : memref<20480x128xf32, #tpu.memory_space<hbm>>) dst(%dma_wait3A_234 : memref<128x128xf32, #tpu.memory_space<vmem>>)
      %dma_start3A_241 = arith.constant 1 : i32
      %dma_start3A_242 = arith.constant 1 : i32
      %dma_start3A_243 = arith.constant 0 : i32
      %dma_start3A_244 = arith.constant 0 : i32
      %dma_start3A_245 = tpu.memref_slice %arg10[%dma_start3A_241, %dma_start3A_243, %dma_start3A_244] : memref<2x128x128xf32, #tpu.memory_space<vmem>> -> memref<1x128x128xf32, #tpu.memory_space<vmem>>
      %dma_start3A_246 = tpu.memref_squeeze %dma_start3A_245 : memref<1x128x128xf32, #tpu.memory_space<vmem>> -> memref<128x128xf32, #tpu.memory_space<vmem>>
      %dma_start3A_247 = arith.constant 0 : i32
      %dma_start3A_248 = tpu.memref_slice %arg9[%dma_start3A_242, %dma_start3A_247] : memref<2x128xi32, #tpu.memory_space<vmem>> -> memref<1x128xi32, #tpu.memory_space<vmem>>
      %dma_start3A_249 = tpu.memref_squeeze %dma_start3A_248 : memref<1x128xi32, #tpu.memory_space<vmem>> -> memref<128xi32, #tpu.memory_space<vmem>>
      %dma_start3A_250 = arith.constant 0 : i32
      %dma_start3A_251 = arith.constant 0 : i32
      %dma_start3A_252 = tpu.memref_slice %arg11[%dma_start3A_250, %dma_start3A_251] : memref<10240x128xf32, #tpu.memory_space<vmem_shared>> -> memref<10240x128xf32, #tpu.memory_space<vmem_shared>>
      tpu.enqueue_indirect_dma source(%dma_start3A_246 : memref<128x128xf32, #tpu.memory_space<vmem>>) target(%dma_start3A_252 : memref<10240x128xf32, #tpu.memory_space<vmem_shared>>) offsets(%dma_start3A_249 : memref<128xi32, #tpu.memory_space<vmem>>) semaphore(%arg19 : memref<!tpu.dma_semaphore, #tpu.memory_space<semaphore_mem>>) {add = true}
    }
    %scan3A_58 = arith.constant 20 : i32
    %dma_wait3A_59 = arith.constant 0 : i32
    %dma_wait3A_60 = arith.constant 1 : i32
    %dma_wait3A_61 = arith.constant 0 : i32
    %dma_wait3A_62 = arith.constant 0 : i32
    %dma_wait3A_63 = tpu.memref_slice %arg10[%dma_wait3A_59, %dma_wait3A_61, %dma_wait3A_62] : memref<2x128x128xf32, #tpu.memory_space<vmem>> -> memref<1x128x128xf32, #tpu.memory_space<vmem>>
    %dma_wait3A_64 = tpu.memref_squeeze %dma_wait3A_63 : memref<1x128x128xf32, #tpu.memory_space<vmem>> -> memref<128x128xf32, #tpu.memory_space<vmem>>
    %dma_wait3A_65 = arith.constant 0 : i32
    %dma_wait3A_66 = tpu.memref_slice %arg8[%dma_wait3A_60, %dma_wait3A_65] : memref<2x128xi32, #tpu.memory_space<vmem>> -> memref<1x128xi32, #tpu.memory_space<vmem>>
    %dma_wait3A_67 = tpu.memref_squeeze %dma_wait3A_66 : memref<1x128xi32, #tpu.memory_space<vmem>> -> memref<128xi32, #tpu.memory_space<vmem>>
    %dma_wait3A_68 = arith.constant 0 : i32
    %dma_wait3A_69 = arith.constant 0 : i32
    %dma_wait3A_70 = tpu.memref_slice %arg11[%dma_wait3A_68, %dma_wait3A_69] : memref<10240x128xf32, #tpu.memory_space<vmem_shared>> -> memref<10240x128xf32, #tpu.memory_space<vmem_shared>>
    tpu.wait_indirect_dma semaphore(%arg18 : memref<!tpu.dma_semaphore, #tpu.memory_space<semaphore_mem>>) src(%dma_wait3A_64 : memref<128x128xf32, #tpu.memory_space<vmem>>) dst(%dma_wait3A_70 : memref<10240x128xf32, #tpu.memory_space<vmem_shared>>)
    %dma_wait3A_71 = arith.constant 1 : i32
    %dma_wait3A_72 = arith.constant 1 : i32
    %dma_wait3A_73 = arith.constant 0 : i32
    %dma_wait3A_74 = arith.constant 0 : i32
    %dma_wait3A_75 = tpu.memref_slice %arg10[%dma_wait3A_71, %dma_wait3A_73, %dma_wait3A_74] : memref<2x128x128xf32, #tpu.memory_space<vmem>> -> memref<1x128x128xf32, #tpu.memory_space<vmem>>
    %dma_wait3A_76 = tpu.memref_squeeze %dma_wait3A_75 : memref<1x128x128xf32, #tpu.memory_space<vmem>> -> memref<128x128xf32, #tpu.memory_space<vmem>>
    %dma_wait3A_77 = arith.constant 0 : i32
    %dma_wait3A_78 = tpu.memref_slice %arg9[%dma_wait3A_72, %dma_wait3A_77] : memref<2x128xi32, #tpu.memory_space<vmem>> -> memref<1x128xi32, #tpu.memory_space<vmem>>
    %dma_wait3A_79 = tpu.memref_squeeze %dma_wait3A_78 : memref<1x128xi32, #tpu.memory_space<vmem>> -> memref<128xi32, #tpu.memory_space<vmem>>
    %dma_wait3A_80 = arith.constant 0 : i32
    %dma_wait3A_81 = arith.constant 0 : i32
    %dma_wait3A_82 = tpu.memref_slice %arg11[%dma_wait3A_80, %dma_wait3A_81] : memref<10240x128xf32, #tpu.memory_space<vmem_shared>> -> memref<10240x128xf32, #tpu.memory_space<vmem_shared>>
    tpu.wait_indirect_dma semaphore(%arg19 : memref<!tpu.dma_semaphore, #tpu.memory_space<semaphore_mem>>) src(%dma_wait3A_76 : memref<128x128xf32, #tpu.memory_space<vmem>>) dst(%dma_wait3A_82 : memref<10240x128xf32, #tpu.memory_space<vmem_shared>>)
    %barrier3A_83 = arith.constant 0 : index
    tpu.barrier barrier_id(%barrier3A_83)
    %mul3A_84 = arith.constant 640 : i32
    %mul3A_85 = arith.muli %arg1, %mul3A_84 : i32
    %mul3A_86 = arith.constant 10240 : i32
    %mul3A_87 = arith.muli %arg0, %mul3A_86 : i32
    %mul3A_88 = arith.constant 640 : i32
    %mul3A_89 = arith.muli %arg1, %mul3A_88 : i32
    %add3A_90 = arith.addi %mul3A_87, %mul3A_89 : i32
    "tpu.region"() ({
      %run_scoped3A = tpu.sem_alloc : memref<!tpu.dma_semaphore, #tpu.memory_space<semaphore_mem>>
      %dma_start3A_91 = arith.constant 0 : i32
      %dma_start3A_92 = tpu.memref_slice %arg5[%add3A_90, %dma_start3A_91] : memref<20480x128xf32, #tpu.memory_space<hbm>> -> memref<640x128xf32, #tpu.memory_space<hbm>>
      %dma_start3A_93 = arith.constant 0 : i32
      %dma_start3A_94 = tpu.memref_slice %arg11[%mul3A_85, %dma_start3A_93] : memref<10240x128xf32, #tpu.memory_space<vmem_shared>> -> memref<640x128xf32, #tpu.memory_space<vmem_shared>>
      tpu.enqueue_dma source(%dma_start3A_94 : memref<640x128xf32, #tpu.memory_space<vmem_shared>>) target(%dma_start3A_92 : memref<640x128xf32, #tpu.memory_space<hbm>>) target_semaphore(%run_scoped3A : memref<!tpu.dma_semaphore, #tpu.memory_space<semaphore_mem>>)
      %dma_wait3A_95 = arith.constant 0 : i32
      %dma_wait3A_96 = tpu.memref_slice %arg5[%add3A_90, %dma_wait3A_95] : memref<20480x128xf32, #tpu.memory_space<hbm>> -> memref<640x128xf32, #tpu.memory_space<hbm>>
      %dma_wait3A_97 = arith.constant 0 : i32
      %dma_wait3A_98 = tpu.memref_slice %arg11[%mul3A_85, %dma_wait3A_97] : memref<10240x128xf32, #tpu.memory_space<vmem_shared>> -> memref<640x128xf32, #tpu.memory_space<vmem_shared>>
      tpu.wait_dma2 semaphore(%run_scoped3A : memref<!tpu.dma_semaphore, #tpu.memory_space<semaphore_mem>>) src(%dma_wait3A_98 : memref<640x128xf32, #tpu.memory_space<vmem_shared>>) dst(%dma_wait3A_96 : memref<640x128xf32, #tpu.memory_space<hbm>>)
      tpu.yield
    }) : () -> ()
    return
  }
}

#map = affine_map<(d0, d1) -> (0, 0)>
#map1 = affine_map<(d0, d1) -> (0, 0, 0)>
module attributes {stable_mosaic.version = 14 : i64} {
  func.func @_sc_agg2(%arg0: i32, %arg1: i32, %arg2: memref<10240x128xf32, #tpu.memory_space<hbm>>, %arg3: memref<1280x2x128xi32, #tpu.memory_space<hbm>>, %arg4: memref<640x128xf32, #tpu.memory_space<hbm>>, %arg5: memref<20480x128xf32, #tpu.memory_space<hbm>>, %arg6: memref<2x128xi32, #tpu.memory_space<vmem>>, %arg7: memref<2x128xi32, #tpu.memory_space<vmem>>, %arg8: memref<2x128xi32, #tpu.memory_space<vmem>>, %arg9: memref<2x128xi32, #tpu.memory_space<vmem>>, %arg10: memref<2x128x128xf32, #tpu.memory_space<vmem>>, %arg11: memref<10240x128xf32, #tpu.memory_space<vmem_shared>>, %arg12: memref<!tpu.dma_semaphore, #tpu.memory_space<semaphore_mem>>, %arg13: memref<!tpu.dma_semaphore, #tpu.memory_space<semaphore_mem>>, %arg14: memref<!tpu.dma_semaphore, #tpu.memory_space<semaphore_mem>>, %arg15: memref<!tpu.dma_semaphore, #tpu.memory_space<semaphore_mem>>, %arg16: memref<!tpu.dma_semaphore, #tpu.memory_space<semaphore_mem>>, %arg17: memref<!tpu.dma_semaphore, #tpu.memory_space<semaphore_mem>>, %arg18: memref<!tpu.dma_semaphore, #tpu.memory_space<semaphore_mem>>, %arg19: memref<!tpu.dma_semaphore, #tpu.memory_space<semaphore_mem>>) attributes {dimension_semantics = [#tpu.dimension_semantics<core_parallel>, #tpu.dimension_semantics<subcore_parallel>], iteration_bounds = array<i64: 2, 16>, scalar_prefetch = 0 : i64, scratch_operands = 14 : i64, tpu.core_type = #tpu.core_type<sc_vector_subcore>, window_params = [{transform_indices = #map}, {transform_indices = #map1}, {transform_indices = #map}, {transform_indices = #map}]} {
    %mul3A = arith.constant 640 : i32
    %mul3A_0 = arith.muli %arg0, %mul3A : i32
    %mul3A_1 = arith.constant 40 : i32
    %mul3A_2 = arith.muli %arg1, %mul3A_1 : i32
    %add3A = arith.addi %mul3A_0, %mul3A_2 : i32
    %mul3A_3 = arith.constant 640 : i32
    %mul3A_4 = arith.muli %arg1, %mul3A_3 : i32
    "tpu.region"() ({
      %run_scoped3A = tpu.sem_alloc : memref<!tpu.dma_semaphore, #tpu.memory_space<semaphore_mem>>
      %dma_start3A_91 = arith.constant 0 : i32
      %dma_start3A_92 = tpu.memref_slice %arg11[%mul3A_4, %dma_start3A_91] : memref<10240x128xf32, #tpu.memory_space<vmem_shared>> -> memref<640x128xf32, #tpu.memory_space<vmem_shared>>
      tpu.enqueue_dma source(%arg4 : memref<640x128xf32, #tpu.memory_space<hbm>>) target(%dma_start3A_92 : memref<640x128xf32, #tpu.memory_space<vmem_shared>>) target_semaphore(%run_scoped3A : memref<!tpu.dma_semaphore, #tpu.memory_space<semaphore_mem>>)
      %dma_wait3A_93 = arith.constant 0 : i32
      %dma_wait3A_94 = tpu.memref_slice %arg11[%mul3A_4, %dma_wait3A_93] : memref<10240x128xf32, #tpu.memory_space<vmem_shared>> -> memref<640x128xf32, #tpu.memory_space<vmem_shared>>
      tpu.wait_dma2 semaphore(%run_scoped3A : memref<!tpu.dma_semaphore, #tpu.memory_space<semaphore_mem>>) src(%arg4 : memref<640x128xf32, #tpu.memory_space<hbm>>) dst(%dma_wait3A_94 : memref<640x128xf32, #tpu.memory_space<vmem_shared>>)
      tpu.yield
    }) : () -> ()
    %barrier3A = arith.constant 0 : index
    tpu.barrier barrier_id(%barrier3A)
    %add3A_5 = arith.constant 0 : i32
    %add3A_6 = arith.addi %add3A, %add3A_5 : i32
    %dma_start3A = arith.constant 0 : i32
    %dma_start3A_7 = arith.constant 0 : i32
    %dma_start3A_8 = tpu.memref_slice %arg3[%add3A_6, %dma_start3A, %dma_start3A_7] : memref<1280x2x128xi32, #tpu.memory_space<hbm>> -> memref<1x2x128xi32, #tpu.memory_space<hbm>>
    %dma_start3A_9 = tpu.memref_squeeze %dma_start3A_8 : memref<1x2x128xi32, #tpu.memory_space<hbm>> -> memref<2x128xi32, #tpu.memory_space<hbm>>
    %dma_start3A_10 = arith.constant 0 : i32
    %dma_start3A_11 = arith.constant 0 : i32
    %dma_start3A_12 = tpu.memref_slice %arg3[%add3A_6, %dma_start3A_10, %dma_start3A_11] : memref<1280x2x128xi32, #tpu.memory_space<hbm>> -> memref<1x2x128xi32, #tpu.memory_space<hbm>>
    %dma_start3A_13 = tpu.memref_squeeze %dma_start3A_12 : memref<1x2x128xi32, #tpu.memory_space<hbm>> -> memref<2x128xi32, #tpu.memory_space<hbm>>
    tpu.enqueue_dma source(%dma_start3A_13 : memref<2x128xi32, #tpu.memory_space<hbm>>) target(%arg6 : memref<2x128xi32, #tpu.memory_space<vmem>>) target_semaphore(%arg12 : memref<!tpu.dma_semaphore, #tpu.memory_space<semaphore_mem>>)
    %add3A_14 = arith.constant 1 : i32
    %add3A_15 = arith.addi %add3A, %add3A_14 : i32
    %dma_start3A_16 = arith.constant 0 : i32
    %dma_start3A_17 = arith.constant 0 : i32
    %dma_start3A_18 = tpu.memref_slice %arg3[%add3A_15, %dma_start3A_16, %dma_start3A_17] : memref<1280x2x128xi32, #tpu.memory_space<hbm>> -> memref<1x2x128xi32, #tpu.memory_space<hbm>>
    %dma_start3A_19 = tpu.memref_squeeze %dma_start3A_18 : memref<1x2x128xi32, #tpu.memory_space<hbm>> -> memref<2x128xi32, #tpu.memory_space<hbm>>
    %dma_start3A_20 = arith.constant 0 : i32
    %dma_start3A_21 = arith.constant 0 : i32
    %dma_start3A_22 = tpu.memref_slice %arg3[%add3A_15, %dma_start3A_20, %dma_start3A_21] : memref<1280x2x128xi32, #tpu.memory_space<hbm>> -> memref<1x2x128xi32, #tpu.memory_space<hbm>>
    %dma_start3A_23 = tpu.memref_squeeze %dma_start3A_22 : memref<1x2x128xi32, #tpu.memory_space<hbm>> -> memref<2x128xi32, #tpu.memory_space<hbm>>
    tpu.enqueue_dma source(%dma_start3A_23 : memref<2x128xi32, #tpu.memory_space<hbm>>) target(%arg7 : memref<2x128xi32, #tpu.memory_space<vmem>>) target_semaphore(%arg13 : memref<!tpu.dma_semaphore, #tpu.memory_space<semaphore_mem>>)
    %dma_wait3A = arith.constant 0 : i32
    %dma_wait3A_24 = arith.constant 0 : i32
    %dma_wait3A_25 = tpu.memref_slice %arg3[%add3A, %dma_wait3A, %dma_wait3A_24] : memref<1280x2x128xi32, #tpu.memory_space<hbm>> -> memref<1x2x128xi32, #tpu.memory_space<hbm>>
    %dma_wait3A_26 = tpu.memref_squeeze %dma_wait3A_25 : memref<1x2x128xi32, #tpu.memory_space<hbm>> -> memref<2x128xi32, #tpu.memory_space<hbm>>
    %dma_wait3A_27 = arith.constant 0 : i32
    %dma_wait3A_28 = arith.constant 0 : i32
    %dma_wait3A_29 = tpu.memref_slice %arg3[%add3A, %dma_wait3A_27, %dma_wait3A_28] : memref<1280x2x128xi32, #tpu.memory_space<hbm>> -> memref<1x2x128xi32, #tpu.memory_space<hbm>>
    %dma_wait3A_30 = tpu.memref_squeeze %dma_wait3A_29 : memref<1x2x128xi32, #tpu.memory_space<hbm>> -> memref<2x128xi32, #tpu.memory_space<hbm>>
    tpu.wait_dma2 semaphore(%arg12 : memref<!tpu.dma_semaphore, #tpu.memory_space<semaphore_mem>>) src(%dma_wait3A_30 : memref<2x128xi32, #tpu.memory_space<hbm>>) dst(%arg6 : memref<2x128xi32, #tpu.memory_space<vmem>>)
    %dma_start3A_31 = arith.constant 0 : i32
    %dma_start3A_32 = arith.constant 0 : i32
    %dma_start3A_33 = arith.constant 0 : i32
    %dma_start3A_34 = arith.constant 0 : i32
    %dma_start3A_35 = tpu.memref_slice %arg10[%dma_start3A_32, %dma_start3A_33, %dma_start3A_34] : memref<2x128x128xf32, #tpu.memory_space<vmem>> -> memref<1x64x128xf32, #tpu.memory_space<vmem>>
    %dma_start3A_36 = tpu.memref_squeeze %dma_start3A_35 : memref<1x64x128xf32, #tpu.memory_space<vmem>> -> memref<64x128xf32, #tpu.memory_space<vmem>>
    %dma_start3A_37 = arith.constant 0 : i32
    %dma_start3A_38 = tpu.memref_slice %arg6[%dma_start3A_31, %dma_start3A_37] : memref<2x128xi32, #tpu.memory_space<vmem>> -> memref<1x64xi32, #tpu.memory_space<vmem>>
    %dma_start3A_39 = tpu.memref_squeeze %dma_start3A_38 : memref<1x64xi32, #tpu.memory_space<vmem>> -> memref<64xi32, #tpu.memory_space<vmem>>
    %dma_start3A_40 = arith.constant 0 : i32
    %dma_start3A_41 = arith.constant 0 : i32
    %dma_start3A_42 = tpu.memref_slice %arg2[%dma_start3A_40, %dma_start3A_41] : memref<10240x128xf32, #tpu.memory_space<hbm>> -> memref<10240x128xf32, #tpu.memory_space<hbm>>
    tpu.enqueue_indirect_dma source(%dma_start3A_42 : memref<10240x128xf32, #tpu.memory_space<hbm>>) target(%dma_start3A_36 : memref<64x128xf32, #tpu.memory_space<vmem>>) offsets(%dma_start3A_39 : memref<64xi32, #tpu.memory_space<vmem>>) semaphore(%arg16 : memref<!tpu.dma_semaphore, #tpu.memory_space<semaphore_mem>>)
    %dma_start3A_43 = arith.constant 0 : i32
    %dma_start3A_44 = arith.constant 0 : i32
    %dma_start3A_45 = arith.constant 64 : i32
    %dma_start3A_46 = arith.constant 0 : i32
    %dma_start3A_47 = tpu.memref_slice %arg10[%dma_start3A_44, %dma_start3A_45, %dma_start3A_46] : memref<2x128x128xf32, #tpu.memory_space<vmem>> -> memref<1x64x128xf32, #tpu.memory_space<vmem>>
    %dma_start3A_48 = tpu.memref_squeeze %dma_start3A_47 : memref<1x64x128xf32, #tpu.memory_space<vmem>> -> memref<64x128xf32, #tpu.memory_space<vmem>>
    %dma_start3A_49 = arith.constant 64 : i32
    %dma_start3A_50 = tpu.memref_slice %arg6[%dma_start3A_43, %dma_start3A_49] : memref<2x128xi32, #tpu.memory_space<vmem>> -> memref<1x64xi32, #tpu.memory_space<vmem>>
    %dma_start3A_51 = tpu.memref_squeeze %dma_start3A_50 : memref<1x64xi32, #tpu.memory_space<vmem>> -> memref<64xi32, #tpu.memory_space<vmem>>
    %dma_start3A_52 = arith.constant 0 : i32
    %dma_start3A_53 = arith.constant 0 : i32
    %dma_start3A_54 = tpu.memref_slice %arg2[%dma_start3A_52, %dma_start3A_53] : memref<10240x128xf32, #tpu.memory_space<hbm>> -> memref<10240x128xf32, #tpu.memory_space<hbm>>
    tpu.enqueue_indirect_dma source(%dma_start3A_54 : memref<10240x128xf32, #tpu.memory_space<hbm>>) target(%dma_start3A_48 : memref<64x128xf32, #tpu.memory_space<vmem>>) offsets(%dma_start3A_51 : memref<64xi32, #tpu.memory_space<vmem>>) semaphore(%arg16 : memref<!tpu.dma_semaphore, #tpu.memory_space<semaphore_mem>>)
    %scan3A = arith.constant 0 : i32
    %scan3A_55 = arith.constant 10 : i32
    %scan3A_56 = arith.addi %scan3A, %scan3A_55 : i32
    %scan3A_57 = arith.constant 1 : i32
    scf.for %scan3A_91 = %scan3A to %scan3A_56 step %scan3A_57  : i32 {
      %mul3A_92 = arith.constant 4 : i32
      %mul3A_93 = arith.muli %scan3A_91, %mul3A_92 : i32
      %add3A_94 = arith.constant 0 : i32
      %add3A_95 = arith.addi %add3A_94, %mul3A_93 : i32
      %add3A_96 = arith.constant 0 : i32
      %add3A_97 = arith.addi %add3A_95, %add3A_96 : i32
      %add3A_98 = arith.constant 2 : i32
      %add3A_99 = arith.addi %add3A_97, %add3A_98 : i32
      %lt3A = arith.constant 40 : i32
      %lt3A_100 = arith.cmpi slt, %add3A_99, %lt3A : i32
      %convert_element_type3A = arith.extui %lt3A_100 : i1 to i32
      %cond3A = arith.constant 0 : i32
      %cond3A_101 = arith.cmpi ne, %convert_element_type3A, %cond3A : i32
      scf.if %cond3A_101 {
        %add3A_253 = arith.constant 2 : i32
        %add3A_254 = arith.addi %add3A_97, %add3A_253 : i32
        %add3A_255 = arith.addi %add3A, %add3A_254 : i32
        %dma_start3A_256 = arith.constant 0 : i32
        %dma_start3A_257 = arith.constant 0 : i32
        %dma_start3A_258 = tpu.memref_slice %arg3[%add3A_255, %dma_start3A_256, %dma_start3A_257] : memref<1280x2x128xi32, #tpu.memory_space<hbm>> -> memref<1x2x128xi32, #tpu.memory_space<hbm>>
        %dma_start3A_259 = tpu.memref_squeeze %dma_start3A_258 : memref<1x2x128xi32, #tpu.memory_space<hbm>> -> memref<2x128xi32, #tpu.memory_space<hbm>>
        %dma_start3A_260 = arith.constant 0 : i32
        %dma_start3A_261 = arith.constant 0 : i32
        %dma_start3A_262 = tpu.memref_slice %arg3[%add3A_255, %dma_start3A_260, %dma_start3A_261] : memref<1280x2x128xi32, #tpu.memory_space<hbm>> -> memref<1x2x128xi32, #tpu.memory_space<hbm>>
        %dma_start3A_263 = tpu.memref_squeeze %dma_start3A_262 : memref<1x2x128xi32, #tpu.memory_space<hbm>> -> memref<2x128xi32, #tpu.memory_space<hbm>>
        tpu.enqueue_dma source(%dma_start3A_263 : memref<2x128xi32, #tpu.memory_space<hbm>>) target(%arg8 : memref<2x128xi32, #tpu.memory_space<vmem>>) target_semaphore(%arg14 : memref<!tpu.dma_semaphore, #tpu.memory_space<semaphore_mem>>)
      } else {
      }
      %add3A_102 = arith.constant 1 : i32
      %add3A_103 = arith.addi %add3A_97, %add3A_102 : i32
      %lt3A_104 = arith.constant 40 : i32
      %lt3A_105 = arith.cmpi slt, %add3A_103, %lt3A_104 : i32
      %convert_element_type3A_106 = arith.extui %lt3A_105 : i1 to i32
      %cond3A_107 = arith.constant 0 : i32
      %cond3A_108 = arith.cmpi ne, %convert_element_type3A_106, %cond3A_107 : i32
      scf.if %cond3A_108 {
        %ge3A = arith.constant 1 : i32
        %ge3A_253 = arith.cmpi sge, %add3A_97, %ge3A : i32
        %convert_element_type3A_254 = arith.extui %ge3A_253 : i1 to i32
        %cond3A_255 = arith.constant 0 : i32
        %cond3A_256 = arith.cmpi ne, %convert_element_type3A_254, %cond3A_255 : i32
        scf.if %cond3A_256 {
          %dma_wait3A_291 = arith.constant 1 : i32
          %dma_wait3A_292 = arith.constant 1 : i32
          %dma_wait3A_293 = arith.constant 0 : i32
          %dma_wait3A_294 = arith.constant 0 : i32
          %dma_wait3A_295 = tpu.memref_slice %arg10[%dma_wait3A_291, %dma_wait3A_293, %dma_wait3A_294] : memref<2x128x128xf32, #tpu.memory_space<vmem>> -> memref<1x128x128xf32, #tpu.memory_space<vmem>>
          %dma_wait3A_296 = tpu.memref_squeeze %dma_wait3A_295 : memref<1x128x128xf32, #tpu.memory_space<vmem>> -> memref<128x128xf32, #tpu.memory_space<vmem>>
          %dma_wait3A_297 = arith.constant 0 : i32
          %dma_wait3A_298 = tpu.memref_slice %arg7[%dma_wait3A_292, %dma_wait3A_297] : memref<2x128xi32, #tpu.memory_space<vmem>> -> memref<1x128xi32, #tpu.memory_space<vmem>>
          %dma_wait3A_299 = tpu.memref_squeeze %dma_wait3A_298 : memref<1x128xi32, #tpu.memory_space<vmem>> -> memref<128xi32, #tpu.memory_space<vmem>>
          %dma_wait3A_300 = arith.constant 0 : i32
          %dma_wait3A_301 = arith.constant 0 : i32
          %dma_wait3A_302 = tpu.memref_slice %arg11[%dma_wait3A_300, %dma_wait3A_301] : memref<10240x128xf32, #tpu.memory_space<vmem_shared>> -> memref<10240x128xf32, #tpu.memory_space<vmem_shared>>
          tpu.wait_indirect_dma semaphore(%arg19 : memref<!tpu.dma_semaphore, #tpu.memory_space<semaphore_mem>>) src(%dma_wait3A_296 : memref<128x128xf32, #tpu.memory_space<vmem>>) dst(%dma_wait3A_302 : memref<10240x128xf32, #tpu.memory_space<vmem_shared>>)
        } else {
        }
        %dma_wait3A_257 = arith.constant 0 : i32
        %dma_wait3A_258 = arith.constant 0 : i32
        %dma_wait3A_259 = tpu.memref_slice %arg3[%add3A, %dma_wait3A_257, %dma_wait3A_258] : memref<1280x2x128xi32, #tpu.memory_space<hbm>> -> memref<1x2x128xi32, #tpu.memory_space<hbm>>
        %dma_wait3A_260 = tpu.memref_squeeze %dma_wait3A_259 : memref<1x2x128xi32, #tpu.memory_space<hbm>> -> memref<2x128xi32, #tpu.memory_space<hbm>>
        %dma_wait3A_261 = arith.constant 0 : i32
        %dma_wait3A_262 = arith.constant 0 : i32
        %dma_wait3A_263 = tpu.memref_slice %arg3[%add3A, %dma_wait3A_261, %dma_wait3A_262] : memref<1280x2x128xi32, #tpu.memory_space<hbm>> -> memref<1x2x128xi32, #tpu.memory_space<hbm>>
        %dma_wait3A_264 = tpu.memref_squeeze %dma_wait3A_263 : memref<1x2x128xi32, #tpu.memory_space<hbm>> -> memref<2x128xi32, #tpu.memory_space<hbm>>
        tpu.wait_dma2 semaphore(%arg13 : memref<!tpu.dma_semaphore, #tpu.memory_space<semaphore_mem>>) src(%dma_wait3A_264 : memref<2x128xi32, #tpu.memory_space<hbm>>) dst(%arg7 : memref<2x128xi32, #tpu.memory_space<vmem>>)
        %add3A_265 = arith.constant 1 : i32
        %add3A_266 = arith.addi %add3A_97, %add3A_265 : i32
        %dma_start3A_267 = arith.constant 0 : i32
        %dma_start3A_268 = arith.constant 1 : i32
        %dma_start3A_269 = arith.constant 0 : i32
        %dma_start3A_270 = arith.constant 0 : i32
        %dma_start3A_271 = tpu.memref_slice %arg10[%dma_start3A_268, %dma_start3A_269, %dma_start3A_270] : memref<2x128x128xf32, #tpu.memory_space<vmem>> -> memref<1x64x128xf32, #tpu.memory_space<vmem>>
        %dma_start3A_272 = tpu.memref_squeeze %dma_start3A_271 : memref<1x64x128xf32, #tpu.memory_space<vmem>> -> memref<64x128xf32, #tpu.memory_space<vmem>>
        %dma_start3A_273 = arith.constant 0 : i32
        %dma_start3A_274 = tpu.memref_slice %arg7[%dma_start3A_267, %dma_start3A_273] : memref<2x128xi32, #tpu.memory_space<vmem>> -> memref<1x64xi32, #tpu.memory_space<vmem>>
        %dma_start3A_275 = tpu.memref_squeeze %dma_start3A_274 : memref<1x64xi32, #tpu.memory_space<vmem>> -> memref<64xi32, #tpu.memory_space<vmem>>
        %dma_start3A_276 = arith.constant 0 : i32
        %dma_start3A_277 = arith.constant 0 : i32
        %dma_start3A_278 = tpu.memref_slice %arg2[%dma_start3A_276, %dma_start3A_277] : memref<10240x128xf32, #tpu.memory_space<hbm>> -> memref<10240x128xf32, #tpu.memory_space<hbm>>
        tpu.enqueue_indirect_dma source(%dma_start3A_278 : memref<10240x128xf32, #tpu.memory_space<hbm>>) target(%dma_start3A_272 : memref<64x128xf32, #tpu.memory_space<vmem>>) offsets(%dma_start3A_275 : memref<64xi32, #tpu.memory_space<vmem>>) semaphore(%arg17 : memref<!tpu.dma_semaphore, #tpu.memory_space<semaphore_mem>>)
        %dma_start3A_279 = arith.constant 0 : i32
        %dma_start3A_280 = arith.constant 1 : i32
        %dma_start3A_281 = arith.constant 64 : i32
        %dma_start3A_282 = arith.constant 0 : i32
        %dma_start3A_283 = tpu.memref_slice %arg10[%dma_start3A_280, %dma_start3A_281, %dma_start3A_282] : memref<2x128x128xf32, #tpu.memory_space<vmem>> -> memref<1x64x128xf32, #tpu.memory_space<vmem>>
        %dma_start3A_284 = tpu.memref_squeeze %dma_start3A_283 : memref<1x64x128xf32, #tpu.memory_space<vmem>> -> memref<64x128xf32, #tpu.memory_space<vmem>>
        %dma_start3A_285 = arith.constant 64 : i32
        %dma_start3A_286 = tpu.memref_slice %arg7[%dma_start3A_279, %dma_start3A_285] : memref<2x128xi32, #tpu.memory_space<vmem>> -> memref<1x64xi32, #tpu.memory_space<vmem>>
        %dma_start3A_287 = tpu.memref_squeeze %dma_start3A_286 : memref<1x64xi32, #tpu.memory_space<vmem>> -> memref<64xi32, #tpu.memory_space<vmem>>
        %dma_start3A_288 = arith.constant 0 : i32
        %dma_start3A_289 = arith.constant 0 : i32
        %dma_start3A_290 = tpu.memref_slice %arg2[%dma_start3A_288, %dma_start3A_289] : memref<10240x128xf32, #tpu.memory_space<hbm>> -> memref<10240x128xf32, #tpu.memory_space<hbm>>
        tpu.enqueue_indirect_dma source(%dma_start3A_290 : memref<10240x128xf32, #tpu.memory_space<hbm>>) target(%dma_start3A_284 : memref<64x128xf32, #tpu.memory_space<vmem>>) offsets(%dma_start3A_287 : memref<64xi32, #tpu.memory_space<vmem>>) semaphore(%arg17 : memref<!tpu.dma_semaphore, #tpu.memory_space<semaphore_mem>>)
      } else {
      }
      %dma_wait3A_109 = arith.constant 0 : i32
      %dma_wait3A_110 = arith.constant 0 : i32
      %dma_wait3A_111 = arith.constant 0 : i32
      %dma_wait3A_112 = arith.constant 0 : i32
      %dma_wait3A_113 = tpu.memref_slice %arg10[%dma_wait3A_110, %dma_wait3A_111, %dma_wait3A_112] : memref<2x128x128xf32, #tpu.memory_space<vmem>> -> memref<1x128x128xf32, #tpu.memory_space<vmem>>
      %dma_wait3A_114 = tpu.memref_squeeze %dma_wait3A_113 : memref<1x128x128xf32, #tpu.memory_space<vmem>> -> memref<128x128xf32, #tpu.memory_space<vmem>>
      %dma_wait3A_115 = arith.constant 0 : i32
      %dma_wait3A_116 = tpu.memref_slice %arg6[%dma_wait3A_109, %dma_wait3A_115] : memref<2x128xi32, #tpu.memory_space<vmem>> -> memref<1x128xi32, #tpu.memory_space<vmem>>
      %dma_wait3A_117 = tpu.memref_squeeze %dma_wait3A_116 : memref<1x128xi32, #tpu.memory_space<vmem>> -> memref<128xi32, #tpu.memory_space<vmem>>
      %dma_wait3A_118 = arith.constant 0 : i32
      %dma_wait3A_119 = arith.constant 0 : i32
      %dma_wait3A_120 = tpu.memref_slice %arg2[%dma_wait3A_118, %dma_wait3A_119] : memref<10240x128xf32, #tpu.memory_space<hbm>> -> memref<10240x128xf32, #tpu.memory_space<hbm>>
      tpu.wait_indirect_dma semaphore(%arg16 : memref<!tpu.dma_semaphore, #tpu.memory_space<semaphore_mem>>) src(%dma_wait3A_120 : memref<10240x128xf32, #tpu.memory_space<hbm>>) dst(%dma_wait3A_114 : memref<128x128xf32, #tpu.memory_space<vmem>>)
      %dma_start3A_121 = arith.constant 0 : i32
      %dma_start3A_122 = arith.constant 1 : i32
      %dma_start3A_123 = arith.constant 0 : i32
      %dma_start3A_124 = arith.constant 0 : i32
      %dma_start3A_125 = tpu.memref_slice %arg10[%dma_start3A_121, %dma_start3A_123, %dma_start3A_124] : memref<2x128x128xf32, #tpu.memory_space<vmem>> -> memref<1x128x128xf32, #tpu.memory_space<vmem>>
      %dma_start3A_126 = tpu.memref_squeeze %dma_start3A_125 : memref<1x128x128xf32, #tpu.memory_space<vmem>> -> memref<128x128xf32, #tpu.memory_space<vmem>>
      %dma_start3A_127 = arith.constant 0 : i32
      %dma_start3A_128 = tpu.memref_slice %arg6[%dma_start3A_122, %dma_start3A_127] : memref<2x128xi32, #tpu.memory_space<vmem>> -> memref<1x128xi32, #tpu.memory_space<vmem>>
      %dma_start3A_129 = tpu.memref_squeeze %dma_start3A_128 : memref<1x128xi32, #tpu.memory_space<vmem>> -> memref<128xi32, #tpu.memory_space<vmem>>
      %dma_start3A_130 = arith.constant 0 : i32
      %dma_start3A_131 = arith.constant 0 : i32
      %dma_start3A_132 = tpu.memref_slice %arg11[%dma_start3A_130, %dma_start3A_131] : memref<10240x128xf32, #tpu.memory_space<vmem_shared>> -> memref<10240x128xf32, #tpu.memory_space<vmem_shared>>
      tpu.enqueue_indirect_dma source(%dma_start3A_126 : memref<128x128xf32, #tpu.memory_space<vmem>>) target(%dma_start3A_132 : memref<10240x128xf32, #tpu.memory_space<vmem_shared>>) offsets(%dma_start3A_129 : memref<128xi32, #tpu.memory_space<vmem>>) semaphore(%arg18 : memref<!tpu.dma_semaphore, #tpu.memory_space<semaphore_mem>>) {add = true}
      %add3A_133 = arith.constant 1 : i32
      %add3A_134 = arith.addi %add3A_95, %add3A_133 : i32
      %add3A_135 = arith.constant 2 : i32
      %add3A_136 = arith.addi %add3A_134, %add3A_135 : i32
      %lt3A_137 = arith.constant 40 : i32
      %lt3A_138 = arith.cmpi slt, %add3A_136, %lt3A_137 : i32
      %convert_element_type3A_139 = arith.extui %lt3A_138 : i1 to i32
      %cond3A_140 = arith.constant 0 : i32
      %cond3A_141 = arith.cmpi ne, %convert_element_type3A_139, %cond3A_140 : i32
      scf.if %cond3A_141 {
        %add3A_253 = arith.constant 2 : i32
        %add3A_254 = arith.addi %add3A_134, %add3A_253 : i32
        %add3A_255 = arith.addi %add3A, %add3A_254 : i32
        %dma_start3A_256 = arith.constant 0 : i32
        %dma_start3A_257 = arith.constant 0 : i32
        %dma_start3A_258 = tpu.memref_slice %arg3[%add3A_255, %dma_start3A_256, %dma_start3A_257] : memref<1280x2x128xi32, #tpu.memory_space<hbm>> -> memref<1x2x128xi32, #tpu.memory_space<hbm>>
        %dma_start3A_259 = tpu.memref_squeeze %dma_start3A_258 : memref<1x2x128xi32, #tpu.memory_space<hbm>> -> memref<2x128xi32, #tpu.memory_space<hbm>>
        %dma_start3A_260 = arith.constant 0 : i32
        %dma_start3A_261 = arith.constant 0 : i32
        %dma_start3A_262 = tpu.memref_slice %arg3[%add3A_255, %dma_start3A_260, %dma_start3A_261] : memref<1280x2x128xi32, #tpu.memory_space<hbm>> -> memref<1x2x128xi32, #tpu.memory_space<hbm>>
        %dma_start3A_263 = tpu.memref_squeeze %dma_start3A_262 : memref<1x2x128xi32, #tpu.memory_space<hbm>> -> memref<2x128xi32, #tpu.memory_space<hbm>>
        tpu.enqueue_dma source(%dma_start3A_263 : memref<2x128xi32, #tpu.memory_space<hbm>>) target(%arg9 : memref<2x128xi32, #tpu.memory_space<vmem>>) target_semaphore(%arg15 : memref<!tpu.dma_semaphore, #tpu.memory_space<semaphore_mem>>)
      } else {
      }
      %add3A_142 = arith.constant 1 : i32
      %add3A_143 = arith.addi %add3A_134, %add3A_142 : i32
      %lt3A_144 = arith.constant 40 : i32
      %lt3A_145 = arith.cmpi slt, %add3A_143, %lt3A_144 : i32
      %convert_element_type3A_146 = arith.extui %lt3A_145 : i1 to i32
      %cond3A_147 = arith.constant 0 : i32
      %cond3A_148 = arith.cmpi ne, %convert_element_type3A_146, %cond3A_147 : i32
      scf.if %cond3A_148 {
        %ge3A = arith.constant 1 : i32
        %ge3A_253 = arith.cmpi sge, %add3A_134, %ge3A : i32
        %convert_element_type3A_254 = arith.extui %ge3A_253 : i1 to i32
        %cond3A_255 = arith.constant 0 : i32
        %cond3A_256 = arith.cmpi ne, %convert_element_type3A_254, %cond3A_255 : i32
        scf.if %cond3A_256 {
          %dma_wait3A_291 = arith.constant 0 : i32
          %dma_wait3A_292 = arith.constant 1 : i32
          %dma_wait3A_293 = arith.constant 0 : i32
          %dma_wait3A_294 = arith.constant 0 : i32
          %dma_wait3A_295 = tpu.memref_slice %arg10[%dma_wait3A_291, %dma_wait3A_293, %dma_wait3A_294] : memref<2x128x128xf32, #tpu.memory_space<vmem>> -> memref<1x128x128xf32, #tpu.memory_space<vmem>>
          %dma_wait3A_296 = tpu.memref_squeeze %dma_wait3A_295 : memref<1x128x128xf32, #tpu.memory_space<vmem>> -> memref<128x128xf32, #tpu.memory_space<vmem>>
          %dma_wait3A_297 = arith.constant 0 : i32
          %dma_wait3A_298 = tpu.memref_slice %arg8[%dma_wait3A_292, %dma_wait3A_297] : memref<2x128xi32, #tpu.memory_space<vmem>> -> memref<1x128xi32, #tpu.memory_space<vmem>>
          %dma_wait3A_299 = tpu.memref_squeeze %dma_wait3A_298 : memref<1x128xi32, #tpu.memory_space<vmem>> -> memref<128xi32, #tpu.memory_space<vmem>>
          %dma_wait3A_300 = arith.constant 0 : i32
          %dma_wait3A_301 = arith.constant 0 : i32
          %dma_wait3A_302 = tpu.memref_slice %arg11[%dma_wait3A_300, %dma_wait3A_301] : memref<10240x128xf32, #tpu.memory_space<vmem_shared>> -> memref<10240x128xf32, #tpu.memory_space<vmem_shared>>
          tpu.wait_indirect_dma semaphore(%arg18 : memref<!tpu.dma_semaphore, #tpu.memory_space<semaphore_mem>>) src(%dma_wait3A_296 : memref<128x128xf32, #tpu.memory_space<vmem>>) dst(%dma_wait3A_302 : memref<10240x128xf32, #tpu.memory_space<vmem_shared>>)
        } else {
        }
        %dma_wait3A_257 = arith.constant 0 : i32
        %dma_wait3A_258 = arith.constant 0 : i32
        %dma_wait3A_259 = tpu.memref_slice %arg3[%add3A, %dma_wait3A_257, %dma_wait3A_258] : memref<1280x2x128xi32, #tpu.memory_space<hbm>> -> memref<1x2x128xi32, #tpu.memory_space<hbm>>
        %dma_wait3A_260 = tpu.memref_squeeze %dma_wait3A_259 : memref<1x2x128xi32, #tpu.memory_space<hbm>> -> memref<2x128xi32, #tpu.memory_space<hbm>>
        %dma_wait3A_261 = arith.constant 0 : i32
        %dma_wait3A_262 = arith.constant 0 : i32
        %dma_wait3A_263 = tpu.memref_slice %arg3[%add3A, %dma_wait3A_261, %dma_wait3A_262] : memref<1280x2x128xi32, #tpu.memory_space<hbm>> -> memref<1x2x128xi32, #tpu.memory_space<hbm>>
        %dma_wait3A_264 = tpu.memref_squeeze %dma_wait3A_263 : memref<1x2x128xi32, #tpu.memory_space<hbm>> -> memref<2x128xi32, #tpu.memory_space<hbm>>
        tpu.wait_dma2 semaphore(%arg14 : memref<!tpu.dma_semaphore, #tpu.memory_space<semaphore_mem>>) src(%dma_wait3A_264 : memref<2x128xi32, #tpu.memory_space<hbm>>) dst(%arg8 : memref<2x128xi32, #tpu.memory_space<vmem>>)
        %add3A_265 = arith.constant 1 : i32
        %add3A_266 = arith.addi %add3A_134, %add3A_265 : i32
        %dma_start3A_267 = arith.constant 0 : i32
        %dma_start3A_268 = arith.constant 0 : i32
        %dma_start3A_269 = arith.constant 0 : i32
        %dma_start3A_270 = arith.constant 0 : i32
        %dma_start3A_271 = tpu.memref_slice %arg10[%dma_start3A_268, %dma_start3A_269, %dma_start3A_270] : memref<2x128x128xf32, #tpu.memory_space<vmem>> -> memref<1x64x128xf32, #tpu.memory_space<vmem>>
        %dma_start3A_272 = tpu.memref_squeeze %dma_start3A_271 : memref<1x64x128xf32, #tpu.memory_space<vmem>> -> memref<64x128xf32, #tpu.memory_space<vmem>>
        %dma_start3A_273 = arith.constant 0 : i32
        %dma_start3A_274 = tpu.memref_slice %arg8[%dma_start3A_267, %dma_start3A_273] : memref<2x128xi32, #tpu.memory_space<vmem>> -> memref<1x64xi32, #tpu.memory_space<vmem>>
        %dma_start3A_275 = tpu.memref_squeeze %dma_start3A_274 : memref<1x64xi32, #tpu.memory_space<vmem>> -> memref<64xi32, #tpu.memory_space<vmem>>
        %dma_start3A_276 = arith.constant 0 : i32
        %dma_start3A_277 = arith.constant 0 : i32
        %dma_start3A_278 = tpu.memref_slice %arg2[%dma_start3A_276, %dma_start3A_277] : memref<10240x128xf32, #tpu.memory_space<hbm>> -> memref<10240x128xf32, #tpu.memory_space<hbm>>
        tpu.enqueue_indirect_dma source(%dma_start3A_278 : memref<10240x128xf32, #tpu.memory_space<hbm>>) target(%dma_start3A_272 : memref<64x128xf32, #tpu.memory_space<vmem>>) offsets(%dma_start3A_275 : memref<64xi32, #tpu.memory_space<vmem>>) semaphore(%arg16 : memref<!tpu.dma_semaphore, #tpu.memory_space<semaphore_mem>>)
        %dma_start3A_279 = arith.constant 0 : i32
        %dma_start3A_280 = arith.constant 0 : i32
        %dma_start3A_281 = arith.constant 64 : i32
        %dma_start3A_282 = arith.constant 0 : i32
        %dma_start3A_283 = tpu.memref_slice %arg10[%dma_start3A_280, %dma_start3A_281, %dma_start3A_282] : memref<2x128x128xf32, #tpu.memory_space<vmem>> -> memref<1x64x128xf32, #tpu.memory_space<vmem>>
        %dma_start3A_284 = tpu.memref_squeeze %dma_start3A_283 : memref<1x64x128xf32, #tpu.memory_space<vmem>> -> memref<64x128xf32, #tpu.memory_space<vmem>>
        %dma_start3A_285 = arith.constant 64 : i32
        %dma_start3A_286 = tpu.memref_slice %arg8[%dma_start3A_279, %dma_start3A_285] : memref<2x128xi32, #tpu.memory_space<vmem>> -> memref<1x64xi32, #tpu.memory_space<vmem>>
        %dma_start3A_287 = tpu.memref_squeeze %dma_start3A_286 : memref<1x64xi32, #tpu.memory_space<vmem>> -> memref<64xi32, #tpu.memory_space<vmem>>
        %dma_start3A_288 = arith.constant 0 : i32
        %dma_start3A_289 = arith.constant 0 : i32
        %dma_start3A_290 = tpu.memref_slice %arg2[%dma_start3A_288, %dma_start3A_289] : memref<10240x128xf32, #tpu.memory_space<hbm>> -> memref<10240x128xf32, #tpu.memory_space<hbm>>
        tpu.enqueue_indirect_dma source(%dma_start3A_290 : memref<10240x128xf32, #tpu.memory_space<hbm>>) target(%dma_start3A_284 : memref<64x128xf32, #tpu.memory_space<vmem>>) offsets(%dma_start3A_287 : memref<64xi32, #tpu.memory_space<vmem>>) semaphore(%arg16 : memref<!tpu.dma_semaphore, #tpu.memory_space<semaphore_mem>>)
      } else {
      }
      %dma_wait3A_149 = arith.constant 0 : i32
      %dma_wait3A_150 = arith.constant 1 : i32
      %dma_wait3A_151 = arith.constant 0 : i32
      %dma_wait3A_152 = arith.constant 0 : i32
      %dma_wait3A_153 = tpu.memref_slice %arg10[%dma_wait3A_150, %dma_wait3A_151, %dma_wait3A_152] : memref<2x128x128xf32, #tpu.memory_space<vmem>> -> memref<1x128x128xf32, #tpu.memory_space<vmem>>
      %dma_wait3A_154 = tpu.memref_squeeze %dma_wait3A_153 : memref<1x128x128xf32, #tpu.memory_space<vmem>> -> memref<128x128xf32, #tpu.memory_space<vmem>>
      %dma_wait3A_155 = arith.constant 0 : i32
      %dma_wait3A_156 = tpu.memref_slice %arg7[%dma_wait3A_149, %dma_wait3A_155] : memref<2x128xi32, #tpu.memory_space<vmem>> -> memref<1x128xi32, #tpu.memory_space<vmem>>
      %dma_wait3A_157 = tpu.memref_squeeze %dma_wait3A_156 : memref<1x128xi32, #tpu.memory_space<vmem>> -> memref<128xi32, #tpu.memory_space<vmem>>
      %dma_wait3A_158 = arith.constant 0 : i32
      %dma_wait3A_159 = arith.constant 0 : i32
      %dma_wait3A_160 = tpu.memref_slice %arg2[%dma_wait3A_158, %dma_wait3A_159] : memref<10240x128xf32, #tpu.memory_space<hbm>> -> memref<10240x128xf32, #tpu.memory_space<hbm>>
      tpu.wait_indirect_dma semaphore(%arg17 : memref<!tpu.dma_semaphore, #tpu.memory_space<semaphore_mem>>) src(%dma_wait3A_160 : memref<10240x128xf32, #tpu.memory_space<hbm>>) dst(%dma_wait3A_154 : memref<128x128xf32, #tpu.memory_space<vmem>>)
      %dma_start3A_161 = arith.constant 1 : i32
      %dma_start3A_162 = arith.constant 1 : i32
      %dma_start3A_163 = arith.constant 0 : i32
      %dma_start3A_164 = arith.constant 0 : i32
      %dma_start3A_165 = tpu.memref_slice %arg10[%dma_start3A_161, %dma_start3A_163, %dma_start3A_164] : memref<2x128x128xf32, #tpu.memory_space<vmem>> -> memref<1x128x128xf32, #tpu.memory_space<vmem>>
      %dma_start3A_166 = tpu.memref_squeeze %dma_start3A_165 : memref<1x128x128xf32, #tpu.memory_space<vmem>> -> memref<128x128xf32, #tpu.memory_space<vmem>>
      %dma_start3A_167 = arith.constant 0 : i32
      %dma_start3A_168 = tpu.memref_slice %arg7[%dma_start3A_162, %dma_start3A_167] : memref<2x128xi32, #tpu.memory_space<vmem>> -> memref<1x128xi32, #tpu.memory_space<vmem>>
      %dma_start3A_169 = tpu.memref_squeeze %dma_start3A_168 : memref<1x128xi32, #tpu.memory_space<vmem>> -> memref<128xi32, #tpu.memory_space<vmem>>
      %dma_start3A_170 = arith.constant 0 : i32
      %dma_start3A_171 = arith.constant 0 : i32
      %dma_start3A_172 = tpu.memref_slice %arg11[%dma_start3A_170, %dma_start3A_171] : memref<10240x128xf32, #tpu.memory_space<vmem_shared>> -> memref<10240x128xf32, #tpu.memory_space<vmem_shared>>
      tpu.enqueue_indirect_dma source(%dma_start3A_166 : memref<128x128xf32, #tpu.memory_space<vmem>>) target(%dma_start3A_172 : memref<10240x128xf32, #tpu.memory_space<vmem_shared>>) offsets(%dma_start3A_169 : memref<128xi32, #tpu.memory_space<vmem>>) semaphore(%arg19 : memref<!tpu.dma_semaphore, #tpu.memory_space<semaphore_mem>>) {add = true}
      %add3A_173 = arith.constant 2 : i32
      %add3A_174 = arith.addi %add3A_95, %add3A_173 : i32
      %add3A_175 = arith.constant 2 : i32
      %add3A_176 = arith.addi %add3A_174, %add3A_175 : i32
      %lt3A_177 = arith.constant 40 : i32
      %lt3A_178 = arith.cmpi slt, %add3A_176, %lt3A_177 : i32
      %convert_element_type3A_179 = arith.extui %lt3A_178 : i1 to i32
      %cond3A_180 = arith.constant 0 : i32
      %cond3A_181 = arith.cmpi ne, %convert_element_type3A_179, %cond3A_180 : i32
      scf.if %cond3A_181 {
        %add3A_253 = arith.constant 2 : i32
        %add3A_254 = arith.addi %add3A_174, %add3A_253 : i32
        %add3A_255 = arith.addi %add3A, %add3A_254 : i32
        %dma_start3A_256 = arith.constant 0 : i32
        %dma_start3A_257 = arith.constant 0 : i32
        %dma_start3A_258 = tpu.memref_slice %arg3[%add3A_255, %dma_start3A_256, %dma_start3A_257] : memref<1280x2x128xi32, #tpu.memory_space<hbm>> -> memref<1x2x128xi32, #tpu.memory_space<hbm>>
        %dma_start3A_259 = tpu.memref_squeeze %dma_start3A_258 : memref<1x2x128xi32, #tpu.memory_space<hbm>> -> memref<2x128xi32, #tpu.memory_space<hbm>>
        %dma_start3A_260 = arith.constant 0 : i32
        %dma_start3A_261 = arith.constant 0 : i32
        %dma_start3A_262 = tpu.memref_slice %arg3[%add3A_255, %dma_start3A_260, %dma_start3A_261] : memref<1280x2x128xi32, #tpu.memory_space<hbm>> -> memref<1x2x128xi32, #tpu.memory_space<hbm>>
        %dma_start3A_263 = tpu.memref_squeeze %dma_start3A_262 : memref<1x2x128xi32, #tpu.memory_space<hbm>> -> memref<2x128xi32, #tpu.memory_space<hbm>>
        tpu.enqueue_dma source(%dma_start3A_263 : memref<2x128xi32, #tpu.memory_space<hbm>>) target(%arg6 : memref<2x128xi32, #tpu.memory_space<vmem>>) target_semaphore(%arg12 : memref<!tpu.dma_semaphore, #tpu.memory_space<semaphore_mem>>)
      } else {
      }
      %add3A_182 = arith.constant 1 : i32
      %add3A_183 = arith.addi %add3A_174, %add3A_182 : i32
      %lt3A_184 = arith.constant 40 : i32
      %lt3A_185 = arith.cmpi slt, %add3A_183, %lt3A_184 : i32
      %convert_element_type3A_186 = arith.extui %lt3A_185 : i1 to i32
      %cond3A_187 = arith.constant 0 : i32
      %cond3A_188 = arith.cmpi ne, %convert_element_type3A_186, %cond3A_187 : i32
      scf.if %cond3A_188 {
        %ge3A = arith.constant 1 : i32
        %ge3A_253 = arith.cmpi sge, %add3A_174, %ge3A : i32
        %convert_element_type3A_254 = arith.extui %ge3A_253 : i1 to i32
        %cond3A_255 = arith.constant 0 : i32
        %cond3A_256 = arith.cmpi ne, %convert_element_type3A_254, %cond3A_255 : i32
        scf.if %cond3A_256 {
          %dma_wait3A_291 = arith.constant 1 : i32
          %dma_wait3A_292 = arith.constant 1 : i32
          %dma_wait3A_293 = arith.constant 0 : i32
          %dma_wait3A_294 = arith.constant 0 : i32
          %dma_wait3A_295 = tpu.memref_slice %arg10[%dma_wait3A_291, %dma_wait3A_293, %dma_wait3A_294] : memref<2x128x128xf32, #tpu.memory_space<vmem>> -> memref<1x128x128xf32, #tpu.memory_space<vmem>>
          %dma_wait3A_296 = tpu.memref_squeeze %dma_wait3A_295 : memref<1x128x128xf32, #tpu.memory_space<vmem>> -> memref<128x128xf32, #tpu.memory_space<vmem>>
          %dma_wait3A_297 = arith.constant 0 : i32
          %dma_wait3A_298 = tpu.memref_slice %arg9[%dma_wait3A_292, %dma_wait3A_297] : memref<2x128xi32, #tpu.memory_space<vmem>> -> memref<1x128xi32, #tpu.memory_space<vmem>>
          %dma_wait3A_299 = tpu.memref_squeeze %dma_wait3A_298 : memref<1x128xi32, #tpu.memory_space<vmem>> -> memref<128xi32, #tpu.memory_space<vmem>>
          %dma_wait3A_300 = arith.constant 0 : i32
          %dma_wait3A_301 = arith.constant 0 : i32
          %dma_wait3A_302 = tpu.memref_slice %arg11[%dma_wait3A_300, %dma_wait3A_301] : memref<10240x128xf32, #tpu.memory_space<vmem_shared>> -> memref<10240x128xf32, #tpu.memory_space<vmem_shared>>
          tpu.wait_indirect_dma semaphore(%arg19 : memref<!tpu.dma_semaphore, #tpu.memory_space<semaphore_mem>>) src(%dma_wait3A_296 : memref<128x128xf32, #tpu.memory_space<vmem>>) dst(%dma_wait3A_302 : memref<10240x128xf32, #tpu.memory_space<vmem_shared>>)
        } else {
        }
        %dma_wait3A_257 = arith.constant 0 : i32
        %dma_wait3A_258 = arith.constant 0 : i32
        %dma_wait3A_259 = tpu.memref_slice %arg3[%add3A, %dma_wait3A_257, %dma_wait3A_258] : memref<1280x2x128xi32, #tpu.memory_space<hbm>> -> memref<1x2x128xi32, #tpu.memory_space<hbm>>
        %dma_wait3A_260 = tpu.memref_squeeze %dma_wait3A_259 : memref<1x2x128xi32, #tpu.memory_space<hbm>> -> memref<2x128xi32, #tpu.memory_space<hbm>>
        %dma_wait3A_261 = arith.constant 0 : i32
        %dma_wait3A_262 = arith.constant 0 : i32
        %dma_wait3A_263 = tpu.memref_slice %arg3[%add3A, %dma_wait3A_261, %dma_wait3A_262] : memref<1280x2x128xi32, #tpu.memory_space<hbm>> -> memref<1x2x128xi32, #tpu.memory_space<hbm>>
        %dma_wait3A_264 = tpu.memref_squeeze %dma_wait3A_263 : memref<1x2x128xi32, #tpu.memory_space<hbm>> -> memref<2x128xi32, #tpu.memory_space<hbm>>
        tpu.wait_dma2 semaphore(%arg15 : memref<!tpu.dma_semaphore, #tpu.memory_space<semaphore_mem>>) src(%dma_wait3A_264 : memref<2x128xi32, #tpu.memory_space<hbm>>) dst(%arg9 : memref<2x128xi32, #tpu.memory_space<vmem>>)
        %add3A_265 = arith.constant 1 : i32
        %add3A_266 = arith.addi %add3A_174, %add3A_265 : i32
        %dma_start3A_267 = arith.constant 0 : i32
        %dma_start3A_268 = arith.constant 1 : i32
        %dma_start3A_269 = arith.constant 0 : i32
        %dma_start3A_270 = arith.constant 0 : i32
        %dma_start3A_271 = tpu.memref_slice %arg10[%dma_start3A_268, %dma_start3A_269, %dma_start3A_270] : memref<2x128x128xf32, #tpu.memory_space<vmem>> -> memref<1x64x128xf32, #tpu.memory_space<vmem>>
        %dma_start3A_272 = tpu.memref_squeeze %dma_start3A_271 : memref<1x64x128xf32, #tpu.memory_space<vmem>> -> memref<64x128xf32, #tpu.memory_space<vmem>>
        %dma_start3A_273 = arith.constant 0 : i32
        %dma_start3A_274 = tpu.memref_slice %arg9[%dma_start3A_267, %dma_start3A_273] : memref<2x128xi32, #tpu.memory_space<vmem>> -> memref<1x64xi32, #tpu.memory_space<vmem>>
        %dma_start3A_275 = tpu.memref_squeeze %dma_start3A_274 : memref<1x64xi32, #tpu.memory_space<vmem>> -> memref<64xi32, #tpu.memory_space<vmem>>
        %dma_start3A_276 = arith.constant 0 : i32
        %dma_start3A_277 = arith.constant 0 : i32
        %dma_start3A_278 = tpu.memref_slice %arg2[%dma_start3A_276, %dma_start3A_277] : memref<10240x128xf32, #tpu.memory_space<hbm>> -> memref<10240x128xf32, #tpu.memory_space<hbm>>
        tpu.enqueue_indirect_dma source(%dma_start3A_278 : memref<10240x128xf32, #tpu.memory_space<hbm>>) target(%dma_start3A_272 : memref<64x128xf32, #tpu.memory_space<vmem>>) offsets(%dma_start3A_275 : memref<64xi32, #tpu.memory_space<vmem>>) semaphore(%arg17 : memref<!tpu.dma_semaphore, #tpu.memory_space<semaphore_mem>>)
        %dma_start3A_279 = arith.constant 0 : i32
        %dma_start3A_280 = arith.constant 1 : i32
        %dma_start3A_281 = arith.constant 64 : i32
        %dma_start3A_282 = arith.constant 0 : i32
        %dma_start3A_283 = tpu.memref_slice %arg10[%dma_start3A_280, %dma_start3A_281, %dma_start3A_282] : memref<2x128x128xf32, #tpu.memory_space<vmem>> -> memref<1x64x128xf32, #tpu.memory_space<vmem>>
        %dma_start3A_284 = tpu.memref_squeeze %dma_start3A_283 : memref<1x64x128xf32, #tpu.memory_space<vmem>> -> memref<64x128xf32, #tpu.memory_space<vmem>>
        %dma_start3A_285 = arith.constant 64 : i32
        %dma_start3A_286 = tpu.memref_slice %arg9[%dma_start3A_279, %dma_start3A_285] : memref<2x128xi32, #tpu.memory_space<vmem>> -> memref<1x64xi32, #tpu.memory_space<vmem>>
        %dma_start3A_287 = tpu.memref_squeeze %dma_start3A_286 : memref<1x64xi32, #tpu.memory_space<vmem>> -> memref<64xi32, #tpu.memory_space<vmem>>
        %dma_start3A_288 = arith.constant 0 : i32
        %dma_start3A_289 = arith.constant 0 : i32
        %dma_start3A_290 = tpu.memref_slice %arg2[%dma_start3A_288, %dma_start3A_289] : memref<10240x128xf32, #tpu.memory_space<hbm>> -> memref<10240x128xf32, #tpu.memory_space<hbm>>
        tpu.enqueue_indirect_dma source(%dma_start3A_290 : memref<10240x128xf32, #tpu.memory_space<hbm>>) target(%dma_start3A_284 : memref<64x128xf32, #tpu.memory_space<vmem>>) offsets(%dma_start3A_287 : memref<64xi32, #tpu.memory_space<vmem>>) semaphore(%arg17 : memref<!tpu.dma_semaphore, #tpu.memory_space<semaphore_mem>>)
      } else {
      }
      %dma_wait3A_189 = arith.constant 0 : i32
      %dma_wait3A_190 = arith.constant 0 : i32
      %dma_wait3A_191 = arith.constant 0 : i32
      %dma_wait3A_192 = arith.constant 0 : i32
      %dma_wait3A_193 = tpu.memref_slice %arg10[%dma_wait3A_190, %dma_wait3A_191, %dma_wait3A_192] : memref<2x128x128xf32, #tpu.memory_space<vmem>> -> memref<1x128x128xf32, #tpu.memory_space<vmem>>
      %dma_wait3A_194 = tpu.memref_squeeze %dma_wait3A_193 : memref<1x128x128xf32, #tpu.memory_space<vmem>> -> memref<128x128xf32, #tpu.memory_space<vmem>>
      %dma_wait3A_195 = arith.constant 0 : i32
      %dma_wait3A_196 = tpu.memref_slice %arg8[%dma_wait3A_189, %dma_wait3A_195] : memref<2x128xi32, #tpu.memory_space<vmem>> -> memref<1x128xi32, #tpu.memory_space<vmem>>
      %dma_wait3A_197 = tpu.memref_squeeze %dma_wait3A_196 : memref<1x128xi32, #tpu.memory_space<vmem>> -> memref<128xi32, #tpu.memory_space<vmem>>
      %dma_wait3A_198 = arith.constant 0 : i32
      %dma_wait3A_199 = arith.constant 0 : i32
      %dma_wait3A_200 = tpu.memref_slice %arg2[%dma_wait3A_198, %dma_wait3A_199] : memref<10240x128xf32, #tpu.memory_space<hbm>> -> memref<10240x128xf32, #tpu.memory_space<hbm>>
      tpu.wait_indirect_dma semaphore(%arg16 : memref<!tpu.dma_semaphore, #tpu.memory_space<semaphore_mem>>) src(%dma_wait3A_200 : memref<10240x128xf32, #tpu.memory_space<hbm>>) dst(%dma_wait3A_194 : memref<128x128xf32, #tpu.memory_space<vmem>>)
      %dma_start3A_201 = arith.constant 0 : i32
      %dma_start3A_202 = arith.constant 1 : i32
      %dma_start3A_203 = arith.constant 0 : i32
      %dma_start3A_204 = arith.constant 0 : i32
      %dma_start3A_205 = tpu.memref_slice %arg10[%dma_start3A_201, %dma_start3A_203, %dma_start3A_204] : memref<2x128x128xf32, #tpu.memory_space<vmem>> -> memref<1x128x128xf32, #tpu.memory_space<vmem>>
      %dma_start3A_206 = tpu.memref_squeeze %dma_start3A_205 : memref<1x128x128xf32, #tpu.memory_space<vmem>> -> memref<128x128xf32, #tpu.memory_space<vmem>>
      %dma_start3A_207 = arith.constant 0 : i32
      %dma_start3A_208 = tpu.memref_slice %arg8[%dma_start3A_202, %dma_start3A_207] : memref<2x128xi32, #tpu.memory_space<vmem>> -> memref<1x128xi32, #tpu.memory_space<vmem>>
      %dma_start3A_209 = tpu.memref_squeeze %dma_start3A_208 : memref<1x128xi32, #tpu.memory_space<vmem>> -> memref<128xi32, #tpu.memory_space<vmem>>
      %dma_start3A_210 = arith.constant 0 : i32
      %dma_start3A_211 = arith.constant 0 : i32
      %dma_start3A_212 = tpu.memref_slice %arg11[%dma_start3A_210, %dma_start3A_211] : memref<10240x128xf32, #tpu.memory_space<vmem_shared>> -> memref<10240x128xf32, #tpu.memory_space<vmem_shared>>
      tpu.enqueue_indirect_dma source(%dma_start3A_206 : memref<128x128xf32, #tpu.memory_space<vmem>>) target(%dma_start3A_212 : memref<10240x128xf32, #tpu.memory_space<vmem_shared>>) offsets(%dma_start3A_209 : memref<128xi32, #tpu.memory_space<vmem>>) semaphore(%arg18 : memref<!tpu.dma_semaphore, #tpu.memory_space<semaphore_mem>>) {add = true}
      %add3A_213 = arith.constant 3 : i32
      %add3A_214 = arith.addi %add3A_95, %add3A_213 : i32
      %add3A_215 = arith.constant 2 : i32
      %add3A_216 = arith.addi %add3A_214, %add3A_215 : i32
      %lt3A_217 = arith.constant 40 : i32
      %lt3A_218 = arith.cmpi slt, %add3A_216, %lt3A_217 : i32
      %convert_element_type3A_219 = arith.extui %lt3A_218 : i1 to i32
      %cond3A_220 = arith.constant 0 : i32
      %cond3A_221 = arith.cmpi ne, %convert_element_type3A_219, %cond3A_220 : i32
      scf.if %cond3A_221 {
        %add3A_253 = arith.constant 2 : i32
        %add3A_254 = arith.addi %add3A_214, %add3A_253 : i32
        %add3A_255 = arith.addi %add3A, %add3A_254 : i32
        %dma_start3A_256 = arith.constant 0 : i32
        %dma_start3A_257 = arith.constant 0 : i32
        %dma_start3A_258 = tpu.memref_slice %arg3[%add3A_255, %dma_start3A_256, %dma_start3A_257] : memref<1280x2x128xi32, #tpu.memory_space<hbm>> -> memref<1x2x128xi32, #tpu.memory_space<hbm>>
        %dma_start3A_259 = tpu.memref_squeeze %dma_start3A_258 : memref<1x2x128xi32, #tpu.memory_space<hbm>> -> memref<2x128xi32, #tpu.memory_space<hbm>>
        %dma_start3A_260 = arith.constant 0 : i32
        %dma_start3A_261 = arith.constant 0 : i32
        %dma_start3A_262 = tpu.memref_slice %arg3[%add3A_255, %dma_start3A_260, %dma_start3A_261] : memref<1280x2x128xi32, #tpu.memory_space<hbm>> -> memref<1x2x128xi32, #tpu.memory_space<hbm>>
        %dma_start3A_263 = tpu.memref_squeeze %dma_start3A_262 : memref<1x2x128xi32, #tpu.memory_space<hbm>> -> memref<2x128xi32, #tpu.memory_space<hbm>>
        tpu.enqueue_dma source(%dma_start3A_263 : memref<2x128xi32, #tpu.memory_space<hbm>>) target(%arg7 : memref<2x128xi32, #tpu.memory_space<vmem>>) target_semaphore(%arg13 : memref<!tpu.dma_semaphore, #tpu.memory_space<semaphore_mem>>)
      } else {
      }
      %add3A_222 = arith.constant 1 : i32
      %add3A_223 = arith.addi %add3A_214, %add3A_222 : i32
      %lt3A_224 = arith.constant 40 : i32
      %lt3A_225 = arith.cmpi slt, %add3A_223, %lt3A_224 : i32
      %convert_element_type3A_226 = arith.extui %lt3A_225 : i1 to i32
      %cond3A_227 = arith.constant 0 : i32
      %cond3A_228 = arith.cmpi ne, %convert_element_type3A_226, %cond3A_227 : i32
      scf.if %cond3A_228 {
        %ge3A = arith.constant 1 : i32
        %ge3A_253 = arith.cmpi sge, %add3A_214, %ge3A : i32
        %convert_element_type3A_254 = arith.extui %ge3A_253 : i1 to i32
        %cond3A_255 = arith.constant 0 : i32
        %cond3A_256 = arith.cmpi ne, %convert_element_type3A_254, %cond3A_255 : i32
        scf.if %cond3A_256 {
          %dma_wait3A_291 = arith.constant 0 : i32
          %dma_wait3A_292 = arith.constant 1 : i32
          %dma_wait3A_293 = arith.constant 0 : i32
          %dma_wait3A_294 = arith.constant 0 : i32
          %dma_wait3A_295 = tpu.memref_slice %arg10[%dma_wait3A_291, %dma_wait3A_293, %dma_wait3A_294] : memref<2x128x128xf32, #tpu.memory_space<vmem>> -> memref<1x128x128xf32, #tpu.memory_space<vmem>>
          %dma_wait3A_296 = tpu.memref_squeeze %dma_wait3A_295 : memref<1x128x128xf32, #tpu.memory_space<vmem>> -> memref<128x128xf32, #tpu.memory_space<vmem>>
          %dma_wait3A_297 = arith.constant 0 : i32
          %dma_wait3A_298 = tpu.memref_slice %arg6[%dma_wait3A_292, %dma_wait3A_297] : memref<2x128xi32, #tpu.memory_space<vmem>> -> memref<1x128xi32, #tpu.memory_space<vmem>>
          %dma_wait3A_299 = tpu.memref_squeeze %dma_wait3A_298 : memref<1x128xi32, #tpu.memory_space<vmem>> -> memref<128xi32, #tpu.memory_space<vmem>>
          %dma_wait3A_300 = arith.constant 0 : i32
          %dma_wait3A_301 = arith.constant 0 : i32
          %dma_wait3A_302 = tpu.memref_slice %arg11[%dma_wait3A_300, %dma_wait3A_301] : memref<10240x128xf32, #tpu.memory_space<vmem_shared>> -> memref<10240x128xf32, #tpu.memory_space<vmem_shared>>
          tpu.wait_indirect_dma semaphore(%arg18 : memref<!tpu.dma_semaphore, #tpu.memory_space<semaphore_mem>>) src(%dma_wait3A_296 : memref<128x128xf32, #tpu.memory_space<vmem>>) dst(%dma_wait3A_302 : memref<10240x128xf32, #tpu.memory_space<vmem_shared>>)
        } else {
        }
        %dma_wait3A_257 = arith.constant 0 : i32
        %dma_wait3A_258 = arith.constant 0 : i32
        %dma_wait3A_259 = tpu.memref_slice %arg3[%add3A, %dma_wait3A_257, %dma_wait3A_258] : memref<1280x2x128xi32, #tpu.memory_space<hbm>> -> memref<1x2x128xi32, #tpu.memory_space<hbm>>
        %dma_wait3A_260 = tpu.memref_squeeze %dma_wait3A_259 : memref<1x2x128xi32, #tpu.memory_space<hbm>> -> memref<2x128xi32, #tpu.memory_space<hbm>>
        %dma_wait3A_261 = arith.constant 0 : i32
        %dma_wait3A_262 = arith.constant 0 : i32
        %dma_wait3A_263 = tpu.memref_slice %arg3[%add3A, %dma_wait3A_261, %dma_wait3A_262] : memref<1280x2x128xi32, #tpu.memory_space<hbm>> -> memref<1x2x128xi32, #tpu.memory_space<hbm>>
        %dma_wait3A_264 = tpu.memref_squeeze %dma_wait3A_263 : memref<1x2x128xi32, #tpu.memory_space<hbm>> -> memref<2x128xi32, #tpu.memory_space<hbm>>
        tpu.wait_dma2 semaphore(%arg12 : memref<!tpu.dma_semaphore, #tpu.memory_space<semaphore_mem>>) src(%dma_wait3A_264 : memref<2x128xi32, #tpu.memory_space<hbm>>) dst(%arg6 : memref<2x128xi32, #tpu.memory_space<vmem>>)
        %add3A_265 = arith.constant 1 : i32
        %add3A_266 = arith.addi %add3A_214, %add3A_265 : i32
        %dma_start3A_267 = arith.constant 0 : i32
        %dma_start3A_268 = arith.constant 0 : i32
        %dma_start3A_269 = arith.constant 0 : i32
        %dma_start3A_270 = arith.constant 0 : i32
        %dma_start3A_271 = tpu.memref_slice %arg10[%dma_start3A_268, %dma_start3A_269, %dma_start3A_270] : memref<2x128x128xf32, #tpu.memory_space<vmem>> -> memref<1x64x128xf32, #tpu.memory_space<vmem>>
        %dma_start3A_272 = tpu.memref_squeeze %dma_start3A_271 : memref<1x64x128xf32, #tpu.memory_space<vmem>> -> memref<64x128xf32, #tpu.memory_space<vmem>>
        %dma_start3A_273 = arith.constant 0 : i32
        %dma_start3A_274 = tpu.memref_slice %arg6[%dma_start3A_267, %dma_start3A_273] : memref<2x128xi32, #tpu.memory_space<vmem>> -> memref<1x64xi32, #tpu.memory_space<vmem>>
        %dma_start3A_275 = tpu.memref_squeeze %dma_start3A_274 : memref<1x64xi32, #tpu.memory_space<vmem>> -> memref<64xi32, #tpu.memory_space<vmem>>
        %dma_start3A_276 = arith.constant 0 : i32
        %dma_start3A_277 = arith.constant 0 : i32
        %dma_start3A_278 = tpu.memref_slice %arg2[%dma_start3A_276, %dma_start3A_277] : memref<10240x128xf32, #tpu.memory_space<hbm>> -> memref<10240x128xf32, #tpu.memory_space<hbm>>
        tpu.enqueue_indirect_dma source(%dma_start3A_278 : memref<10240x128xf32, #tpu.memory_space<hbm>>) target(%dma_start3A_272 : memref<64x128xf32, #tpu.memory_space<vmem>>) offsets(%dma_start3A_275 : memref<64xi32, #tpu.memory_space<vmem>>) semaphore(%arg16 : memref<!tpu.dma_semaphore, #tpu.memory_space<semaphore_mem>>)
        %dma_start3A_279 = arith.constant 0 : i32
        %dma_start3A_280 = arith.constant 0 : i32
        %dma_start3A_281 = arith.constant 64 : i32
        %dma_start3A_282 = arith.constant 0 : i32
        %dma_start3A_283 = tpu.memref_slice %arg10[%dma_start3A_280, %dma_start3A_281, %dma_start3A_282] : memref<2x128x128xf32, #tpu.memory_space<vmem>> -> memref<1x64x128xf32, #tpu.memory_space<vmem>>
        %dma_start3A_284 = tpu.memref_squeeze %dma_start3A_283 : memref<1x64x128xf32, #tpu.memory_space<vmem>> -> memref<64x128xf32, #tpu.memory_space<vmem>>
        %dma_start3A_285 = arith.constant 64 : i32
        %dma_start3A_286 = tpu.memref_slice %arg6[%dma_start3A_279, %dma_start3A_285] : memref<2x128xi32, #tpu.memory_space<vmem>> -> memref<1x64xi32, #tpu.memory_space<vmem>>
        %dma_start3A_287 = tpu.memref_squeeze %dma_start3A_286 : memref<1x64xi32, #tpu.memory_space<vmem>> -> memref<64xi32, #tpu.memory_space<vmem>>
        %dma_start3A_288 = arith.constant 0 : i32
        %dma_start3A_289 = arith.constant 0 : i32
        %dma_start3A_290 = tpu.memref_slice %arg2[%dma_start3A_288, %dma_start3A_289] : memref<10240x128xf32, #tpu.memory_space<hbm>> -> memref<10240x128xf32, #tpu.memory_space<hbm>>
        tpu.enqueue_indirect_dma source(%dma_start3A_290 : memref<10240x128xf32, #tpu.memory_space<hbm>>) target(%dma_start3A_284 : memref<64x128xf32, #tpu.memory_space<vmem>>) offsets(%dma_start3A_287 : memref<64xi32, #tpu.memory_space<vmem>>) semaphore(%arg16 : memref<!tpu.dma_semaphore, #tpu.memory_space<semaphore_mem>>)
      } else {
      }
      %dma_wait3A_229 = arith.constant 0 : i32
      %dma_wait3A_230 = arith.constant 1 : i32
      %dma_wait3A_231 = arith.constant 0 : i32
      %dma_wait3A_232 = arith.constant 0 : i32
      %dma_wait3A_233 = tpu.memref_slice %arg10[%dma_wait3A_230, %dma_wait3A_231, %dma_wait3A_232] : memref<2x128x128xf32, #tpu.memory_space<vmem>> -> memref<1x128x128xf32, #tpu.memory_space<vmem>>
      %dma_wait3A_234 = tpu.memref_squeeze %dma_wait3A_233 : memref<1x128x128xf32, #tpu.memory_space<vmem>> -> memref<128x128xf32, #tpu.memory_space<vmem>>
      %dma_wait3A_235 = arith.constant 0 : i32
      %dma_wait3A_236 = tpu.memref_slice %arg9[%dma_wait3A_229, %dma_wait3A_235] : memref<2x128xi32, #tpu.memory_space<vmem>> -> memref<1x128xi32, #tpu.memory_space<vmem>>
      %dma_wait3A_237 = tpu.memref_squeeze %dma_wait3A_236 : memref<1x128xi32, #tpu.memory_space<vmem>> -> memref<128xi32, #tpu.memory_space<vmem>>
      %dma_wait3A_238 = arith.constant 0 : i32
      %dma_wait3A_239 = arith.constant 0 : i32
      %dma_wait3A_240 = tpu.memref_slice %arg2[%dma_wait3A_238, %dma_wait3A_239] : memref<10240x128xf32, #tpu.memory_space<hbm>> -> memref<10240x128xf32, #tpu.memory_space<hbm>>
      tpu.wait_indirect_dma semaphore(%arg17 : memref<!tpu.dma_semaphore, #tpu.memory_space<semaphore_mem>>) src(%dma_wait3A_240 : memref<10240x128xf32, #tpu.memory_space<hbm>>) dst(%dma_wait3A_234 : memref<128x128xf32, #tpu.memory_space<vmem>>)
      %dma_start3A_241 = arith.constant 1 : i32
      %dma_start3A_242 = arith.constant 1 : i32
      %dma_start3A_243 = arith.constant 0 : i32
      %dma_start3A_244 = arith.constant 0 : i32
      %dma_start3A_245 = tpu.memref_slice %arg10[%dma_start3A_241, %dma_start3A_243, %dma_start3A_244] : memref<2x128x128xf32, #tpu.memory_space<vmem>> -> memref<1x128x128xf32, #tpu.memory_space<vmem>>
      %dma_start3A_246 = tpu.memref_squeeze %dma_start3A_245 : memref<1x128x128xf32, #tpu.memory_space<vmem>> -> memref<128x128xf32, #tpu.memory_space<vmem>>
      %dma_start3A_247 = arith.constant 0 : i32
      %dma_start3A_248 = tpu.memref_slice %arg9[%dma_start3A_242, %dma_start3A_247] : memref<2x128xi32, #tpu.memory_space<vmem>> -> memref<1x128xi32, #tpu.memory_space<vmem>>
      %dma_start3A_249 = tpu.memref_squeeze %dma_start3A_248 : memref<1x128xi32, #tpu.memory_space<vmem>> -> memref<128xi32, #tpu.memory_space<vmem>>
      %dma_start3A_250 = arith.constant 0 : i32
      %dma_start3A_251 = arith.constant 0 : i32
      %dma_start3A_252 = tpu.memref_slice %arg11[%dma_start3A_250, %dma_start3A_251] : memref<10240x128xf32, #tpu.memory_space<vmem_shared>> -> memref<10240x128xf32, #tpu.memory_space<vmem_shared>>
      tpu.enqueue_indirect_dma source(%dma_start3A_246 : memref<128x128xf32, #tpu.memory_space<vmem>>) target(%dma_start3A_252 : memref<10240x128xf32, #tpu.memory_space<vmem_shared>>) offsets(%dma_start3A_249 : memref<128xi32, #tpu.memory_space<vmem>>) semaphore(%arg19 : memref<!tpu.dma_semaphore, #tpu.memory_space<semaphore_mem>>) {add = true}
    }
    %scan3A_58 = arith.constant 10 : i32
    %dma_wait3A_59 = arith.constant 0 : i32
    %dma_wait3A_60 = arith.constant 1 : i32
    %dma_wait3A_61 = arith.constant 0 : i32
    %dma_wait3A_62 = arith.constant 0 : i32
    %dma_wait3A_63 = tpu.memref_slice %arg10[%dma_wait3A_59, %dma_wait3A_61, %dma_wait3A_62] : memref<2x128x128xf32, #tpu.memory_space<vmem>> -> memref<1x128x128xf32, #tpu.memory_space<vmem>>
    %dma_wait3A_64 = tpu.memref_squeeze %dma_wait3A_63 : memref<1x128x128xf32, #tpu.memory_space<vmem>> -> memref<128x128xf32, #tpu.memory_space<vmem>>
    %dma_wait3A_65 = arith.constant 0 : i32
    %dma_wait3A_66 = tpu.memref_slice %arg8[%dma_wait3A_60, %dma_wait3A_65] : memref<2x128xi32, #tpu.memory_space<vmem>> -> memref<1x128xi32, #tpu.memory_space<vmem>>
    %dma_wait3A_67 = tpu.memref_squeeze %dma_wait3A_66 : memref<1x128xi32, #tpu.memory_space<vmem>> -> memref<128xi32, #tpu.memory_space<vmem>>
    %dma_wait3A_68 = arith.constant 0 : i32
    %dma_wait3A_69 = arith.constant 0 : i32
    %dma_wait3A_70 = tpu.memref_slice %arg11[%dma_wait3A_68, %dma_wait3A_69] : memref<10240x128xf32, #tpu.memory_space<vmem_shared>> -> memref<10240x128xf32, #tpu.memory_space<vmem_shared>>
    tpu.wait_indirect_dma semaphore(%arg18 : memref<!tpu.dma_semaphore, #tpu.memory_space<semaphore_mem>>) src(%dma_wait3A_64 : memref<128x128xf32, #tpu.memory_space<vmem>>) dst(%dma_wait3A_70 : memref<10240x128xf32, #tpu.memory_space<vmem_shared>>)
    %dma_wait3A_71 = arith.constant 1 : i32
    %dma_wait3A_72 = arith.constant 1 : i32
    %dma_wait3A_73 = arith.constant 0 : i32
    %dma_wait3A_74 = arith.constant 0 : i32
    %dma_wait3A_75 = tpu.memref_slice %arg10[%dma_wait3A_71, %dma_wait3A_73, %dma_wait3A_74] : memref<2x128x128xf32, #tpu.memory_space<vmem>> -> memref<1x128x128xf32, #tpu.memory_space<vmem>>
    %dma_wait3A_76 = tpu.memref_squeeze %dma_wait3A_75 : memref<1x128x128xf32, #tpu.memory_space<vmem>> -> memref<128x128xf32, #tpu.memory_space<vmem>>
    %dma_wait3A_77 = arith.constant 0 : i32
    %dma_wait3A_78 = tpu.memref_slice %arg9[%dma_wait3A_72, %dma_wait3A_77] : memref<2x128xi32, #tpu.memory_space<vmem>> -> memref<1x128xi32, #tpu.memory_space<vmem>>
    %dma_wait3A_79 = tpu.memref_squeeze %dma_wait3A_78 : memref<1x128xi32, #tpu.memory_space<vmem>> -> memref<128xi32, #tpu.memory_space<vmem>>
    %dma_wait3A_80 = arith.constant 0 : i32
    %dma_wait3A_81 = arith.constant 0 : i32
    %dma_wait3A_82 = tpu.memref_slice %arg11[%dma_wait3A_80, %dma_wait3A_81] : memref<10240x128xf32, #tpu.memory_space<vmem_shared>> -> memref<10240x128xf32, #tpu.memory_space<vmem_shared>>
    tpu.wait_indirect_dma semaphore(%arg19 : memref<!tpu.dma_semaphore, #tpu.memory_space<semaphore_mem>>) src(%dma_wait3A_76 : memref<128x128xf32, #tpu.memory_space<vmem>>) dst(%dma_wait3A_82 : memref<10240x128xf32, #tpu.memory_space<vmem_shared>>)
    %barrier3A_83 = arith.constant 0 : index
    tpu.barrier barrier_id(%barrier3A_83)
    %mul3A_84 = arith.constant 640 : i32
    %mul3A_85 = arith.muli %arg1, %mul3A_84 : i32
    %mul3A_86 = arith.constant 10240 : i32
    %mul3A_87 = arith.muli %arg0, %mul3A_86 : i32
    %mul3A_88 = arith.constant 640 : i32
    %mul3A_89 = arith.muli %arg1, %mul3A_88 : i32
    %add3A_90 = arith.addi %mul3A_87, %mul3A_89 : i32
    "tpu.region"() ({
      %run_scoped3A = tpu.sem_alloc : memref<!tpu.dma_semaphore, #tpu.memory_space<semaphore_mem>>
      %dma_start3A_91 = arith.constant 0 : i32
      %dma_start3A_92 = tpu.memref_slice %arg5[%add3A_90, %dma_start3A_91] : memref<20480x128xf32, #tpu.memory_space<hbm>> -> memref<640x128xf32, #tpu.memory_space<hbm>>
      %dma_start3A_93 = arith.constant 0 : i32
      %dma_start3A_94 = tpu.memref_slice %arg11[%mul3A_85, %dma_start3A_93] : memref<10240x128xf32, #tpu.memory_space<vmem_shared>> -> memref<640x128xf32, #tpu.memory_space<vmem_shared>>
      tpu.enqueue_dma source(%dma_start3A_94 : memref<640x128xf32, #tpu.memory_space<vmem_shared>>) target(%dma_start3A_92 : memref<640x128xf32, #tpu.memory_space<hbm>>) target_semaphore(%run_scoped3A : memref<!tpu.dma_semaphore, #tpu.memory_space<semaphore_mem>>)
      %dma_wait3A_95 = arith.constant 0 : i32
      %dma_wait3A_96 = tpu.memref_slice %arg5[%add3A_90, %dma_wait3A_95] : memref<20480x128xf32, #tpu.memory_space<hbm>> -> memref<640x128xf32, #tpu.memory_space<hbm>>
      %dma_wait3A_97 = arith.constant 0 : i32
      %dma_wait3A_98 = tpu.memref_slice %arg11[%mul3A_85, %dma_wait3A_97] : memref<10240x128xf32, #tpu.memory_space<vmem_shared>> -> memref<640x128xf32, #tpu.memory_space<vmem_shared>>
      tpu.wait_dma2 semaphore(%run_scoped3A : memref<!tpu.dma_semaphore, #tpu.memory_space<semaphore_mem>>) src(%dma_wait3A_98 : memref<640x128xf32, #tpu.memory_space<vmem_shared>>) dst(%dma_wait3A_96 : memref<640x128xf32, #tpu.memory_space<hbm>>)
      tpu.yield
    }) : () -> ()
    return
  }
}

module attributes {stable_mosaic.version = 14 : i64} {
  func.func @_tc1_body(%arg0: i32, %arg1: memref<256x256xf32, #tpu.memory_space<vmem>>, %arg2: memref<256x256xf32, #tpu.memory_space<vmem>>, %arg3: memref<2x256x16xf32, #tpu.memory_space<vmem>>, %arg4: memref<256x256xf32, #tpu.memory_space<vmem>>, %arg5: memref<2x256x128xf32, #tpu.memory_space<vmem>>) attributes {dimension_semantics = [#tpu.dimension_semantics<arbitrary>], iteration_bounds = array<i64: 40>, scalar_prefetch = 0 : i64, scratch_operands = 0 : i64, tpu.core_type = #tpu.core_type<tc>, window_params = [{transform_indices = @transform_0, window_bounds = array<i64: 256, 256>}, {pipeline_mode = #tpu.pipeline_mode<synchronous>, transform_indices = @transform_1, window_bounds = array<i64: 256, 256>}, {transform_indices = @transform_2, window_bounds = array<i64: 2, 256, 16>}, {transform_indices = @transform_3, window_bounds = array<i64: 256, 256>}, {transform_indices = @transform_4, window_bounds = array<i64: 2, 256, 128>}]} {
    %get3A = arith.constant 0 : index
    %get3A_0 = arith.constant 0 : index
    %get3A_1 = arith.constant 0 : index
    %get3A_2 = vector.load %arg3[%get3A, %get3A_0, %get3A_1] : memref<2x256x16xf32, #tpu.memory_space<vmem>>, vector<1x256x1xf32>
    %get3A_3 = vector.shape_cast %get3A_2 : vector<1x256x1xf32> to vector<256xf32>
    %get3A_4 = arith.constant 1 : index
    %get3A_5 = arith.constant 0 : index
    %get3A_6 = arith.constant 0 : index
    %get3A_7 = vector.load %arg3[%get3A_4, %get3A_5, %get3A_6] : memref<2x256x16xf32, #tpu.memory_space<vmem>>, vector<1x256x1xf32>
    %get3A_8 = vector.shape_cast %get3A_7 : vector<1x256x1xf32> to vector<256xf32>
    %add3A = arith.addf %get3A_3, %get3A_8 : vector<256xf32>
    %add3A_9 = arith.constant 1.000000e+00 : f32
    %add3A_10 = vector.broadcast %add3A_9 : f32 to vector<256xf32>
    %add3A_11 = arith.addf %add3A, %add3A_10 : vector<256xf32>
    %add3A_12 = arith.constant 9.99999993E-9 : f32
    %add3A_13 = vector.broadcast %add3A_12 : f32 to vector<256xf32>
    %add3A_14 = arith.addf %add3A_11, %add3A_13 : vector<256xf32>
    %rsqrt3A = math.rsqrt %add3A_14 : vector<256xf32>
    %get3A_15 = arith.constant 0 : index
    %get3A_16 = arith.constant 0 : index
    %get3A_17 = vector.load %arg1[%get3A_15, %get3A_16] : memref<256x256xf32, #tpu.memory_space<vmem>>, vector<256x256xf32>
    %get3A_18 = arith.constant 0 : index
    %get3A_19 = arith.constant 0 : index
    %get3A_20 = vector.load %arg2[%get3A_18, %get3A_19] : memref<256x256xf32, #tpu.memory_space<vmem>>, vector<256x256xf32>
    %dot_general3A = arith.constant dense<0.000000e+00> : vector<256x256xf32>
    %dot_general3A_21 = tpu.matmul %get3A_17, %get3A_20, %dot_general3A {dimension_numbers = #tpu.dot_dimension_numbers<[1], [0], [0], [1], [0, 0, 1, 1], [], []>, transpose_lhs_hint = false} : vector<256x256xf32>, vector<256x256xf32>, vector<256x256xf32> -> vector<256x256xf32>
    %swap3A = arith.constant 0 : index
    %swap3A_22 = arith.constant 0 : index
    %swap3A_23 = vector.load %arg4[%swap3A, %swap3A_22] : memref<256x256xf32, #tpu.memory_space<vmem>>, vector<256x256xf32>
    tpu.vector_store %arg4[%swap3A, %swap3A_22], %dot_general3A_21 {strides = array<i32>} : memref<256x256xf32, #tpu.memory_space<vmem>>, vector<256x256xf32>,
    %broadcast_in_dim3A = vector.shape_cast %rsqrt3A : vector<256xf32> to vector<256x1xf32>
    %mul3A = vector.broadcast %broadcast_in_dim3A : vector<256x1xf32> to vector<256x256xf32>
    %mul3A_24 = arith.mulf %dot_general3A_21, %mul3A : vector<256x256xf32>
    %slice3A = vector.extract_strided_slice %mul3A_24 {offsets = [0, 0], sizes = [256, 128], strides = [1, 1]} : vector<256x256xf32> to vector<256x128xf32>
    %swap3A_25 = arith.constant 0 : index
    %swap3A_26 = arith.constant 0 : index
    %swap3A_27 = arith.constant 0 : index
    %swap3A_28 = vector.load %arg5[%swap3A_25, %swap3A_26, %swap3A_27] : memref<2x256x128xf32, #tpu.memory_space<vmem>>, vector<1x256x128xf32>
    %swap3A_29 = vector.shape_cast %swap3A_28 : vector<1x256x128xf32> to vector<256x128xf32>
    %swap3A_30 = vector.shape_cast %slice3A : vector<256x128xf32> to vector<1x256x128xf32>
    tpu.vector_store %arg5[%swap3A_25, %swap3A_26, %swap3A_27], %swap3A_30 {strides = array<i32>} : memref<2x256x128xf32, #tpu.memory_space<vmem>>, vector<1x256x128xf32>,
    %slice3A_31 = vector.extract_strided_slice %mul3A_24 {offsets = [0, 128], sizes = [256, 128], strides = [1, 1]} : vector<256x256xf32> to vector<256x128xf32>
    %swap3A_32 = arith.constant 1 : index
    %swap3A_33 = arith.constant 0 : index
    %swap3A_34 = arith.constant 0 : index
    %swap3A_35 = vector.load %arg5[%swap3A_32, %swap3A_33, %swap3A_34] : memref<2x256x128xf32, #tpu.memory_space<vmem>>, vector<1x256x128xf32>
    %swap3A_36 = vector.shape_cast %swap3A_35 : vector<1x256x128xf32> to vector<256x128xf32>
    %swap3A_37 = vector.shape_cast %slice3A_31 : vector<256x128xf32> to vector<1x256x128xf32>
    tpu.vector_store %arg5[%swap3A_32, %swap3A_33, %swap3A_34], %swap3A_37 {strides = array<i32>} : memref<2x256x128xf32, #tpu.memory_space<vmem>>, vector<1x256x128xf32>,
    return
  }
  func.func @transform_0(%arg0: i32) -> (i32, i32) {
    %c0_i32 = arith.constant 0 : i32
    %c0_i32_0 = arith.constant 0 : i32
    return %arg0, %c0_i32 : i32, i32
  }
  func.func @transform_1(%arg0: i32) -> (i32, i32) {
    %c0_i32 = arith.constant 0 : i32
    %c0_i32_0 = arith.constant 0 : i32
    %c0_i32_1 = arith.constant 0 : i32
    return %c0_i32, %c0_i32_0 : i32, i32
  }
  func.func @transform_2(%arg0: i32) -> (i32, i32, i32) {
    %c0_i32 = arith.constant 0 : i32
    %c0_i32_0 = arith.constant 0 : i32
    %c0_i32_1 = arith.constant 0 : i32
    return %c0_i32, %arg0, %c0_i32_0 : i32, i32, i32
  }
  func.func @transform_3(%arg0: i32) -> (i32, i32) {
    %c0_i32 = arith.constant 0 : i32
    %c0_i32_0 = arith.constant 0 : i32
    return %arg0, %c0_i32 : i32, i32
  }
  func.func @transform_4(%arg0: i32) -> (i32, i32, i32) {
    %c0_i32 = arith.constant 0 : i32
    %c0_i32_0 = arith.constant 0 : i32
    %c0_i32_1 = arith.constant 0 : i32
    return %c0_i32, %arg0, %c0_i32_0 : i32, i32, i32
  }
}

module attributes {stable_mosaic.version = 14 : i64} {
  func.func @_tc2_body(%arg0: i32, %arg1: memref<2x256x128xf32, #tpu.memory_space<vmem>>, %arg2: memref<256x256xf32, #tpu.memory_space<vmem>>, %arg3: memref<2x256x16xf32, #tpu.memory_space<vmem>>, %arg4: memref<1x256xf32, #tpu.memory_space<vmem>>, %arg5: memref<256x64xf32, #tpu.memory_space<vmem>>, %arg6: memref<256x64xf32, #tpu.memory_space<vmem>>, %arg7: memref<256x128xf32, #tpu.memory_space<vmem>>) attributes {dimension_semantics = [#tpu.dimension_semantics<arbitrary>], iteration_bounds = array<i64: 40>, scalar_prefetch = 0 : i64, scratch_operands = 0 : i64, tpu.core_type = #tpu.core_type<tc>, window_params = [{transform_indices = @transform_0, window_bounds = array<i64: 2, 256, 128>}, {transform_indices = @transform_1, window_bounds = array<i64: 256, 256>}, {transform_indices = @transform_2, window_bounds = array<i64: 2, 256, 16>}, {pipeline_mode = #tpu.pipeline_mode<synchronous>, transform_indices = @transform_3, window_bounds = array<i64: 1, 256>}, {pipeline_mode = #tpu.pipeline_mode<synchronous>, transform_indices = @transform_4, window_bounds = array<i64: 256, 64>}, {transform_indices = @transform_5, window_bounds = array<i64: 256, 64>}, {transform_indices = @transform_6, window_bounds = array<i64: 256, 128>}]} {
    %get3A = arith.constant 0 : index
    %get3A_0 = arith.constant 0 : index
    %get3A_1 = arith.constant 0 : index
    %get3A_2 = vector.load %arg3[%get3A, %get3A_0, %get3A_1] : memref<2x256x16xf32, #tpu.memory_space<vmem>>, vector<1x256x1xf32>
    %get3A_3 = vector.shape_cast %get3A_2 : vector<1x256x1xf32> to vector<256xf32>
    %get3A_4 = arith.constant 1 : index
    %get3A_5 = arith.constant 0 : index
    %get3A_6 = arith.constant 0 : index
    %get3A_7 = vector.load %arg3[%get3A_4, %get3A_5, %get3A_6] : memref<2x256x16xf32, #tpu.memory_space<vmem>>, vector<1x256x1xf32>
    %get3A_8 = vector.shape_cast %get3A_7 : vector<1x256x1xf32> to vector<256xf32>
    %add3A = arith.addf %get3A_3, %get3A_8 : vector<256xf32>
    %add3A_9 = arith.constant 1.000000e+00 : f32
    %add3A_10 = vector.broadcast %add3A_9 : f32 to vector<256xf32>
    %add3A_11 = arith.addf %add3A, %add3A_10 : vector<256xf32>
    %add3A_12 = arith.constant 9.99999993E-9 : f32
    %add3A_13 = vector.broadcast %add3A_12 : f32 to vector<256xf32>
    %add3A_14 = arith.addf %add3A_11, %add3A_13 : vector<256xf32>
    %rsqrt3A = math.rsqrt %add3A_14 : vector<256xf32>
    %get3A_15 = arith.constant 0 : index
    %get3A_16 = arith.constant 0 : index
    %get3A_17 = arith.constant 0 : index
    %get3A_18 = vector.load %arg1[%get3A_15, %get3A_16, %get3A_17] : memref<2x256x128xf32, #tpu.memory_space<vmem>>, vector<1x256x128xf32>
    %get3A_19 = vector.shape_cast %get3A_18 : vector<1x256x128xf32> to vector<256x128xf32>
    %get3A_20 = arith.constant 1 : index
    %get3A_21 = arith.constant 0 : index
    %get3A_22 = arith.constant 0 : index
    %get3A_23 = vector.load %arg1[%get3A_20, %get3A_21, %get3A_22] : memref<2x256x128xf32, #tpu.memory_space<vmem>>, vector<1x256x128xf32>
    %get3A_24 = vector.shape_cast %get3A_23 : vector<1x256x128xf32> to vector<256x128xf32>
    %concatenate3A = tpu.concatenate %get3A_19, %get3A_24 in 1 : vector<256x128xf32>, vector<256x128xf32> -> vector<256x256xf32>
    %broadcast_in_dim3A = vector.shape_cast %rsqrt3A : vector<256xf32> to vector<256x1xf32>
    %mul3A = vector.broadcast %broadcast_in_dim3A : vector<256x1xf32> to vector<256x256xf32>
    %mul3A_25 = arith.mulf %mul3A, %concatenate3A : vector<256x256xf32>
    %mul3A_26 = arith.mulf %rsqrt3A, %rsqrt3A : vector<256xf32>
    %broadcast_in_dim3A_27 = vector.shape_cast %mul3A_26 : vector<256xf32> to vector<256x1xf32>
    %get3A_28 = arith.constant 0 : index
    %get3A_29 = arith.constant 0 : index
    %get3A_30 = vector.load %arg2[%get3A_28, %get3A_29] : memref<256x256xf32, #tpu.memory_space<vmem>>, vector<256x256xf32>
    %mul3A_31 = vector.broadcast %broadcast_in_dim3A_27 : vector<256x1xf32> to vector<256x256xf32>
    %mul3A_32 = arith.mulf %mul3A_31, %get3A_30 : vector<256x256xf32>
    %add3A_33 = arith.addf %mul3A_25, %mul3A_32 : vector<256x256xf32>
    %get3A_34 = arith.constant 0 : index
    %get3A_35 = arith.constant 0 : index
    %get3A_36 = vector.load %arg4[%get3A_34, %get3A_35] : memref<1x256xf32, #tpu.memory_space<vmem>>, vector<1x256xf32>
    %add3A_37 = vector.broadcast %get3A_36 : vector<1x256xf32> to vector<256x256xf32>
    %add3A_38 = arith.addf %add3A_33, %add3A_37 : vector<256x256xf32>
    %max3A = arith.constant 0.000000e+00 : f32
    %max3A_39 = vector.broadcast %max3A : f32 to vector<256x256xf32>
    %max3A_40 = arith.maximumf %add3A_38, %max3A_39 : vector<256x256xf32>
    %get3A_41 = arith.constant 0 : index
    %get3A_42 = arith.constant 0 : index
    %get3A_43 = vector.load %arg5[%get3A_41, %get3A_42] : memref<256x64xf32, #tpu.memory_space<vmem>>, vector<256x64xf32>
    %dot_general3A = arith.constant dense<0.000000e+00> : vector<256x64xf32>
    %dot_general3A_44 = tpu.matmul %max3A_40, %get3A_43, %dot_general3A {dimension_numbers = #tpu.dot_dimension_numbers<[1], [0], [0], [1], [0, 0, 1, 1], [], []>, transpose_lhs_hint = false} : vector<256x256xf32>, vector<256x64xf32>, vector<256x64xf32> -> vector<256x64xf32>
    %swap3A = arith.constant 0 : index
    %swap3A_45 = arith.constant 0 : index
    %swap3A_46 = vector.load %arg6[%swap3A, %swap3A_45] : memref<256x64xf32, #tpu.memory_space<vmem>>, vector<256x64xf32>
    tpu.vector_store %arg6[%swap3A, %swap3A_45], %dot_general3A_44 {strides = array<i32>} : memref<256x64xf32, #tpu.memory_space<vmem>>, vector<256x64xf32>,
    %broadcast_in_dim3A_47 = vector.shape_cast %rsqrt3A : vector<256xf32> to vector<256x1xf32>
    %mul3A_48 = vector.broadcast %broadcast_in_dim3A_47 : vector<256x1xf32> to vector<256x64xf32>
    %mul3A_49 = arith.mulf %dot_general3A_44, %mul3A_48 : vector<256x64xf32>
    %swap3A_50 = arith.constant 0 : index
    %swap3A_51 = arith.constant 0 : index
    %swap3A_52 = vector.load %arg7[%swap3A_50, %swap3A_51] : memref<256x128xf32, #tpu.memory_space<vmem>>, vector<256x64xf32>
    tpu.vector_store %arg7[%swap3A_50, %swap3A_51], %mul3A_49 {strides = array<i32>} : memref<256x128xf32, #tpu.memory_space<vmem>>, vector<256x64xf32>,
    %broadcast_in_dim3A_53 = arith.constant 0.000000e+00 : f32
    %broadcast_in_dim3A_54 = vector.broadcast %broadcast_in_dim3A_53 : f32 to vector<256x64xf32>
    %swap3A_55 = arith.constant 0 : index
    %swap3A_56 = arith.constant 64 : index
    %swap3A_57 = vector.load %arg7[%swap3A_55, %swap3A_56] : memref<256x128xf32, #tpu.memory_space<vmem>>, vector<256x64xf32>
    tpu.vector_store %arg7[%swap3A_55, %swap3A_56], %broadcast_in_dim3A_54 {strides = array<i32>} : memref<256x128xf32, #tpu.memory_space<vmem>>, vector<256x64xf32>,
    return
  }
  func.func @transform_0(%arg0: i32) -> (i32, i32, i32) {
    %c0_i32 = arith.constant 0 : i32
    %c0_i32_0 = arith.constant 0 : i32
    %c0_i32_1 = arith.constant 0 : i32
    return %c0_i32, %arg0, %c0_i32_0 : i32, i32, i32
  }
  func.func @transform_1(%arg0: i32) -> (i32, i32) {
    %c0_i32 = arith.constant 0 : i32
    %c0_i32_0 = arith.constant 0 : i32
    return %arg0, %c0_i32 : i32, i32
  }
  func.func @transform_2(%arg0: i32) -> (i32, i32, i32) {
    %c0_i32 = arith.constant 0 : i32
    %c0_i32_0 = arith.constant 0 : i32
    %c0_i32_1 = arith.constant 0 : i32
    return %c0_i32, %arg0, %c0_i32_0 : i32, i32, i32
  }
  func.func @transform_3(%arg0: i32) -> (i32, i32) {
    %c0_i32 = arith.constant 0 : i32
    %c0_i32_0 = arith.constant 0 : i32
    %c0_i32_1 = arith.constant 0 : i32
    return %c0_i32, %c0_i32_0 : i32, i32
  }
  func.func @transform_4(%arg0: i32) -> (i32, i32) {
    %c0_i32 = arith.constant 0 : i32
    %c0_i32_0 = arith.constant 0 : i32
    %c0_i32_1 = arith.constant 0 : i32
    return %c0_i32, %c0_i32_0 : i32, i32
  }
  func.func @transform_5(%arg0: i32) -> (i32, i32) {
    %c0_i32 = arith.constant 0 : i32
    %c0_i32_0 = arith.constant 0 : i32
    return %arg0, %c0_i32 : i32, i32
  }
  func.func @transform_6(%arg0: i32) -> (i32, i32) {
    %c0_i32 = arith.constant 0 : i32
    %c0_i32_0 = arith.constant 0 : i32
    return %arg0, %c0_i32 : i32, i32
  }
}

module attributes {stable_mosaic.version = 14 : i64} {
  func.func @_tc3_body(%arg0: i32, %arg1: memref<2x256x128xf32, #tpu.memory_space<vmem>>, %arg2: memref<256x64xf32, #tpu.memory_space<vmem>>, %arg3: memref<2x256x16xf32, #tpu.memory_space<vmem>>, %arg4: memref<1x64xf32, #tpu.memory_space<vmem>>, %arg5: memref<256x64xf32, #tpu.memory_space<vmem>>) attributes {dimension_semantics = [#tpu.dimension_semantics<arbitrary>], iteration_bounds = array<i64: 40>, scalar_prefetch = 0 : i64, scratch_operands = 0 : i64, tpu.core_type = #tpu.core_type<tc>, window_params = [{transform_indices = @transform_0, window_bounds = array<i64: 2, 256, 128>}, {transform_indices = @transform_1, window_bounds = array<i64: 256, 64>}, {transform_indices = @transform_2, window_bounds = array<i64: 2, 256, 16>}, {pipeline_mode = #tpu.pipeline_mode<synchronous>, transform_indices = @transform_3, window_bounds = array<i64: 1, 64>}, {transform_indices = @transform_4, window_bounds = array<i64: 256, 64>}]} {
    %get3A = arith.constant 0 : index
    %get3A_0 = arith.constant 0 : index
    %get3A_1 = arith.constant 0 : index
    %get3A_2 = vector.load %arg3[%get3A, %get3A_0, %get3A_1] : memref<2x256x16xf32, #tpu.memory_space<vmem>>, vector<1x256x1xf32>
    %get3A_3 = vector.shape_cast %get3A_2 : vector<1x256x1xf32> to vector<256xf32>
    %get3A_4 = arith.constant 1 : index
    %get3A_5 = arith.constant 0 : index
    %get3A_6 = arith.constant 0 : index
    %get3A_7 = vector.load %arg3[%get3A_4, %get3A_5, %get3A_6] : memref<2x256x16xf32, #tpu.memory_space<vmem>>, vector<1x256x1xf32>
    %get3A_8 = vector.shape_cast %get3A_7 : vector<1x256x1xf32> to vector<256xf32>
    %add3A = arith.addf %get3A_3, %get3A_8 : vector<256xf32>
    %add3A_9 = arith.constant 1.000000e+00 : f32
    %add3A_10 = vector.broadcast %add3A_9 : f32 to vector<256xf32>
    %add3A_11 = arith.addf %add3A, %add3A_10 : vector<256xf32>
    %add3A_12 = arith.constant 9.99999993E-9 : f32
    %add3A_13 = vector.broadcast %add3A_12 : f32 to vector<256xf32>
    %add3A_14 = arith.addf %add3A_11, %add3A_13 : vector<256xf32>
    %rsqrt3A = math.rsqrt %add3A_14 : vector<256xf32>
    %broadcast_in_dim3A = vector.shape_cast %rsqrt3A : vector<256xf32> to vector<256x1xf32>
    %get3A_15 = arith.constant 0 : index
    %get3A_16 = arith.constant 0 : index
    %get3A_17 = arith.constant 0 : index
    %get3A_18 = vector.load %arg1[%get3A_15, %get3A_16, %get3A_17] : memref<2x256x128xf32, #tpu.memory_space<vmem>>, vector<1x256x64xf32>
    %get3A_19 = vector.shape_cast %get3A_18 : vector<1x256x64xf32> to vector<256x64xf32>
    %get3A_20 = arith.constant 1 : index
    %get3A_21 = arith.constant 0 : index
    %get3A_22 = arith.constant 0 : index
    %get3A_23 = vector.load %arg1[%get3A_20, %get3A_21, %get3A_22] : memref<2x256x128xf32, #tpu.memory_space<vmem>>, vector<1x256x64xf32>
    %get3A_24 = vector.shape_cast %get3A_23 : vector<1x256x64xf32> to vector<256x64xf32>
    %add3A_25 = arith.addf %get3A_19, %get3A_24 : vector<256x64xf32>
    %mul3A = vector.broadcast %broadcast_in_dim3A : vector<256x1xf32> to vector<256x64xf32>
    %mul3A_26 = arith.mulf %mul3A, %add3A_25 : vector<256x64xf32>
    %mul3A_27 = arith.mulf %rsqrt3A, %rsqrt3A : vector<256xf32>
    %broadcast_in_dim3A_28 = vector.shape_cast %mul3A_27 : vector<256xf32> to vector<256x1xf32>
    %get3A_29 = arith.constant 0 : index
    %get3A_30 = arith.constant 0 : index
    %get3A_31 = vector.load %arg2[%get3A_29, %get3A_30] : memref<256x64xf32, #tpu.memory_space<vmem>>, vector<256x64xf32>
    %mul3A_32 = vector.broadcast %broadcast_in_dim3A_28 : vector<256x1xf32> to vector<256x64xf32>
    %mul3A_33 = arith.mulf %mul3A_32, %get3A_31 : vector<256x64xf32>
    %add3A_34 = arith.addf %mul3A_26, %mul3A_33 : vector<256x64xf32>
    %get3A_35 = arith.constant 0 : index
    %get3A_36 = arith.constant 0 : index
    %get3A_37 = vector.load %arg4[%get3A_35, %get3A_36] : memref<1x64xf32, #tpu.memory_space<vmem>>, vector<1x64xf32>
    %add3A_38 = vector.broadcast %get3A_37 : vector<1x64xf32> to vector<256x64xf32>
    %add3A_39 = arith.addf %add3A_34, %add3A_38 : vector<256x64xf32>
    %reduce_max3A = arith.constant dense<0xFF800000> : vector<256xf32>
    %reduce_max3A_40 = vector.multi_reduction <maximumf>, %add3A_39, %reduce_max3A [1] : vector<256x64xf32> to vector<256xf32>
    %broadcast_in_dim3A_41 = vector.shape_cast %reduce_max3A_40 : vector<256xf32> to vector<256x1xf32>
    %sub3A = vector.broadcast %broadcast_in_dim3A_41 : vector<256x1xf32> to vector<256x64xf32>
    %sub3A_42 = arith.subf %add3A_39, %sub3A : vector<256x64xf32>
    %exp3A = math.exp %sub3A_42 : vector<256x64xf32>
    %reduce_sum3A = arith.constant dense<0.000000e+00> : vector<256xf32>
    %reduce_sum3A_43 = vector.multi_reduction <add>, %exp3A, %reduce_sum3A [1] : vector<256x64xf32> to vector<256xf32>
    %broadcast_in_dim3A_44 = vector.shape_cast %reduce_sum3A_43 : vector<256xf32> to vector<256x1xf32>
    %log3A = math.log %broadcast_in_dim3A_44 : vector<256x1xf32>
    %sub3A_45 = vector.broadcast %broadcast_in_dim3A_41 : vector<256x1xf32> to vector<256x64xf32>
    %sub3A_46 = arith.subf %add3A_39, %sub3A_45 : vector<256x64xf32>
    %sub3A_47 = vector.broadcast %log3A : vector<256x1xf32> to vector<256x64xf32>
    %sub3A_48 = arith.subf %sub3A_46, %sub3A_47 : vector<256x64xf32>
    %swap3A = arith.constant 0 : index
    %swap3A_49 = arith.constant 0 : index
    %swap3A_50 = vector.load %arg5[%swap3A, %swap3A_49] : memref<256x64xf32, #tpu.memory_space<vmem>>, vector<256x64xf32>
    tpu.vector_store %arg5[%swap3A, %swap3A_49], %sub3A_48 {strides = array<i32>} : memref<256x64xf32, #tpu.memory_space<vmem>>, vector<256x64xf32>,
    return
  }
  func.func @transform_0(%arg0: i32) -> (i32, i32, i32) {
    %c0_i32 = arith.constant 0 : i32
    %c0_i32_0 = arith.constant 0 : i32
    %c0_i32_1 = arith.constant 0 : i32
    return %c0_i32, %arg0, %c0_i32_0 : i32, i32, i32
  }
  func.func @transform_1(%arg0: i32) -> (i32, i32) {
    %c0_i32 = arith.constant 0 : i32
    %c0_i32_0 = arith.constant 0 : i32
    return %arg0, %c0_i32 : i32, i32
  }
  func.func @transform_2(%arg0: i32) -> (i32, i32, i32) {
    %c0_i32 = arith.constant 0 : i32
    %c0_i32_0 = arith.constant 0 : i32
    %c0_i32_1 = arith.constant 0 : i32
    return %c0_i32, %arg0, %c0_i32_0 : i32, i32, i32
  }
  func.func @transform_3(%arg0: i32) -> (i32, i32) {
    %c0_i32 = arith.constant 0 : i32
    %c0_i32_0 = arith.constant 0 : i32
    %c0_i32_1 = arith.constant 0 : i32
    return %c0_i32, %c0_i32_0 : i32, i32
  }
  func.func @transform_4(%arg0: i32) -> (i32, i32) {
    %c0_i32 = arith.constant 0 : i32
    %c0_i32_0 = arith.constant 0 : i32
    return %arg0, %c0_i32 : i32, i32
  }
}

</mosaic_0001>

<sc_bundles>
// kernel: kernel.11.cloned.1.call-start
scs
__scs_entry_jumppad:
0x0: {  	(pc) =	sbr.rel $0x88, $3  }
0x1: {  	(tag) =	ssettag $0x0;
	lr =	simm.s32 $0x1  }
0x2: {  	[smem:$0x3F9B] =	sst lr;
	_ =	strace $0xD0000000  }
0x3: {  	_ = 	snop  }
0x4: {  	_ = 	snop  }
0x5: {  	_ = 	snop  }
0x6: {  	_ = 	snop  }
0x7: {  	_ = 	snop  }
__scs_overlays_trampoline_lowered:
0x8: {  	[smem:$0x3FAA] =	sst s0  }
0x9: {  	[smem:$0x3FAB] =	sst s1  }
0xa: {  	[smem:$0x3FAC] =	sst s2  }
0xb: {  	[smem:$0x3FAD] =	sst s3  }
0xc: {  	[smem:$0x3FAE] =	sst s4  }
0xd: {  	[smem:$0x3FAF] =	sst s5  }
0xe: {  	[smem:$0x3FB0] =	sst s6  }
0xf: {  	[smem:$0x3FB1] =	sst s7  }
0x10: {  	[smem:$0x3FB2] =	sst s8  }
0x11: {  	[smem:$0x3FB3] =	sst s9;
	s0 =	simm.s32 @!p0 $0x0  }
0x12: {  	s1 =	sld [smem:$0x3F99];
	s0 =	simm.s32 @p0 $0x1  }
0x13: {  	[smem:$0x3FB4] =	sst s0;
	s0 =	simm.s32 @!p1 $0x0  }
0x14: {  	s2 =	sld [smem:$0x3F98];
	s0 =	simm.s32 @p1 $0x1  }
0x15: {  	[smem:$0x3FB5] =	sst s0;
	s0 =	simm.s32 @!p2 $0x0  }
0x16: {  	s3 =	sld [smem:$0x3FDB];
	s0 =	simm.s32 @p2 $0x1  }
0x17: {  	s4 =	simm.s32 $0x1BF5;
	[smem:$0x3FB7] =	sst s0  }
0x18: {  	s0 =	sld [smem:$0x3F9A];
	_ =	swait.ge [sflag:s4], $0x0  }
0x19: {  	s7 =	sld [smem:$0x3F9B]  }
0x1a: {  	s8 =	sadd.s32 $0xFFFFE003, lr  }
0x1b: {  	s9 =	sadd.s32 $0xFFFFFEF7, lr;
	s5 =	simm.s32 $0xFFFFFFFF;
	p2 =	slt.u32 s8, $0xFFFFF086  }
0x1c: {  	p1 =	slt.u32 s9, $0xF7A;
	s5 =	simm.s32 @!p2 $0x0  }
0x1d: {  	s5 =	simm.s32 @p1 $0x1;
	p0 =	seq.s32 s7, s2  }
0x1e: {  	s7 =	smul.u32 @!p0 $0xF7A, s2;
	p2 =	seq.s32 @!p0 s5, $0x0  }
0x1f: {  	s9 =	smul.u32 $0xF7A, s1;
	s8 =	simm.s32 @!p0 $0x1BF5;
	p2 =	por !p2, p0  }
0x20: {  	[sflag:s8] =	ssyncset.s32 @!p0 $0xFFFFF086;
	s6 =	sadd.s32 @!p0 s3, s7;
	s7 =	simm.s32 @!p0 $0x108  }
0x21: {  	s3 =	sadd.s32 s3, s9;
	s6 =	sadd.s32 @!p0 $0x88, s6;
	s7 =	simm.s32 @p2 $0x1082  }
0x22: {  	[simem:s7], [sflag:s8] =	dma.local @!p0 [hbm:s6], $0xF7A  }
0x23: {  	s9 =	sor.u32 $0xD0000000, s2;
	s6 =	simm.s32 $0x108;
	_ =	swait.ge @!p0 [sflag:s8], $0x0  }
0x24: {  	s3 =	sadd.s32 $0x88, s3;
	s6 =	simm.s32 @!p1 $0x1082;
	[sflag:s4] =	ssyncset.s32 $0xFFFFF086  }
0x25: {  	[simem:s6], [sflag:s4] =	dma.local [hbm:s3], $0xF7A  }
0x26: {  	[smem:$0x3F9B] =	sst s1;
	(tag) =	ssettag s2;
	_ =	strace s9  }
0x27: {  	s1 =	sld [smem:$0x3FAB]  }
0x28: {  	s2 =	sld [smem:$0x3FAC]  }
0x29: {  	s4 =	sld [smem:$0x3FAE]  }
0x2a: {  	p0 =	seq.s32 s5, $0x0;
	s5 =	sld [smem:$0x3FAF]  }
0x2b: {  	s6 =	sld [smem:$0x3FB0]  }
0x2c: {  	s7 =	sld [smem:$0x3FB1]  }
0x2d: {  	s3 =	simm.s32 $0x108;
	s8 =	sld [smem:$0x3FB2]  }
0x2e: {  	s3 =	simm.s32 @!p0 $0x1082;
	s9 =	sld [smem:$0x3FB3]  }
0x2f: {  	lr =	sadd.s32 s0, s3;
	s0 =	sld [smem:$0x3FAA]  }
0x30: {  	s3 =	sld [smem:$0x3FAD]  }
0x31: {  	[smem:$0x3FB6] =	sst s10  }
0x32: {  	s10 =	sld [smem:$0x3FB4];
	_ =	sdelay $0x3  }
0x33: {  	p0 =	seq.s32 s10, $0x1;
	s10 =	sld [smem:$0x3FB6];
	_ =	sdelay $0x3  }
0x34: {  	[smem:$0x3FB6] =	sst s10  }
0x35: {  	s10 =	sld [smem:$0x3FB5];
	_ =	sdelay $0x3  }
0x36: {  	p1 =	seq.s32 s10, $0x1;
	s10 =	sld [smem:$0x3FB6];
	_ =	sdelay $0x3  }
0x37: {  	[smem:$0x3FB6] =	sst s10  }
0x38: {  	s10 =	sld [smem:$0x3FB7]  }
0x39: {  	_ = 	snop;
	(pc) =	sbr.ind lr, $3  }
0x3a: {  	_ = 	snop  }
0x3b: {  	_ = 	snop  }
0x3c: {  	p2 =	seq.s32 s10, $0x1;
	s10 =	sld [smem:$0x3FB6]  }
0x3d: {  	_ =	shalt  }
0x3e: {  	_ =	shalt  }
0x3f: {  	_ =	shalt  }
0x40: {  	_ =	shalt  }
0x41: {  	_ =	shalt  }
0x42: {  	_ =	shalt  }
0x43: {  	_ =	shalt  }
0x44: {  	_ =	shalt  }
0x45: {  	_ =	shalt  }
0x46: {  	_ =	shalt  }
0x47: {  	_ =	shalt  }
0x48: {  	_ =	shalt  }
0x49: {  	_ =	shalt  }
0x4a: {  	_ =	shalt  }
0x4b: {  	_ =	shalt  }
0x4c: {  	_ =	shalt  }
0x4d: {  	_ =	shalt  }
0x4e: {  	_ =	shalt  }
0x4f: {  	_ =	shalt  }
0x50: {  	_ =	shalt  }
0x51: {  	_ =	shalt  }
0x52: {  	_ =	shalt  }
0x53: {  	_ =	shalt  }
0x54: {  	_ =	shalt  }
0x55: {  	_ =	shalt  }
0x56: {  	_ =	shalt  }
0x57: {  	_ =	shalt  }
0x58: {  	_ =	shalt  }
0x59: {  	_ =	shalt  }
0x5a: {  	_ =	shalt  }
0x5b: {  	_ =	shalt  }
0x5c: {  	_ =	shalt  }
0x5d: {  	_ =	shalt  }
0x5e: {  	_ =	shalt  }
0x5f: {  	_ =	shalt  }
0x60: {  	_ =	shalt  }
0x61: {  	_ =	shalt  }
0x62: {  	_ =	shalt  }
0x63: {  	_ =	shalt  }
0x64: {  	_ =	shalt  }
0x65: {  	_ =	shalt  }
0x66: {  	_ =	shalt  }
0x67: {  	_ =	shalt  }
0x68: {  	_ =	shalt  }
0x69: {  	_ =	shalt  }
0x6a: {  	_ =	shalt  }
0x6b: {  	_ =	shalt  }
0x6c: {  	_ =	shalt  }
0x6d: {  	_ =	shalt  }
0x6e: {  	_ =	shalt  }
0x6f: {  	_ =	shalt  }
0x70: {  	_ =	shalt  }
0x71: {  	_ =	shalt  }
0x72: {  	_ =	shalt  }
0x73: {  	_ =	shalt  }
0x74: {  	_ =	shalt  }
0x75: {  	_ =	shalt  }
0x76: {  	_ =	shalt  }
0x77: {  	_ =	shalt  }
0x78: {  	_ =	shalt  }
0x79: {  	_ =	shalt  }
0x7a: {  	_ =	shalt  }
0x7b: {  	_ =	shalt  }
0x7c: {  	_ =	shalt  }
0x7d: {  	_ =	shalt  }
0x7e: {  	_ =	shalt  }
0x7f: {  	_ =	shalt  }
0x80: {  	_ =	shalt  }
0x81: {  	_ =	shalt  }
0x82: {  	_ =	shalt  }
0x83: {  	_ =	shalt  }
0x84: {  	_ =	shalt  }
0x85: {  	_ =	shalt  }
0x86: {  	_ =	shalt  }
0x87: {  	_ =	shalt  }
.Lfunc_end0:
.L_simem_size_0:
called_computation.1_lowered:
.L_overlay_start_0:
0x88: {  	s2 =	sld [smem:$0x3FD9]  }
0x89: {  	s3 =	sld [smem:$0x3FFE];
	_ =	sdelay $0x1  }
0x8a: {  	s1 =	srdreg.scid  }
0x8b: {  	s0 =	sand.u32 $0x1, s1  }
0x8c: {  	s16 =	sshll.u32 s0, $0xA;
	s2 =	sadd.s32 s3, s2  }
0x8d: {  	s2 =	sadd.s32 s2, s16  }
0x8e: {  	[smem:$0x3FC2] =	sst s2  }
0x8f: {  	_ = 	snop  }
0x90: {  	(tm) =	ssettm $0x1  }
0x91: {  	s17 =	sld [smem:$0x3FFB];
	_ =	sdelay $0x3  }
0x92: {  	_ =	strace s17  }
0x93: {  	s2 =	sld [smem:$0x3FFC];
	_ =	sdelay $0x3  }
0x94: {  	_ =	strace s2  }
0x95: {  	s2 =	sld [smem:$0x3FFD];
	_ =	sdelay $0x3  }
0x96: {  	_ =	strace s2  }
0x97: {  	_ =	strace $0x8FFFFFFF  }
0x98: {  	s18 =	sld [smem:$0x3FDB];
	_ =	sdelay $0x1  }
0x99: {  	s19 =	simm.s32 $_scs_section_size  }
0x9a: {  	s4 =	simm.s32 $_size__tile_overlayer_lowered;
	s5 =	simm.s32 $_tile_overlayer_lowered  }
0x9b: {  	s22 =	simm.s32 $0x1BFF;
	s21 =	sshll.u32 s5, $0x1;
	s2 =	sadd.s32 s19, s18  }
0x9c: {  	s6 =	simm.s32 $0x0;
	s20 =	sshll.u32 s4, $0x1;
	s4 =	sadd.s32 s21, s2  }
0x9d: {  	[timem:s6], [sflag:s22] =	dma.local [hbm:s4], s20  }
0x9e: {  	_ =	swait.ge [sflag:s22], s20  }
0x9f: {  	s3 =	ssub.s32 $0x0, s20;
	[sflag:s22] =	ssyncset.done $0x0  }
0xa0: {  	[sflag:s22] =	ssyncadd.s32 s3;
	_ =	sdelay $0x1  }
0xa1: {  	s23 =	simm.s32 $0x1B8B  }
0xa2: {  	_ =	swait.ge [sflag:s23], $0x1  }
0xa3: {  	[sflag:s23] =	ssyncset.done $0x0  }
0xa4: {  	s25 =	simm.s32 $0x1B8E;
	s24 =	sld [smem:$0x3FFE];
	[sflag:s23] =	ssyncadd.s32 $0xFFFFFFFF  }
0xa5: {  	s26 =	simm.s32 $execute0_lowered;
	[smem:$0x3FD2] =	sst s25  }
0xa6: {  	s4 =	sshll.u32 s26, $0x1;
	_ =	strace $0x80000049;
	[dreg:$0x1] =	wrdreg $0xFFFFFFFF  }
0xa7: {  	s28 =	simm.s32 $_size_execute0_lowered;
	s2 =	sadd.s32 s2, s4;
	[dreg:$0x0] =	wrdreg $0x0  }
0xa8: {  	s4 =	sshll.u32 s28, $0x1;
	[dreg:$0x2] =	wrdreg s2  }
0xa9: {  	[dreg:$0x3] =	wrdreg s4  }
0xaa: {  	[dreg:$0x4] =	wrdreg $0xC0  }
0xab: {  	_ =	task [dreg:s6], $0x5FFFF  }
0xac: {  	[dreg:$0x1] =	wrdreg $0xFFFFFFFF  }
0xad: {  	[dreg:$0x0] =	wrdreg $0x60  }
0xae: {  	[dreg:$0x2] =	wrdreg s24  }
0xaf: {  	[dreg:$0x3] =	wrdreg $0x84000  }
0xb0: {  	[dreg:$0x4] =	wrdreg $0x9  }
0xb1: {  	_ =	task.clear_ibuf [dreg:s6], $0x5FFFF;
	_ =	strace $0x90000049  }
0xb2: {  	s29 =	simm.s32 $0x9;
	_ =	strace $0x8000004B  }
0xb3: {  	_ =	swait.ge [sflag:s29], $0x1  }
0xb4: {  	[sflag:s29] =	ssyncadd.s32 $0xFFFFFFFF  }
0xb5: {  	_ =	strace $0x9000004B  }
0xb6: {  	_ =	sfence  }
0xb7: {  	s30 =	sld [smem:$0x0];
	_ =	sdelay $0x2  }
0xb8: {  	s31 =	sshll.u32 s1, $0xD;
	s1 =	sshrl.u32 s1, $0x2  }
0xb9: {  	s3 =	sand.u32 $0x4000, s31;
	s1 =	sadd.s32 s1, s30  }
0xba: {  	s0 =	sor.u32 s3, s0;
	s1 =	sshll.u32 s1, $0x11  }
0xbb: {  	s0 =	sor.u32 s1, s0  }
0xbc: {  	s0 =	sadd.s32 $0x8F2B, s0  }
0xbd: {  	[sflag:s0] =	ssyncadd.remote.s32 $0x1  }
0xbe: {  	_ =	sfence.sel $0xFFFF  }
0xbf: {  	[dreg:$0x0] =	wrdreg $0xFFFFFFFF;
	(pc) =	sbr.abs _section_cstart, $3  }
0xc0: {  	[dreg:$0x1] =	wrdreg $0xFFFFFFFF  }
0xc1: {  	_ =	task.clear_ibuf [dreg:s6], $0x2FFFF;
	_ =	strace $0x9FFFFFFF  }
0xc2: {  	(tm) =	ssettm $0x7FFFFFFF  }
0xc3: {  	_ =	shalt  }
tec
execute0_lowered:
.L_overlay_start_1:
0x0: {  	(tag) =	ssettag $0x1  }
0x1: {  	s0 =	rddreg [dreg:$0x0];
	s1 =	srdreg.scid  }
0x2: {  	s10 =	stileid.u32;
	s2 =	rddreg [dreg:$0x1];
	s3 =	simm.s32 $0x0  }
0x3: {  	s21 =	simm.s32 $0x140;
	s22 =	simm.s32 $0x240;
	s23 =	simm.s32 $0x180  }
0x4: {  	s24 =	simm.s32 $0x340;
	s25 =	simm.s32 $0x280;
	s26 =	simm.s32 $0x380  }
0x5: {  	s28 =	simm.s32 $0x3;
	s29 =	simm.s32 $0x6;
	s30 =	simm.s32 $0x8  }
0x6: {  	s31 =	simm.s32 $0x4;
	s1 =	sand.u32 $0x1, s1;
	s5 =	smul.u32 $0x2800, s10  }
0x7: {  	[smem:$0x7FF] =	sst s3;
	s4 =	sadd.s32 $0x55800, s0;
	s9 =	sadd.s32 $0x2800, s0  }
0x8: {  	s8 =	smul.u32 $0x50, s10;
	_ =	strace $0x8000004A;
	[dreg:$0x9] =	wrdreg s9  }
0x9: {  	s11 =	sadd.s32 $0xA5800, s0;
	s12 =	smul.u32 $0x50000, s10;
	[dreg:$0x3] =	wrdreg s21  }
0xa: {  	s17 =	sshll.u32 s10, $0x6;
	s6 =	smul.u32 $0x28000, s1;
	[dreg:$0x4] =	wrdreg s22  }
0xb: {  	s7 =	smul.u32 $0x500, s1;
	s13 =	ssub.s32 $0x2, s1;
	[dreg:$0x5] =	wrdreg s23  }
0xc: {  	s1 =	smul.u32 $0xA000, s1;
	s21 =	simm.s32 $0x4400;
	[dreg:$0x6] =	wrdreg s24  }
0xd: {  	s22 =	simm.s32 $0x6400;
	s23 =	simm.s32 $0x5;
	[dreg:$0x7] =	wrdreg s25  }
0xe: {  	s24 =	simm.s32 $0x80;
	[dreg:$0x8] =	wrdreg s26;
	s25 =	simm.s32 $0x300  }
0xf: {  	s26 =	simm.s32 $0x7;
	s14 =	sshrl.u32 s13, $0x1;
	s5 =	sadd.s32 s5, s6  }
0x10: {  	s7 =	sadd.s32 s8, s7;
	s6 =	sshrl.u32 s12, $0x2;
	s12 =	smul.u32 $0xA00, s10  }
0x11: {  	s20 =	sadd.s32 s1, s11;
	s1 =	simm.s32 $0x0;
	s0 =	sadd.s32 s5, s0  }
0x12: {  	s5 =	ssub.s32 s13, s14;
	s15 =	sadd.s32 s6, s2;
	s16 =	sshll.u32 s7, $0x5  }
0x13: {  	s7 =	sor.u32 $0x1C09, s17;
	s13 =	simm.s32 $0x9;
	s14 =	simm.s32 $0x100  }
0x14: {  	s17 =	simm.s32 $0x400;
	s6 =	sadd.s32 s11, s16;
	s0 =	sadd.s32 $0x109800, s0  }
0x15: {  	s19 =	smax.u32 s5, $0x1;
	s11 =	sadd.s32 s12, s20;
	s12 =	sshrl.u32 s15, $0x3  }
0x16: {  	s15 =	simm.s32 $0x1;
	s16 =	simm.s32 $0x40;
	[dreg:$0xb] =	wrdreg s0  }
0x17: {  	s20 =	simm.s32 $0x2;
	s18 =	sadd.s32 $0x20, s6;
	[dreg:$0xc] =	wrdreg s19  }
0x18: {  	s19 =	simm.s32 $0x200;
	[dreg:$0xa] =	wrdreg s18;
	s18 =	simm.s32 $0x2400  }
.LBB2_1:
0x19: {  	s0 =	rddreg [dreg:$0x9]  }
0x1a: {  	[spmem:s12], [sflag:s7] =	dma.local [hbm:s0], $0x2800  }
0x1b: {  	_ =	swait.ge [sflag:s13], $0x2800  }
0x1c: {  	[sflag:s13] =	ssyncset.done $0x0  }
0x1d: {  	[sflag:s13] =	ssyncadd.s32 $0xFFFFD800  }
0x1e: {  	[bflag:$0x0] =	sbarrier.arrive $0xFFFF  }
0x1f: {  	[tilespmem:s3], [sflag:$0x1] =	stream.linear.gather [hbm4b:s6+s3], $0x100, $0x38;
	[tilespmem:$0x1C400] =	vst v63  }
0x20: {  	s8 =	rddreg [dreg:$0xa]  }
0x21: {  	[tilespmem:s14], [sflag:$0x2] =	stream.linear.gather [hbm4b:s8+s3], $0x100, $0x38;
	[tilespmem:$0x1C400] =	vst v63  }
0x22: {  	_ =	swait.ge [sflag:s15], $0x100  }
0x23: {  	[sflag:s15] =	ssyncset.done $0x0  }
0x24: {  	[sflag:s15] =	ssyncadd.s32 $0xFFFFFF00  }
0x25: {  	[tilespmem:s17], [sflag:$0x5] =	stream.indirect.gather [hbm4b:s4+s16], $0x80, s3, s16, $0xb8;
	[tilespmem:$0x1C400] =	vst v63  }
0x26: {  	s9 =	sadd.s32 $0x0, s11  }
0x27: {  	[tilespmem:s18], [sflag:$0x5] =	stream.indirect.gather [hbm4b:s4+s16], $0x80, s16, s16, $0xb8;
	[tilespmem:$0x1C400] =	vst v63  }
0x28: {  	p0 =	por $0x1, $0x1;
	s5 =	sadd.s32 $0x40, s9  }
0x29: {  	[tilespmem:s19], [sflag:$0x3] =	stream.linear.gather [hbm4b:s5+s3], $0x100, $0x38;
	[tilespmem:$0x1C400] =	vst v63  }
0x2a: {  	s5 =	simm.s32 @!p0 $0x8  }
0x2b: {  	_ =	swait.ge @!p0 [sflag:s5], $0x4000  }
0x2c: {  	[sflag:s5] =	ssyncset.done @!p0 $0x0  }
0x2d: {  	[sflag:s5] =	ssyncadd.s32 @!p0 $0xFFFFC000  }
0x2e: {  	_ =	swait.ge [sflag:s20], $0x100  }
0x2f: {  	[sflag:s20] =	ssyncset.done $0x0  }
0x30: {  	[sflag:s20] =	ssyncadd.s32 $0xFFFFFF00  }
0x31: {  	[tilespmem:s21], [sflag:$0x6] =	stream.indirect.gather [hbm4b:s4+s16], $0x80, s14, s16, $0xb8;
	[tilespmem:$0x1C400] =	vst v63  }
0x32: {  	s10 =	rddreg [dreg:$0x3]  }
0x33: {  	[tilespmem:s22], [sflag:$0x6] =	stream.indirect.gather [hbm4b:s4+s16], $0x80, s10, s16, $0xb8;
	[tilespmem:$0x1C400] =	vst v63  }
0x34: {  	_ =	swait.ge [sflag:s23], $0x4000  }
0x35: {  	[sflag:s23] =	ssyncset.done $0x0  }
0x36: {  	[sflag:s23] =	ssyncadd.s32 $0xFFFFC000  }
0x37: {  	[spmem:s2] =	stream.indirect.scatter.add.f32 [tilespmem:s17], [sflag:$0x7], $0x80, s24, s24, $0xb8;
	[tilespmem:$0x1C400] =	vst v63  }
0x38: {  	s0 =	sadd.s32 $0x60, s9  }
0x39: {  	[tilespmem:s25], [sflag:$0x4] =	stream.linear.gather [hbm4b:s0+s3], $0x100, $0x38;
	[tilespmem:$0x1C400] =	vst v63  }
0x3a: {  	_ =	swait.ge [sflag:s26], $0x4000  }
0x3b: {  	[sflag:s26] =	ssyncset.done $0x0  }
0x3c: {  	[sflag:s26] =	ssyncadd.s32 $0xFFFFC000  }
0x3d: {  	_ =	swait.ge [sflag:s28], $0x100  }
0x3e: {  	[sflag:s28] =	ssyncset.done $0x0  }
0x3f: {  	[sflag:s28] =	ssyncadd.s32 $0xFFFFFF00  }
0x40: {  	[tilespmem:s17], [sflag:$0x5] =	stream.indirect.gather [hbm4b:s4+s16], $0x80, s19, s16, $0xb8;
	[tilespmem:$0x1C400] =	vst v63  }
0x41: {  	s5 =	rddreg [dreg:$0x4]  }
0x42: {  	[tilespmem:s18], [sflag:$0x5] =	stream.indirect.gather [hbm4b:s4+s16], $0x80, s5, s16, $0xb8;
	[tilespmem:$0x1C400] =	vst v63  }
0x43: {  	_ =	swait.ge [sflag:s29], $0x4000  }
0x44: {  	p0 =	por $0x0, $0x0;
	[sflag:s29] =	ssyncset.done $0x0  }
0x45: {  	s5 =	sadd.s32 @!p0 $0x0, s11;
	s8 =	rddreg [dreg:$0x5];
	[sflag:s29] =	ssyncadd.s32 $0xFFFFC000  }
0x46: {  	[spmem:s2] =	stream.indirect.scatter.add.f32 [tilespmem:s21], [sflag:$0x8], $0x80, s8, s24, $0xb8;
	[tilespmem:$0x1C400] =	vst v63  }
0x47: {  	s0 =	simm.s32 @!p0 $0x0;
	s8 =	sadd.s32 @!p0 $0x80, s5  }
0x48: {  	[tilespmem:s0], [sflag:$0x1] =	stream.linear.gather @!p0 [hbm4b:s8+s0], $0x100, $0x38;
	[tilespmem:$0x1C400] =	vst v63  }
0x49: {  	_ =	swait.ge [sflag:s30], $0x4000  }
0x4a: {  	[sflag:s30] =	ssyncset.done $0x0  }
0x4b: {  	[sflag:s30] =	ssyncadd.s32 $0xFFFFC000  }
0x4c: {  	_ =	swait.ge [sflag:s31], $0x100  }
0x4d: {  	[sflag:s31] =	ssyncset.done $0x0  }
0x4e: {  	[sflag:s31] =	ssyncadd.s32 $0xFFFFFF00  }
0x4f: {  	[tilespmem:s21], [sflag:$0x6] =	stream.indirect.gather [hbm4b:s4+s16], $0x80, s25, s16, $0xb8;
	[tilespmem:$0x1C400] =	vst v63  }
0x50: {  	s9 =	rddreg [dreg:$0x6]  }
0x51: {  	[tilespmem:s22], [sflag:$0x6] =	stream.indirect.gather [hbm4b:s4+s16], $0x80, s9, s16, $0xb8;
	[tilespmem:$0x1C400] =	vst v63  }
0x52: {  	_ =	swait.ge [sflag:s23], $0x4000  }
0x53: {  	[sflag:s23] =	ssyncset.done $0x0  }
0x54: {  	s10 =	rddreg [dreg:$0x7];
	[sflag:s23] =	ssyncadd.s32 $0xFFFFC000  }
0x55: {  	[spmem:s2] =	stream.indirect.scatter.add.f32 [tilespmem:s17], [sflag:$0x7], $0x80, s10, s24, $0xb8;
	[tilespmem:$0x1C400] =	vst v63  }
0x56: {  	s5 =	sadd.s32 @!p0 $0xA0, s5;
	s8 =	simm.s32 @!p0 $0x100  }
0x57: {  	[tilespmem:s8], [sflag:$0x2] =	stream.linear.gather @!p0 [hbm4b:s5+s0], $0x100, $0x38;
	[tilespmem:$0x1C400] =	vst v63  }
0x58: {  	s5 =	simm.s32 @!p0 $0x7  }
0x59: {  	_ =	swait.ge @!p0 [sflag:s5], $0x4000  }
0x5a: {  	[sflag:s5] =	ssyncset.done @!p0 $0x0  }
0x5b: {  	s8 =	simm.s32 @!p0 $0x1;
	[sflag:s5] =	ssyncadd.s32 @!p0 $0xFFFFC000  }
0x5c: {  	_ =	swait.ge @!p0 [sflag:s8], $0x100  }
0x5d: {  	[sflag:s8] =	ssyncset.done @!p0 $0x0  }
0x5e: {  	s5 =	simm.s32 @!p0 $0x40;
	[sflag:s8] =	ssyncadd.s32 @!p0 $0xFFFFFF00;
	s8 =	simm.s32 @!p0 $0x400  }
0x5f: {  	[tilespmem:s8], [sflag:$0x5] =	stream.indirect.gather @!p0 [hbm4b:s4+s5], $0x80, s0, s5, $0xb8;
	[tilespmem:$0x1C400] =	vst v63  }
0x60: {  	s0 =	simm.s32 @!p0 $0x2400  }
0x61: {  	[tilespmem:s0], [sflag:$0x5] =	stream.indirect.gather @!p0 [hbm4b:s4+s5], $0x80, s5, s5, $0xb8;
	[tilespmem:$0x1C400] =	vst v63  }
0x62: {  	_ =	swait.ge [sflag:s29], $0x4000  }
0x63: {  	[sflag:s29] =	ssyncset.done $0x0  }
0x64: {  	s0 =	simm.s32 $0x80;
	s8 =	rddreg [dreg:$0x8];
	[sflag:s29] =	ssyncadd.s32 $0xFFFFC000  }
.LBB2_2:
0x65: {  	s9 =	sadd.s32 s0, s11;
	s5 =	smov.u32 s0  }
0x66: {  	[spmem:s2] =	stream.indirect.scatter.add.f32 [tilespmem:s21], [sflag:$0x8], $0x80, s8, s24, $0xb8;
	[tilespmem:$0x1C400] =	vst v63  }
0x67: {  	s10 =	sadd.s32 $0x40, s9;
	p1 =	seq.s32 s5, $0x0  }
0x68: {  	[tilespmem:s19], [sflag:$0x3] =	stream.linear.gather [hbm4b:s10+s3], $0x100, $0x38;
	[tilespmem:$0x1C400] =	vst v63  }
0x69: {  	s8 =	simm.s32 @!p1 $0x8  }
0x6a: {  	_ =	swait.ge @!p1 [sflag:s8], $0x4000  }
0x6b: {  	[sflag:s8] =	ssyncset.done @!p1 $0x0  }
0x6c: {  	[sflag:s8] =	ssyncadd.s32 @!p1 $0xFFFFC000  }
0x6d: {  	_ =	swait.ge [sflag:s20], $0x100  }
0x6e: {  	[sflag:s20] =	ssyncset.done $0x0  }
0x6f: {  	[sflag:s20] =	ssyncadd.s32 $0xFFFFFF00  }
0x70: {  	[tilespmem:s21], [sflag:$0x6] =	stream.indirect.gather [hbm4b:s4+s16], $0x80, s14, s16, $0xb8;
	[tilespmem:$0x1C400] =	vst v63  }
0x71: {  	s10 =	rddreg [dreg:$0x3]  }
0x72: {  	[tilespmem:s22], [sflag:$0x6] =	stream.indirect.gather [hbm4b:s4+s16], $0x80, s10, s16, $0xb8;
	[tilespmem:$0x1C400] =	vst v63  }
0x73: {  	_ =	swait.ge [sflag:s23], $0x4000  }
0x74: {  	[sflag:s23] =	ssyncset.done $0x0  }
0x75: {  	[sflag:s23] =	ssyncadd.s32 $0xFFFFC000  }
0x76: {  	[spmem:s2] =	stream.indirect.scatter.add.f32 [tilespmem:s17], [sflag:$0x7], $0x80, s24, s24, $0xb8;
	[tilespmem:$0x1C400] =	vst v63  }
0x77: {  	s10 =	sadd.s32 $0x60, s9  }
0x78: {  	[tilespmem:s25], [sflag:$0x4] =	stream.linear.gather [hbm4b:s10+s3], $0x100, $0x38;
	[tilespmem:$0x1C400] =	vst v63  }
0x79: {  	_ =	swait.ge [sflag:s26], $0x4000  }
0x7a: {  	[sflag:s26] =	ssyncset.done $0x0  }
0x7b: {  	[sflag:s26] =	ssyncadd.s32 $0xFFFFC000  }
0x7c: {  	_ =	swait.ge [sflag:s28], $0x100  }
0x7d: {  	[sflag:s28] =	ssyncset.done $0x0  }
0x7e: {  	[sflag:s28] =	ssyncadd.s32 $0xFFFFFF00  }
0x7f: {  	[tilespmem:s17], [sflag:$0x5] =	stream.indirect.gather [hbm4b:s4+s16], $0x80, s19, s16, $0xb8;
	[tilespmem:$0x1C400] =	vst v63  }
0x80: {  	s9 =	rddreg [dreg:$0x4]  }
0x81: {  	[tilespmem:s18], [sflag:$0x5] =	stream.indirect.gather [hbm4b:s4+s16], $0x80, s9, s16, $0xb8;
	[tilespmem:$0x1C400] =	vst v63  }
0x82: {  	_ =	swait.ge [sflag:s29], $0x4000  }
0x83: {  	p1 =	seq.s32 s5, $0x980;
	[sflag:s29] =	ssyncset.done $0x0  }
0x84: {  	s5 =	sadd.s32 @!p1 s5, s11;
	s10 =	rddreg [dreg:$0x5];
	[sflag:s29] =	ssyncadd.s32 $0xFFFFC000  }
0x85: {  	[spmem:s2] =	stream.indirect.scatter.add.f32 [tilespmem:s21], [sflag:$0x8], $0x80, s10, s24, $0xb8;
	[tilespmem:$0x1C400] =	vst v63  }
0x86: {  	s8 =	sadd.s32 @!p1 $0x80, s5;
	s9 =	simm.s32 @!p1 $0x0  }
0x87: {  	[tilespmem:s9], [sflag:$0x1] =	stream.linear.gather @!p1 [hbm4b:s8+s9], $0x100, $0x38;
	[tilespmem:$0x1C400] =	vst v63  }
0x88: {  	_ =	swait.ge [sflag:s30], $0x4000  }
0x89: {  	[sflag:s30] =	ssyncset.done $0x0  }
0x8a: {  	[sflag:s30] =	ssyncadd.s32 $0xFFFFC000  }
0x8b: {  	_ =	swait.ge [sflag:s31], $0x100  }
0x8c: {  	[sflag:s31] =	ssyncset.done $0x0  }
0x8d: {  	[sflag:s31] =	ssyncadd.s32 $0xFFFFFF00  }
0x8e: {  	[tilespmem:s21], [sflag:$0x6] =	stream.indirect.gather [hbm4b:s4+s16], $0x80, s25, s16, $0xb8;
	[tilespmem:$0x1C400] =	vst v63  }
0x8f: {  	s10 =	rddreg [dreg:$0x6]  }
0x90: {  	[tilespmem:s22], [sflag:$0x6] =	stream.indirect.gather [hbm4b:s4+s16], $0x80, s10, s16, $0xb8;
	[tilespmem:$0x1C400] =	vst v63  }
0x91: {  	_ =	swait.ge [sflag:s23], $0x4000  }
0x92: {  	[sflag:s23] =	ssyncset.done $0x0  }
0x93: {  	s8 =	rddreg [dreg:$0x7];
	[sflag:s23] =	ssyncadd.s32 $0xFFFFC000  }
0x94: {  	[spmem:s2] =	stream.indirect.scatter.add.f32 [tilespmem:s17], [sflag:$0x7], $0x80, s8, s24, $0xb8;
	[tilespmem:$0x1C400] =	vst v63  }
0x95: {  	s5 =	sadd.s32 @!p1 $0xA0, s5;
	s10 =	simm.s32 @!p1 $0x100;
	s8 =	simm.s32 @!p1 $0x7  }
0x96: {  	[tilespmem:s10], [sflag:$0x2] =	stream.linear.gather @!p1 [hbm4b:s5+s9], $0x100, $0x38;
	[tilespmem:$0x1C400] =	vst v63  }
0x97: {  	_ =	swait.ge @!p1 [sflag:s8], $0x4000  }
0x98: {  	[sflag:s8] =	ssyncset.done @!p1 $0x0  }
0x99: {  	s5 =	simm.s32 @!p1 $0x1;
	[sflag:s8] =	ssyncadd.s32 @!p1 $0xFFFFC000  }
0x9a: {  	s0 =	sadd.s32 $0x80, s0;
	_ =	swait.ge @!p1 [sflag:s5], $0x100  }
0x9b: {  	p0 =	sne.s32 s0, $0xA00;
	[sflag:s5] =	ssyncset.done @!p1 $0x0  }
0x9c: {  	s10 =	simm.s32 @!p1 $0x400;
	s8 =	simm.s32 @!p1 $0x40;
	[sflag:s5] =	ssyncadd.s32 @!p1 $0xFFFFFF00  }
0x9d: {  	[tilespmem:s10], [sflag:$0x5] =	stream.indirect.gather @!p1 [hbm4b:s4+s8], $0x80, s9, s8, $0xb8;
	[tilespmem:$0x1C400] =	vst v63  }
.Ltmp0:
0x9e: {  	s5 =	simm.s32 @!p1 $0x2400;
	(pc) =	sbr.rel @p0 .LBB2_2-.Ltmp0, $4  }
0x9f: {  	[tilespmem:s5], [sflag:$0x5] =	stream.indirect.gather @!p1 [hbm4b:s4+s8], $0x80, s8, s8, $0xb8;
	[tilespmem:$0x1C400] =	vst v63  }
0xa0: {  	_ =	swait.ge [sflag:s29], $0x4000  }
0xa1: {  	[sflag:s29] =	ssyncset.done $0x0  }
0xa2: {  	s8 =	rddreg [dreg:$0x8];
	[sflag:s29] =	ssyncadd.s32 $0xFFFFC000  }
0xa3: {  	[spmem:s2] =	stream.indirect.scatter.add.f32 [tilespmem:s21], [sflag:$0x8], $0x80, s8, s24, $0xb8;
	[tilespmem:$0x1C400] =	vst v63  }
0xa4: {  	_ =	swait.ge [sflag:s26], $0x4000  }
0xa5: {  	[sflag:s26] =	ssyncset.done $0x0  }
0xa6: {  	[sflag:s26] =	ssyncadd.s32 $0xFFFFC000  }
0xa7: {  	_ =	swait.ge [sflag:s30], $0x4000  }
0xa8: {  	[sflag:s30] =	ssyncset.done $0x0  }
0xa9: {  	[sflag:s30] =	ssyncadd.s32 $0xFFFFC000  }
0xaa: {  	[bflag:$0x0] =	sbarrier.arrive $0xFFFF  }
0xab: {  	s0 =	rddreg [dreg:$0xb]  }
0xac: {  	[hbm:s0], [sflag:s7] =	dma.local [spmem:s12], $0x2800  }
0xad: {  	_ =	swait.ge [sflag:s13], $0x2800  }
0xae: {  	s1 =	sadd.s32 $0x1, s1;
	s10 =	rddreg [dreg:$0xc]  }
0xaf: {  	p0 =	sne.s32 s1, s10  }
.Ltmp1:
0xb0: {  	_ = 	snop;
	(pc) =	sbr.rel @p0 .LBB2_1-.Ltmp1, $3  }
0xb1: {  	_ =	sdelay $0x1  }
0xb2: {  	[sflag:s13] =	ssyncset.done $0x0  }
0xb3: {  	[sflag:s13] =	ssyncadd.s32 $0xFFFFD800  }
0xb4: {  	_ =	sfence.sel $0x180000  }
0xb5: {  	[bflag:$0x0] =	sbarrier.arrive $0xFFFF  }
0xb6: {  	_ =	strace $0x9000004A  }
0xb7: {  	s0 =	stileid.u32;
	[bflag:$0x2] =	sbarrier.arrive $0xFFFF  }
0xb8: {  	p0 =	sne.s32 s0, $0x0;
	s0 =	rddreg [dreg:$0x2]  }
0xb9: {  	s0 =	sadd.s32 @!p0 $0x100000, s0  }
0xba: {  	[sflag:s0] =	ssyncadd.tile.s32 @!p0 $0x1;
	_ =	shalt  }
.Lfunc_end2:
_tile_overlayer_lowered:
.L_overlay_start_2:
0xbb: {  	(tag) =	ssettag $0x2  }
0xbc: {  	s0 =	rddreg [dreg:$0x0];
	s2 =	stileid.u32  }
0xbd: {  	s1 =	rddreg [dreg:$0x1];
	p0 =	sne.s32 s2, $0x0  }
0xbe: {  	s3 =	rddreg [dreg:$0x2];
	[bflag:$0x3] =	sbarrier.arrive $0xFFFF;
	s2 =	simm.s32 @!p0 $0x1C09  }
0xbf: {  	[timem:s3], [sflag:s2] =	dma.local @!p0 [hbm:s0], s1  }
0xc0: {  	s0 =	simm.s32 @!p0 $0x9  }
0xc1: {  	_ =	swait.ge @!p0 [sflag:s0], s1  }
0xc2: {  	s1 =	ssub.s32 @!p0 $0x0, s1;
	[sflag:s0] =	ssyncset.done @!p0 $0x0  }
0xc3: {  	[sflag:s0] =	ssyncadd.s32 @!p0 s1  }
0xc4: {  	[bflag:$0x3] =	sbarrier.arrive $0xFFFF  }
0xc5: {  	_ =	shalt  }

// kernel: kernel.14.cloned.1.call-start
scs
__scs_entry_jumppad:
0x0: {  	(pc) =	sbr.rel $0x88, $3  }
0x1: {  	(tag) =	ssettag $0x0;
	lr =	simm.s32 $0x1  }
0x2: {  	[smem:$0x3F9B] =	sst lr;
	_ =	strace $0xD0000000  }
0x3: {  	_ = 	snop  }
0x4: {  	_ = 	snop  }
0x5: {  	_ = 	snop  }
0x6: {  	_ = 	snop  }
0x7: {  	_ = 	snop  }
__scs_overlays_trampoline_lowered:
0x8: {  	[smem:$0x3FAA] =	sst s0  }
0x9: {  	[smem:$0x3FAB] =	sst s1  }
0xa: {  	[smem:$0x3FAC] =	sst s2  }
0xb: {  	[smem:$0x3FAD] =	sst s3  }
0xc: {  	[smem:$0x3FAE] =	sst s4  }
0xd: {  	[smem:$0x3FAF] =	sst s5  }
0xe: {  	[smem:$0x3FB0] =	sst s6  }
0xf: {  	[smem:$0x3FB1] =	sst s7  }
0x10: {  	[smem:$0x3FB2] =	sst s8  }
0x11: {  	[smem:$0x3FB3] =	sst s9;
	s0 =	simm.s32 @!p0 $0x0  }
0x12: {  	s1 =	sld [smem:$0x3F99];
	s0 =	simm.s32 @p0 $0x1  }
0x13: {  	[smem:$0x3FB4] =	sst s0;
	s0 =	simm.s32 @!p1 $0x0  }
0x14: {  	s2 =	sld [smem:$0x3F98];
	s0 =	simm.s32 @p1 $0x1  }
0x15: {  	[smem:$0x3FB5] =	sst s0;
	s0 =	simm.s32 @!p2 $0x0  }
0x16: {  	s3 =	sld [smem:$0x3FDB];
	s0 =	simm.s32 @p2 $0x1  }
0x17: {  	s4 =	simm.s32 $0x1BF5;
	[smem:$0x3FB7] =	sst s0  }
0x18: {  	s0 =	sld [smem:$0x3F9A];
	_ =	swait.ge [sflag:s4], $0x0  }
0x19: {  	s7 =	sld [smem:$0x3F9B]  }
0x1a: {  	s8 =	sadd.s32 $0xFFFFE003, lr  }
0x1b: {  	s9 =	sadd.s32 $0xFFFFFEF7, lr;
	s5 =	simm.s32 $0xFFFFFFFF;
	p2 =	slt.u32 s8, $0xFFFFF086  }
0x1c: {  	p1 =	slt.u32 s9, $0xF7A;
	s5 =	simm.s32 @!p2 $0x0  }
0x1d: {  	s5 =	simm.s32 @p1 $0x1;
	p0 =	seq.s32 s7, s2  }
0x1e: {  	s7 =	smul.u32 @!p0 $0xF7A, s2;
	p2 =	seq.s32 @!p0 s5, $0x0  }
0x1f: {  	s9 =	smul.u32 $0xF7A, s1;
	s8 =	simm.s32 @!p0 $0x1BF5;
	p2 =	por !p2, p0  }
0x20: {  	[sflag:s8] =	ssyncset.s32 @!p0 $0xFFFFF086;
	s6 =	sadd.s32 @!p0 s3, s7;
	s7 =	simm.s32 @!p0 $0x108  }
0x21: {  	s3 =	sadd.s32 s3, s9;
	s6 =	sadd.s32 @!p0 $0x88, s6;
	s7 =	simm.s32 @p2 $0x1082  }
0x22: {  	[simem:s7], [sflag:s8] =	dma.local @!p0 [hbm:s6], $0xF7A  }
0x23: {  	s9 =	sor.u32 $0xD0000000, s2;
	s6 =	simm.s32 $0x108;
	_ =	swait.ge @!p0 [sflag:s8], $0x0  }
0x24: {  	s3 =	sadd.s32 $0x88, s3;
	s6 =	simm.s32 @!p1 $0x1082;
	[sflag:s4] =	ssyncset.s32 $0xFFFFF086  }
0x25: {  	[simem:s6], [sflag:s4] =	dma.local [hbm:s3], $0xF7A  }
0x26: {  	[smem:$0x3F9B] =	sst s1;
	(tag) =	ssettag s2;
	_ =	strace s9  }
0x27: {  	s1 =	sld [smem:$0x3FAB]  }
0x28: {  	s2 =	sld [smem:$0x3FAC]  }
0x29: {  	s4 =	sld [smem:$0x3FAE]  }
0x2a: {  	p0 =	seq.s32 s5, $0x0;
	s5 =	sld [smem:$0x3FAF]  }
0x2b: {  	s6 =	sld [smem:$0x3FB0]  }
0x2c: {  	s7 =	sld [smem:$0x3FB1]  }
0x2d: {  	s3 =	simm.s32 $0x108;
	s8 =	sld [smem:$0x3FB2]  }
0x2e: {  	s3 =	simm.s32 @!p0 $0x1082;
	s9 =	sld [smem:$0x3FB3]  }
0x2f: {  	lr =	sadd.s32 s0, s3;
	s0 =	sld [smem:$0x3FAA]  }
0x30: {  	s3 =	sld [smem:$0x3FAD]  }
0x31: {  	[smem:$0x3FB6] =	sst s10  }
0x32: {  	s10 =	sld [smem:$0x3FB4];
	_ =	sdelay $0x3  }
0x33: {  	p0 =	seq.s32 s10, $0x1;
	s10 =	sld [smem:$0x3FB6];
	_ =	sdelay $0x3  }
0x34: {  	[smem:$0x3FB6] =	sst s10  }
0x35: {  	s10 =	sld [smem:$0x3FB5];
	_ =	sdelay $0x3  }
0x36: {  	p1 =	seq.s32 s10, $0x1;
	s10 =	sld [smem:$0x3FB6];
	_ =	sdelay $0x3  }
0x37: {  	[smem:$0x3FB6] =	sst s10  }
0x38: {  	s10 =	sld [smem:$0x3FB7]  }
0x39: {  	_ = 	snop;
	(pc) =	sbr.ind lr, $3  }
0x3a: {  	_ = 	snop  }
0x3b: {  	_ = 	snop  }
0x3c: {  	p2 =	seq.s32 s10, $0x1;
	s10 =	sld [smem:$0x3FB6]  }
0x3d: {  	_ =	shalt  }
0x3e: {  	_ =	shalt  }
0x3f: {  	_ =	shalt  }
0x40: {  	_ =	shalt  }
0x41: {  	_ =	shalt  }
0x42: {  	_ =	shalt  }
0x43: {  	_ =	shalt  }
0x44: {  	_ =	shalt  }
0x45: {  	_ =	shalt  }
0x46: {  	_ =	shalt  }
0x47: {  	_ =	shalt  }
0x48: {  	_ =	shalt  }
0x49: {  	_ =	shalt  }
0x4a: {  	_ =	shalt  }
0x4b: {  	_ =	shalt  }
0x4c: {  	_ =	shalt  }
0x4d: {  	_ =	shalt  }
0x4e: {  	_ =	shalt  }
0x4f: {  	_ =	shalt  }
0x50: {  	_ =	shalt  }
0x51: {  	_ =	shalt  }
0x52: {  	_ =	shalt  }
0x53: {  	_ =	shalt  }
0x54: {  	_ =	shalt  }
0x55: {  	_ =	shalt  }
0x56: {  	_ =	shalt  }
0x57: {  	_ =	shalt  }
0x58: {  	_ =	shalt  }
0x59: {  	_ =	shalt  }
0x5a: {  	_ =	shalt  }
0x5b: {  	_ =	shalt  }
0x5c: {  	_ =	shalt  }
0x5d: {  	_ =	shalt  }
0x5e: {  	_ =	shalt  }
0x5f: {  	_ =	shalt  }
0x60: {  	_ =	shalt  }
0x61: {  	_ =	shalt  }
0x62: {  	_ =	shalt  }
0x63: {  	_ =	shalt  }
0x64: {  	_ =	shalt  }
0x65: {  	_ =	shalt  }
0x66: {  	_ =	shalt  }
0x67: {  	_ =	shalt  }
0x68: {  	_ =	shalt  }
0x69: {  	_ =	shalt  }
0x6a: {  	_ =	shalt  }
0x6b: {  	_ =	shalt  }
0x6c: {  	_ =	shalt  }
0x6d: {  	_ =	shalt  }
0x6e: {  	_ =	shalt  }
0x6f: {  	_ =	shalt  }
0x70: {  	_ =	shalt  }
0x71: {  	_ =	shalt  }
0x72: {  	_ =	shalt  }
0x73: {  	_ =	shalt  }
0x74: {  	_ =	shalt  }
0x75: {  	_ =	shalt  }
0x76: {  	_ =	shalt  }
0x77: {  	_ =	shalt  }
0x78: {  	_ =	shalt  }
0x79: {  	_ =	shalt  }
0x7a: {  	_ =	shalt  }
0x7b: {  	_ =	shalt  }
0x7c: {  	_ =	shalt  }
0x7d: {  	_ =	shalt  }
0x7e: {  	_ =	shalt  }
0x7f: {  	_ =	shalt  }
0x80: {  	_ =	shalt  }
0x81: {  	_ =	shalt  }
0x82: {  	_ =	shalt  }
0x83: {  	_ =	shalt  }
0x84: {  	_ =	shalt  }
0x85: {  	_ =	shalt  }
0x86: {  	_ =	shalt  }
0x87: {  	_ =	shalt  }
.Lfunc_end0:
.L_simem_size_0:
called_computation.2_lowered:
.L_overlay_start_0:
0x88: {  	s2 =	sld [smem:$0x3FD9]  }
0x89: {  	s3 =	sld [smem:$0x3FFE];
	_ =	sdelay $0x1  }
0x8a: {  	s1 =	srdreg.scid  }
0x8b: {  	s0 =	sand.u32 $0x1, s1  }
0x8c: {  	s17 =	sshll.u32 s0, $0xA;
	s2 =	sadd.s32 s3, s2  }
0x8d: {  	s2 =	sadd.s32 s2, s17  }
0x8e: {  	[smem:$0x3FC2] =	sst s2  }
0x8f: {  	_ = 	snop  }
0x90: {  	s2 =	sld [smem:$0x3FD0];
	(tm) =	ssettm $0x1  }
0x91: {  	s18 =	sld [smem:$0x3FFB];
	_ =	sdelay $0x3  }
0x92: {  	_ =	strace s18  }
0x93: {  	s3 =	sld [smem:$0x3FFC];
	_ =	sdelay $0x3  }
0x94: {  	_ =	strace s3  }
0x95: {  	s3 =	sld [smem:$0x3FFD];
	_ =	sdelay $0x3  }
0x96: {  	_ =	strace s3  }
0x97: {  	_ =	strace $0x8FFFFFFF  }
0x98: {  	s19 =	sld [smem:$0x3FDB];
	_ =	sdelay $0x1  }
0x99: {  	s4 =	simm.s32 $_scs_section_size  }
0x9a: {  	s5 =	simm.s32 $_size__tile_overlayer_lowered;
	s6 =	simm.s32 $_tile_overlayer_lowered  }
0x9b: {  	s22 =	simm.s32 $0x1BFF;
	s21 =	sshll.u32 s6, $0x1;
	s3 =	sadd.s32 s4, s19  }
0x9c: {  	s7 =	simm.s32 $0x0;
	s20 =	sshll.u32 s5, $0x1;
	s5 =	sadd.s32 s21, s3  }
0x9d: {  	[timem:s7], [sflag:s22] =	dma.local [hbm:s5], s20  }
0x9e: {  	_ =	swait.ge [sflag:s22], s20  }
0x9f: {  	s4 =	ssub.s32 $0x0, s20;
	[sflag:s22] =	ssyncset.done $0x0  }
0xa0: {  	[sflag:s22] =	ssyncadd.s32 s4;
	_ =	sdelay $0x1  }
0xa1: {  	s23 =	simm.s32 $0x1B8B  }
0xa2: {  	_ =	swait.ge [sflag:s23], $0x1  }
0xa3: {  	[sflag:s23] =	ssyncset.done $0x0  }
0xa4: {  	s25 =	simm.s32 $0x1B8E;
	s24 =	sld [smem:$0x3FFE];
	[sflag:s23] =	ssyncadd.s32 $0xFFFFFFFF  }
0xa5: {  	s26 =	simm.s32 $execute0_lowered;
	[smem:$0x3FD2] =	sst s25  }
0xa6: {  	s5 =	sshll.u32 s26, $0x1;
	_ =	strace $0x8000004C;
	[dreg:$0x1] =	wrdreg $0xFFFFFFFF  }
0xa7: {  	s28 =	simm.s32 $_size_execute0_lowered;
	s3 =	sadd.s32 s3, s5;
	[dreg:$0x0] =	wrdreg $0x0  }
0xa8: {  	s5 =	sshll.u32 s28, $0x1;
	[dreg:$0x2] =	wrdreg s3  }
0xa9: {  	[dreg:$0x3] =	wrdreg s5  }
0xaa: {  	[dreg:$0x4] =	wrdreg $0xC0  }
0xab: {  	_ =	task [dreg:s7], $0x5FFFF  }
0xac: {  	[dreg:$0x1] =	wrdreg $0xFFFFFFFF  }
0xad: {  	[dreg:$0x0] =	wrdreg $0x60  }
0xae: {  	[dreg:$0x2] =	wrdreg s24  }
0xaf: {  	[dreg:$0x3] =	wrdreg s2  }
0xb0: {  	[dreg:$0x4] =	wrdreg $0x84000  }
0xb1: {  	[dreg:$0x5] =	wrdreg $0x9  }
0xb2: {  	_ =	task.clear_ibuf [dreg:s7], $0x6FFFF;
	_ =	strace $0x9000004C  }
0xb3: {  	s29 =	simm.s32 $0x9;
	_ =	strace $0x8000004E  }
0xb4: {  	_ =	swait.ge [sflag:s29], $0x1  }
0xb5: {  	[sflag:s29] =	ssyncadd.s32 $0xFFFFFFFF  }
0xb6: {  	_ =	strace $0x9000004E  }
0xb7: {  	_ =	sfence  }
0xb8: {  	s30 =	sld [smem:$0x0];
	_ =	sdelay $0x2  }
0xb9: {  	s31 =	sshll.u32 s1, $0xD;
	s1 =	sshrl.u32 s1, $0x2  }
0xba: {  	s3 =	sand.u32 $0x4000, s31;
	s1 =	sadd.s32 s1, s30  }
0xbb: {  	s0 =	sor.u32 s3, s0;
	s1 =	sshll.u32 s1, $0x11  }
0xbc: {  	s0 =	sor.u32 s1, s0  }
0xbd: {  	s0 =	sadd.s32 $0x8F2B, s0  }
0xbe: {  	[sflag:s0] =	ssyncadd.remote.s32 $0x1  }
0xbf: {  	_ =	sfence.sel $0xFFFF  }
0xc0: {  	[dreg:$0x0] =	wrdreg $0xFFFFFFFF;
	(pc) =	sbr.abs _section_cstart, $3  }
0xc1: {  	[dreg:$0x1] =	wrdreg $0xFFFFFFFF  }
0xc2: {  	_ =	task.clear_ibuf [dreg:s7], $0x2FFFF;
	_ =	strace $0x9FFFFFFF  }
0xc3: {  	(tm) =	ssettm $0x7FFFFFFF  }
tec
execute0_lowered:
.L_overlay_start_1:
0x0: {  	(tag) =	ssettag $0x1  }
0x1: {  	s0 =	rddreg [dreg:$0x0]  }
0x2: {  	s1 =	rddreg [dreg:$0x1];
	s3 =	srdreg.scid  }
0x3: {  	s11 =	stileid.u32;
	s2 =	rddreg [dreg:$0x2]  }
0x4: {  	s21 =	simm.s32 $0x140;
	s22 =	simm.s32 $0x240;
	s23 =	simm.s32 $0x180  }
0x5: {  	s24 =	simm.s32 $0x340;
	s25 =	simm.s32 $0x280;
	s26 =	simm.s32 $0x380  }
0x6: {  	s28 =	simm.s32 $0x3;
	s29 =	simm.s32 $0x6;
	s30 =	simm.s32 $0x8  }
0x7: {  	s31 =	simm.s32 $0x4;
	s5 =	sand.u32 $0x1, s3;
	s6 =	smul.u32 $0x2800, s11  }
0x8: {  	s3 =	simm.s32 $0x0;
	s9 =	smul.u32 $0x28, s11;
	s4 =	sadd.s32 $0x55800, s0  }
0x9: {  	s12 =	smul.u32 $0x50000, s11;
	s10 =	sadd.s32 $0x2800, s0;
	[smem:$0x7FF] =	sst s3  }
0xa: {  	s18 =	smul.u32 $0x500, s11;
	_ =	strace $0x8000004D;
	[dreg:$0xa] =	wrdreg s10  }
0xb: {  	s16 =	sshll.u32 s11, $0x6;
	s7 =	smul.u32 $0x28000, s5;
	[dreg:$0x4] =	wrdreg s21  }
0xc: {  	s8 =	smul.u32 $0x280, s5;
	s13 =	ssub.s32 $0x2, s5;
	[dreg:$0x5] =	wrdreg s22  }
0xd: {  	s5 =	smul.u32 $0x5000, s5;
	s14 =	sshrl.u32 s13, $0x1;
	[dreg:$0x6] =	wrdreg s23  }
0xe: {  	s21 =	simm.s32 $0x4400;
	s22 =	simm.s32 $0x6400;
	[dreg:$0x7] =	wrdreg s24  }
0xf: {  	s23 =	simm.s32 $0x5;
	[dreg:$0x8] =	wrdreg s25;
	s24 =	simm.s32 $0x80  }
0x10: {  	[dreg:$0x9] =	wrdreg s26;
	s25 =	simm.s32 $0x300;
	s26 =	simm.s32 $0x7  }
0x11: {  	s6 =	sadd.s32 s6, s7;
	s8 =	sadd.s32 s9, s8;
	s7 =	sshrl.u32 s12, $0x2  }
0x12: {  	s10 =	ssub.s32 s13, s14;
	s20 =	sadd.s32 s5, s1;
	s13 =	simm.s32 $0x9  }
0x13: {  	s14 =	simm.s32 $0x100;
	s0 =	sadd.s32 s6, s0;
	s12 =	sadd.s32 s7, s2  }
0x14: {  	s15 =	sshll.u32 s8, $0x5;
	s7 =	sor.u32 $0x1C09, s16;
	s19 =	smax.u32 s10, $0x1  }
0x15: {  	s11 =	sadd.s32 s18, s20;
	s16 =	simm.s32 $0x40;
	s18 =	simm.s32 $0x2400  }
0x16: {  	s20 =	simm.s32 $0x2;
	s6 =	sadd.s32 s1, s15;
	s0 =	sadd.s32 $0x7D800, s0  }
0x17: {  	[dreg:$0xd] =	wrdreg s19;
	s12 =	sshrl.u32 s12, $0x3;
	s15 =	simm.s32 $0x1  }
0x18: {  	s19 =	simm.s32 $0x200;
	s17 =	sadd.s32 $0x20, s6;
	[dreg:$0xc] =	wrdreg s0  }
0x19: {  	s1 =	simm.s32 $0x0;
	[dreg:$0xb] =	wrdreg s17;
	s17 =	simm.s32 $0x400  }
.LBB2_1:
0x1a: {  	s0 =	rddreg [dreg:$0xa]  }
0x1b: {  	[spmem:s12], [sflag:s7] =	dma.local [hbm:s0], $0x2800  }
0x1c: {  	_ =	swait.ge [sflag:s13], $0x2800  }
0x1d: {  	[sflag:s13] =	ssyncset.done $0x0  }
0x1e: {  	[sflag:s13] =	ssyncadd.s32 $0xFFFFD800  }
0x1f: {  	[bflag:$0x0] =	sbarrier.arrive $0xFFFF  }
0x20: {  	[tilespmem:s3], [sflag:$0x1] =	stream.linear.gather [hbm4b:s6+s3], $0x100, $0x38;
	[tilespmem:$0x1C400] =	vst v63  }
0x21: {  	s8 =	rddreg [dreg:$0xb]  }
0x22: {  	[tilespmem:s14], [sflag:$0x2] =	stream.linear.gather [hbm4b:s8+s3], $0x100, $0x38;
	[tilespmem:$0x1C400] =	vst v63  }
0x23: {  	_ =	swait.ge [sflag:s15], $0x100  }
0x24: {  	[sflag:s15] =	ssyncset.done $0x0  }
0x25: {  	[sflag:s15] =	ssyncadd.s32 $0xFFFFFF00  }
0x26: {  	[tilespmem:s17], [sflag:$0x5] =	stream.indirect.gather [hbm4b:s4+s16], $0x80, s3, s16, $0xb8;
	[tilespmem:$0x1C400] =	vst v63  }
0x27: {  	s9 =	sadd.s32 $0x0, s11  }
0x28: {  	[tilespmem:s18], [sflag:$0x5] =	stream.indirect.gather [hbm4b:s4+s16], $0x80, s16, s16, $0xb8;
	[tilespmem:$0x1C400] =	vst v63  }
0x29: {  	p0 =	por $0x1, $0x1;
	s5 =	sadd.s32 $0x40, s9  }
0x2a: {  	[tilespmem:s19], [sflag:$0x3] =	stream.linear.gather [hbm4b:s5+s3], $0x100, $0x38;
	[tilespmem:$0x1C400] =	vst v63  }
0x2b: {  	s5 =	simm.s32 @!p0 $0x8  }
0x2c: {  	_ =	swait.ge @!p0 [sflag:s5], $0x4000  }
0x2d: {  	[sflag:s5] =	ssyncset.done @!p0 $0x0  }
0x2e: {  	[sflag:s5] =	ssyncadd.s32 @!p0 $0xFFFFC000  }
0x2f: {  	_ =	swait.ge [sflag:s20], $0x100  }
0x30: {  	[sflag:s20] =	ssyncset.done $0x0  }
0x31: {  	[sflag:s20] =	ssyncadd.s32 $0xFFFFFF00  }
0x32: {  	[tilespmem:s21], [sflag:$0x6] =	stream.indirect.gather [hbm4b:s4+s16], $0x80, s14, s16, $0xb8;
	[tilespmem:$0x1C400] =	vst v63  }
0x33: {  	s10 =	rddreg [dreg:$0x4]  }
0x34: {  	[tilespmem:s22], [sflag:$0x6] =	stream.indirect.gather [hbm4b:s4+s16], $0x80, s10, s16, $0xb8;
	[tilespmem:$0x1C400] =	vst v63  }
0x35: {  	_ =	swait.ge [sflag:s23], $0x4000  }
0x36: {  	[sflag:s23] =	ssyncset.done $0x0  }
0x37: {  	[sflag:s23] =	ssyncadd.s32 $0xFFFFC000  }
0x38: {  	[spmem:s2] =	stream.indirect.scatter.add.f32 [tilespmem:s17], [sflag:$0x7], $0x80, s24, s24, $0xb8;
	[tilespmem:$0x1C400] =	vst v63  }
0x39: {  	s0 =	sadd.s32 $0x60, s9  }
0x3a: {  	[tilespmem:s25], [sflag:$0x4] =	stream.linear.gather [hbm4b:s0+s3], $0x100, $0x38;
	[tilespmem:$0x1C400] =	vst v63  }
0x3b: {  	_ =	swait.ge [sflag:s26], $0x4000  }
0x3c: {  	[sflag:s26] =	ssyncset.done $0x0  }
0x3d: {  	[sflag:s26] =	ssyncadd.s32 $0xFFFFC000  }
0x3e: {  	_ =	swait.ge [sflag:s28], $0x100  }
0x3f: {  	[sflag:s28] =	ssyncset.done $0x0  }
0x40: {  	[sflag:s28] =	ssyncadd.s32 $0xFFFFFF00  }
0x41: {  	[tilespmem:s17], [sflag:$0x5] =	stream.indirect.gather [hbm4b:s4+s16], $0x80, s19, s16, $0xb8;
	[tilespmem:$0x1C400] =	vst v63  }
0x42: {  	s5 =	rddreg [dreg:$0x5]  }
0x43: {  	[tilespmem:s18], [sflag:$0x5] =	stream.indirect.gather [hbm4b:s4+s16], $0x80, s5, s16, $0xb8;
	[tilespmem:$0x1C400] =	vst v63  }
0x44: {  	_ =	swait.ge [sflag:s29], $0x4000  }
0x45: {  	p0 =	por $0x0, $0x0;
	[sflag:s29] =	ssyncset.done $0x0  }
0x46: {  	s5 =	sadd.s32 @!p0 $0x0, s11;
	s8 =	rddreg [dreg:$0x6];
	[sflag:s29] =	ssyncadd.s32 $0xFFFFC000  }
0x47: {  	[spmem:s2] =	stream.indirect.scatter.add.f32 [tilespmem:s21], [sflag:$0x8], $0x80, s8, s24, $0xb8;
	[tilespmem:$0x1C400] =	vst v63  }
0x48: {  	s0 =	simm.s32 @!p0 $0x0;
	s8 =	sadd.s32 @!p0 $0x80, s5  }
0x49: {  	[tilespmem:s0], [sflag:$0x1] =	stream.linear.gather @!p0 [hbm4b:s8+s0], $0x100, $0x38;
	[tilespmem:$0x1C400] =	vst v63  }
0x4a: {  	_ =	swait.ge [sflag:s30], $0x4000  }
0x4b: {  	[sflag:s30] =	ssyncset.done $0x0  }
0x4c: {  	[sflag:s30] =	ssyncadd.s32 $0xFFFFC000  }
0x4d: {  	_ =	swait.ge [sflag:s31], $0x100  }
0x4e: {  	[sflag:s31] =	ssyncset.done $0x0  }
0x4f: {  	[sflag:s31] =	ssyncadd.s32 $0xFFFFFF00  }
0x50: {  	[tilespmem:s21], [sflag:$0x6] =	stream.indirect.gather [hbm4b:s4+s16], $0x80, s25, s16, $0xb8;
	[tilespmem:$0x1C400] =	vst v63  }
0x51: {  	s9 =	rddreg [dreg:$0x7]  }
0x52: {  	[tilespmem:s22], [sflag:$0x6] =	stream.indirect.gather [hbm4b:s4+s16], $0x80, s9, s16, $0xb8;
	[tilespmem:$0x1C400] =	vst v63  }
0x53: {  	_ =	swait.ge [sflag:s23], $0x4000  }
0x54: {  	[sflag:s23] =	ssyncset.done $0x0  }
0x55: {  	s10 =	rddreg [dreg:$0x8];
	[sflag:s23] =	ssyncadd.s32 $0xFFFFC000  }
0x56: {  	[spmem:s2] =	stream.indirect.scatter.add.f32 [tilespmem:s17], [sflag:$0x7], $0x80, s10, s24, $0xb8;
	[tilespmem:$0x1C400] =	vst v63  }
0x57: {  	s5 =	sadd.s32 @!p0 $0xA0, s5;
	s8 =	simm.s32 @!p0 $0x100  }
0x58: {  	[tilespmem:s8], [sflag:$0x2] =	stream.linear.gather @!p0 [hbm4b:s5+s0], $0x100, $0x38;
	[tilespmem:$0x1C400] =	vst v63  }
0x59: {  	s5 =	simm.s32 @!p0 $0x7  }
0x5a: {  	_ =	swait.ge @!p0 [sflag:s5], $0x4000  }
0x5b: {  	[sflag:s5] =	ssyncset.done @!p0 $0x0  }
0x5c: {  	s8 =	simm.s32 @!p0 $0x1;
	[sflag:s5] =	ssyncadd.s32 @!p0 $0xFFFFC000  }
0x5d: {  	_ =	swait.ge @!p0 [sflag:s8], $0x100  }
0x5e: {  	[sflag:s8] =	ssyncset.done @!p0 $0x0  }
0x5f: {  	s5 =	simm.s32 @!p0 $0x40;
	[sflag:s8] =	ssyncadd.s32 @!p0 $0xFFFFFF00;
	s8 =	simm.s32 @!p0 $0x400  }
0x60: {  	[tilespmem:s8], [sflag:$0x5] =	stream.indirect.gather @!p0 [hbm4b:s4+s5], $0x80, s0, s5, $0xb8;
	[tilespmem:$0x1C400] =	vst v63  }
0x61: {  	s0 =	simm.s32 @!p0 $0x2400  }
0x62: {  	[tilespmem:s0], [sflag:$0x5] =	stream.indirect.gather @!p0 [hbm4b:s4+s5], $0x80, s5, s5, $0xb8;
	[tilespmem:$0x1C400] =	vst v63  }
0x63: {  	_ =	swait.ge [sflag:s29], $0x4000  }
0x64: {  	[sflag:s29] =	ssyncset.done $0x0  }
0x65: {  	s0 =	simm.s32 $0x80;
	s8 =	rddreg [dreg:$0x9];
	[sflag:s29] =	ssyncadd.s32 $0xFFFFC000  }
.LBB2_2:
0x66: {  	s9 =	sadd.s32 s0, s11;
	s5 =	smov.u32 s0  }
0x67: {  	[spmem:s2] =	stream.indirect.scatter.add.f32 [tilespmem:s21], [sflag:$0x8], $0x80, s8, s24, $0xb8;
	[tilespmem:$0x1C400] =	vst v63  }
0x68: {  	s10 =	sadd.s32 $0x40, s9;
	p1 =	seq.s32 s5, $0x0  }
0x69: {  	[tilespmem:s19], [sflag:$0x3] =	stream.linear.gather [hbm4b:s10+s3], $0x100, $0x38;
	[tilespmem:$0x1C400] =	vst v63  }
0x6a: {  	s8 =	simm.s32 @!p1 $0x8  }
0x6b: {  	_ =	swait.ge @!p1 [sflag:s8], $0x4000  }
0x6c: {  	[sflag:s8] =	ssyncset.done @!p1 $0x0  }
0x6d: {  	[sflag:s8] =	ssyncadd.s32 @!p1 $0xFFFFC000  }
0x6e: {  	_ =	swait.ge [sflag:s20], $0x100  }
0x6f: {  	[sflag:s20] =	ssyncset.done $0x0  }
0x70: {  	[sflag:s20] =	ssyncadd.s32 $0xFFFFFF00  }
0x71: {  	[tilespmem:s21], [sflag:$0x6] =	stream.indirect.gather [hbm4b:s4+s16], $0x80, s14, s16, $0xb8;
	[tilespmem:$0x1C400] =	vst v63  }
0x72: {  	s10 =	rddreg [dreg:$0x4]  }
0x73: {  	[tilespmem:s22], [sflag:$0x6] =	stream.indirect.gather [hbm4b:s4+s16], $0x80, s10, s16, $0xb8;
	[tilespmem:$0x1C400] =	vst v63  }
0x74: {  	_ =	swait.ge [sflag:s23], $0x4000  }
0x75: {  	[sflag:s23] =	ssyncset.done $0x0  }
0x76: {  	[sflag:s23] =	ssyncadd.s32 $0xFFFFC000  }
0x77: {  	[spmem:s2] =	stream.indirect.scatter.add.f32 [tilespmem:s17], [sflag:$0x7], $0x80, s24, s24, $0xb8;
	[tilespmem:$0x1C400] =	vst v63  }
0x78: {  	s10 =	sadd.s32 $0x60, s9  }
0x79: {  	[tilespmem:s25], [sflag:$0x4] =	stream.linear.gather [hbm4b:s10+s3], $0x100, $0x38;
	[tilespmem:$0x1C400] =	vst v63  }
0x7a: {  	_ =	swait.ge [sflag:s26], $0x4000  }
0x7b: {  	[sflag:s26] =	ssyncset.done $0x0  }
0x7c: {  	[sflag:s26] =	ssyncadd.s32 $0xFFFFC000  }
0x7d: {  	_ =	swait.ge [sflag:s28], $0x100  }
0x7e: {  	[sflag:s28] =	ssyncset.done $0x0  }
0x7f: {  	[sflag:s28] =	ssyncadd.s32 $0xFFFFFF00  }
0x80: {  	[tilespmem:s17], [sflag:$0x5] =	stream.indirect.gather [hbm4b:s4+s16], $0x80, s19, s16, $0xb8;
	[tilespmem:$0x1C400] =	vst v63  }
0x81: {  	s9 =	rddreg [dreg:$0x5]  }
0x82: {  	[tilespmem:s18], [sflag:$0x5] =	stream.indirect.gather [hbm4b:s4+s16], $0x80, s9, s16, $0xb8;
	[tilespmem:$0x1C400] =	vst v63  }
0x83: {  	_ =	swait.ge [sflag:s29], $0x4000  }
0x84: {  	p1 =	seq.s32 s5, $0x480;
	[sflag:s29] =	ssyncset.done $0x0  }
0x85: {  	s5 =	sadd.s32 @!p1 s5, s11;
	s10 =	rddreg [dreg:$0x6];
	[sflag:s29] =	ssyncadd.s32 $0xFFFFC000  }
0x86: {  	[spmem:s2] =	stream.indirect.scatter.add.f32 [tilespmem:s21], [sflag:$0x8], $0x80, s10, s24, $0xb8;
	[tilespmem:$0x1C400] =	vst v63  }
0x87: {  	s8 =	sadd.s32 @!p1 $0x80, s5;
	s9 =	simm.s32 @!p1 $0x0  }
0x88: {  	[tilespmem:s9], [sflag:$0x1] =	stream.linear.gather @!p1 [hbm4b:s8+s9], $0x100, $0x38;
	[tilespmem:$0x1C400] =	vst v63  }
0x89: {  	_ =	swait.ge [sflag:s30], $0x4000  }
0x8a: {  	[sflag:s30] =	ssyncset.done $0x0  }
0x8b: {  	[sflag:s30] =	ssyncadd.s32 $0xFFFFC000  }
0x8c: {  	_ =	swait.ge [sflag:s31], $0x100  }
0x8d: {  	[sflag:s31] =	ssyncset.done $0x0  }
0x8e: {  	[sflag:s31] =	ssyncadd.s32 $0xFFFFFF00  }
0x8f: {  	[tilespmem:s21], [sflag:$0x6] =	stream.indirect.gather [hbm4b:s4+s16], $0x80, s25, s16, $0xb8;
	[tilespmem:$0x1C400] =	vst v63  }
0x90: {  	s10 =	rddreg [dreg:$0x7]  }
0x91: {  	[tilespmem:s22], [sflag:$0x6] =	stream.indirect.gather [hbm4b:s4+s16], $0x80, s10, s16, $0xb8;
	[tilespmem:$0x1C400] =	vst v63  }
0x92: {  	_ =	swait.ge [sflag:s23], $0x4000  }
0x93: {  	[sflag:s23] =	ssyncset.done $0x0  }
0x94: {  	s8 =	rddreg [dreg:$0x8];
	[sflag:s23] =	ssyncadd.s32 $0xFFFFC000  }
0x95: {  	[spmem:s2] =	stream.indirect.scatter.add.f32 [tilespmem:s17], [sflag:$0x7], $0x80, s8, s24, $0xb8;
	[tilespmem:$0x1C400] =	vst v63  }
0x96: {  	s5 =	sadd.s32 @!p1 $0xA0, s5;
	s10 =	simm.s32 @!p1 $0x100;
	s8 =	simm.s32 @!p1 $0x7  }
0x97: {  	[tilespmem:s10], [sflag:$0x2] =	stream.linear.gather @!p1 [hbm4b:s5+s9], $0x100, $0x38;
	[tilespmem:$0x1C400] =	vst v63  }
0x98: {  	_ =	swait.ge @!p1 [sflag:s8], $0x4000  }
0x99: {  	[sflag:s8] =	ssyncset.done @!p1 $0x0  }
0x9a: {  	s5 =	simm.s32 @!p1 $0x1;
	[sflag:s8] =	ssyncadd.s32 @!p1 $0xFFFFC000  }
0x9b: {  	s0 =	sadd.s32 $0x80, s0;
	_ =	swait.ge @!p1 [sflag:s5], $0x100  }
0x9c: {  	p0 =	sne.s32 s0, $0x500;
	[sflag:s5] =	ssyncset.done @!p1 $0x0  }
0x9d: {  	s10 =	simm.s32 @!p1 $0x400;
	s8 =	simm.s32 @!p1 $0x40;
	[sflag:s5] =	ssyncadd.s32 @!p1 $0xFFFFFF00  }
0x9e: {  	[tilespmem:s10], [sflag:$0x5] =	stream.indirect.gather @!p1 [hbm4b:s4+s8], $0x80, s9, s8, $0xb8;
	[tilespmem:$0x1C400] =	vst v63  }
.Ltmp0:
0x9f: {  	s5 =	simm.s32 @!p1 $0x2400;
	(pc) =	sbr.rel @p0 .LBB2_2-.Ltmp0, $4  }
0xa0: {  	[tilespmem:s5], [sflag:$0x5] =	stream.indirect.gather @!p1 [hbm4b:s4+s8], $0x80, s8, s8, $0xb8;
	[tilespmem:$0x1C400] =	vst v63  }
0xa1: {  	_ =	swait.ge [sflag:s29], $0x4000  }
0xa2: {  	[sflag:s29] =	ssyncset.done $0x0  }
0xa3: {  	s8 =	rddreg [dreg:$0x9];
	[sflag:s29] =	ssyncadd.s32 $0xFFFFC000  }
0xa4: {  	[spmem:s2] =	stream.indirect.scatter.add.f32 [tilespmem:s21], [sflag:$0x8], $0x80, s8, s24, $0xb8;
	[tilespmem:$0x1C400] =	vst v63  }
0xa5: {  	_ =	swait.ge [sflag:s26], $0x4000  }
0xa6: {  	[sflag:s26] =	ssyncset.done $0x0  }
0xa7: {  	[sflag:s26] =	ssyncadd.s32 $0xFFFFC000  }
0xa8: {  	_ =	swait.ge [sflag:s30], $0x4000  }
0xa9: {  	[sflag:s30] =	ssyncset.done $0x0  }
0xaa: {  	[sflag:s30] =	ssyncadd.s32 $0xFFFFC000  }
0xab: {  	[bflag:$0x0] =	sbarrier.arrive $0xFFFF  }
0xac: {  	s0 =	rddreg [dreg:$0xc]  }
0xad: {  	[hbm:s0], [sflag:s7] =	dma.local [spmem:s12], $0x2800  }
0xae: {  	_ =	swait.ge [sflag:s13], $0x2800  }
0xaf: {  	s1 =	sadd.s32 $0x1, s1;
	s10 =	rddreg [dreg:$0xd]  }
0xb0: {  	p0 =	sne.s32 s1, s10  }
.Ltmp1:
0xb1: {  	_ = 	snop;
	(pc) =	sbr.rel @p0 .LBB2_1-.Ltmp1, $3  }
0xb2: {  	_ =	sdelay $0x1  }
0xb3: {  	[sflag:s13] =	ssyncset.done $0x0  }
0xb4: {  	[sflag:s13] =	ssyncadd.s32 $0xFFFFD800  }
0xb5: {  	_ =	sfence.sel $0x180000  }
0xb6: {  	[bflag:$0x0] =	sbarrier.arrive $0xFFFF  }
0xb7: {  	_ =	strace $0x9000004D  }
0xb8: {  	s0 =	stileid.u32;
	[bflag:$0x2] =	sbarrier.arrive $0xFFFF  }
0xb9: {  	p0 =	sne.s32 s0, $0x0;
	s0 =	rddreg [dreg:$0x3]  }
0xba: {  	s0 =	sadd.s32 @!p0 $0x100000, s0  }
0xbb: {  	[sflag:s0] =	ssyncadd.tile.s32 @!p0 $0x1;
	_ =	shalt  }
.Lfunc_end2:
_tile_overlayer_lowered:
.L_overlay_start_2:
0xbc: {  	(tag) =	ssettag $0x2  }
0xbd: {  	s0 =	rddreg [dreg:$0x0];
	s2 =	stileid.u32  }
0xbe: {  	s1 =	rddreg [dreg:$0x1];
	p0 =	sne.s32 s2, $0x0  }
0xbf: {  	s3 =	rddreg [dreg:$0x2];
	[bflag:$0x3] =	sbarrier.arrive $0xFFFF;
	s2 =	simm.s32 @!p0 $0x1C09  }
0xc0: {  	[timem:s3], [sflag:s2] =	dma.local @!p0 [hbm:s0], s1  }
0xc1: {  	s0 =	simm.s32 @!p0 $0x9  }
0xc2: {  	_ =	swait.ge @!p0 [sflag:s0], s1  }
0xc3: {  	s1 =	ssub.s32 @!p0 $0x0, s1;
	[sflag:s0] =	ssyncset.done @!p0 $0x0  }
0xc4: {  	[sflag:s0] =	ssyncadd.s32 @!p0 s1  }
0xc5: {  	[bflag:$0x3] =	sbarrier.arrive $0xFFFF  }
0xc6: {  	_ =	shalt  }

// kernel: kernel.8.cloned.1.call-start
scs
__scs_entry_jumppad:
0x0: {  	(pc) =	sbr.rel $0x88, $3  }
0x1: {  	(tag) =	ssettag $0x0;
	lr =	simm.s32 $0x1  }
0x2: {  	[smem:$0x3F9B] =	sst lr;
	_ =	strace $0xD0000000  }
0x3: {  	_ = 	snop  }
0x4: {  	_ = 	snop  }
0x5: {  	_ = 	snop  }
0x6: {  	_ = 	snop  }
0x7: {  	_ = 	snop  }
__scs_overlays_trampoline_lowered:
0x8: {  	[smem:$0x3FAA] =	sst s0  }
0x9: {  	[smem:$0x3FAB] =	sst s1  }
0xa: {  	[smem:$0x3FAC] =	sst s2  }
0xb: {  	[smem:$0x3FAD] =	sst s3  }
0xc: {  	[smem:$0x3FAE] =	sst s4  }
0xd: {  	[smem:$0x3FAF] =	sst s5  }
0xe: {  	[smem:$0x3FB0] =	sst s6  }
0xf: {  	[smem:$0x3FB1] =	sst s7  }
0x10: {  	[smem:$0x3FB2] =	sst s8  }
0x11: {  	[smem:$0x3FB3] =	sst s9;
	s0 =	simm.s32 @!p0 $0x0  }
0x12: {  	s1 =	sld [smem:$0x3F99];
	s0 =	simm.s32 @p0 $0x1  }
0x13: {  	[smem:$0x3FB4] =	sst s0;
	s0 =	simm.s32 @!p1 $0x0  }
0x14: {  	s2 =	sld [smem:$0x3F98];
	s0 =	simm.s32 @p1 $0x1  }
0x15: {  	[smem:$0x3FB5] =	sst s0;
	s0 =	simm.s32 @!p2 $0x0  }
0x16: {  	s3 =	sld [smem:$0x3FDB];
	s0 =	simm.s32 @p2 $0x1  }
0x17: {  	s4 =	simm.s32 $0x1BF5;
	[smem:$0x3FB7] =	sst s0  }
0x18: {  	s0 =	sld [smem:$0x3F9A];
	_ =	swait.ge [sflag:s4], $0x0  }
0x19: {  	s7 =	sld [smem:$0x3F9B]  }
0x1a: {  	s8 =	sadd.s32 $0xFFFFE003, lr  }
0x1b: {  	s9 =	sadd.s32 $0xFFFFFEF7, lr;
	s5 =	simm.s32 $0xFFFFFFFF;
	p2 =	slt.u32 s8, $0xFFFFF086  }
0x1c: {  	p1 =	slt.u32 s9, $0xF7A;
	s5 =	simm.s32 @!p2 $0x0  }
0x1d: {  	s5 =	simm.s32 @p1 $0x1;
	p0 =	seq.s32 s7, s2  }
0x1e: {  	s7 =	smul.u32 @!p0 $0xF7A, s2;
	p2 =	seq.s32 @!p0 s5, $0x0  }
0x1f: {  	s9 =	smul.u32 $0xF7A, s1;
	s8 =	simm.s32 @!p0 $0x1BF5;
	p2 =	por !p2, p0  }
0x20: {  	[sflag:s8] =	ssyncset.s32 @!p0 $0xFFFFF086;
	s6 =	sadd.s32 @!p0 s3, s7;
	s7 =	simm.s32 @!p0 $0x108  }
0x21: {  	s3 =	sadd.s32 s3, s9;
	s6 =	sadd.s32 @!p0 $0x88, s6;
	s7 =	simm.s32 @p2 $0x1082  }
0x22: {  	[simem:s7], [sflag:s8] =	dma.local @!p0 [hbm:s6], $0xF7A  }
0x23: {  	s9 =	sor.u32 $0xD0000000, s2;
	s6 =	simm.s32 $0x108;
	_ =	swait.ge @!p0 [sflag:s8], $0x0  }
0x24: {  	s3 =	sadd.s32 $0x88, s3;
	s6 =	simm.s32 @!p1 $0x1082;
	[sflag:s4] =	ssyncset.s32 $0xFFFFF086  }
0x25: {  	[simem:s6], [sflag:s4] =	dma.local [hbm:s3], $0xF7A  }
0x26: {  	[smem:$0x3F9B] =	sst s1;
	(tag) =	ssettag s2;
	_ =	strace s9  }
0x27: {  	s1 =	sld [smem:$0x3FAB]  }
0x28: {  	s2 =	sld [smem:$0x3FAC]  }
0x29: {  	s4 =	sld [smem:$0x3FAE]  }
0x2a: {  	p0 =	seq.s32 s5, $0x0;
	s5 =	sld [smem:$0x3FAF]  }
0x2b: {  	s6 =	sld [smem:$0x3FB0]  }
0x2c: {  	s7 =	sld [smem:$0x3FB1]  }
0x2d: {  	s3 =	simm.s32 $0x108;
	s8 =	sld [smem:$0x3FB2]  }
0x2e: {  	s3 =	simm.s32 @!p0 $0x1082;
	s9 =	sld [smem:$0x3FB3]  }
0x2f: {  	lr =	sadd.s32 s0, s3;
	s0 =	sld [smem:$0x3FAA]  }
0x30: {  	s3 =	sld [smem:$0x3FAD]  }
0x31: {  	[smem:$0x3FB6] =	sst s10  }
0x32: {  	s10 =	sld [smem:$0x3FB4];
	_ =	sdelay $0x3  }
0x33: {  	p0 =	seq.s32 s10, $0x1;
	s10 =	sld [smem:$0x3FB6];
	_ =	sdelay $0x3  }
0x34: {  	[smem:$0x3FB6] =	sst s10  }
0x35: {  	s10 =	sld [smem:$0x3FB5];
	_ =	sdelay $0x3  }
0x36: {  	p1 =	seq.s32 s10, $0x1;
	s10 =	sld [smem:$0x3FB6];
	_ =	sdelay $0x3  }
0x37: {  	[smem:$0x3FB6] =	sst s10  }
0x38: {  	s10 =	sld [smem:$0x3FB7]  }
0x39: {  	_ = 	snop;
	(pc) =	sbr.ind lr, $3  }
0x3a: {  	_ = 	snop  }
0x3b: {  	_ = 	snop  }
0x3c: {  	p2 =	seq.s32 s10, $0x1;
	s10 =	sld [smem:$0x3FB6]  }
0x3d: {  	_ =	shalt  }
0x3e: {  	_ =	shalt  }
0x3f: {  	_ =	shalt  }
0x40: {  	_ =	shalt  }
0x41: {  	_ =	shalt  }
0x42: {  	_ =	shalt  }
0x43: {  	_ =	shalt  }
0x44: {  	_ =	shalt  }
0x45: {  	_ =	shalt  }
0x46: {  	_ =	shalt  }
0x47: {  	_ =	shalt  }
0x48: {  	_ =	shalt  }
0x49: {  	_ =	shalt  }
0x4a: {  	_ =	shalt  }
0x4b: {  	_ =	shalt  }
0x4c: {  	_ =	shalt  }
0x4d: {  	_ =	shalt  }
0x4e: {  	_ =	shalt  }
0x4f: {  	_ =	shalt  }
0x50: {  	_ =	shalt  }
0x51: {  	_ =	shalt  }
0x52: {  	_ =	shalt  }
0x53: {  	_ =	shalt  }
0x54: {  	_ =	shalt  }
0x55: {  	_ =	shalt  }
0x56: {  	_ =	shalt  }
0x57: {  	_ =	shalt  }
0x58: {  	_ =	shalt  }
0x59: {  	_ =	shalt  }
0x5a: {  	_ =	shalt  }
0x5b: {  	_ =	shalt  }
0x5c: {  	_ =	shalt  }
0x5d: {  	_ =	shalt  }
0x5e: {  	_ =	shalt  }
0x5f: {  	_ =	shalt  }
0x60: {  	_ =	shalt  }
0x61: {  	_ =	shalt  }
0x62: {  	_ =	shalt  }
0x63: {  	_ =	shalt  }
0x64: {  	_ =	shalt  }
0x65: {  	_ =	shalt  }
0x66: {  	_ =	shalt  }
0x67: {  	_ =	shalt  }
0x68: {  	_ =	shalt  }
0x69: {  	_ =	shalt  }
0x6a: {  	_ =	shalt  }
0x6b: {  	_ =	shalt  }
0x6c: {  	_ =	shalt  }
0x6d: {  	_ =	shalt  }
0x6e: {  	_ =	shalt  }
0x6f: {  	_ =	shalt  }
0x70: {  	_ =	shalt  }
0x71: {  	_ =	shalt  }
0x72: {  	_ =	shalt  }
0x73: {  	_ =	shalt  }
0x74: {  	_ =	shalt  }
0x75: {  	_ =	shalt  }
0x76: {  	_ =	shalt  }
0x77: {  	_ =	shalt  }
0x78: {  	_ =	shalt  }
0x79: {  	_ =	shalt  }
0x7a: {  	_ =	shalt  }
0x7b: {  	_ =	shalt  }
0x7c: {  	_ =	shalt  }
0x7d: {  	_ =	shalt  }
0x7e: {  	_ =	shalt  }
0x7f: {  	_ =	shalt  }
0x80: {  	_ =	shalt  }
0x81: {  	_ =	shalt  }
0x82: {  	_ =	shalt  }
0x83: {  	_ =	shalt  }
0x84: {  	_ =	shalt  }
0x85: {  	_ =	shalt  }
0x86: {  	_ =	shalt  }
0x87: {  	_ =	shalt  }
.Lfunc_end0:
.L_simem_size_0:
called_computation_lowered:
.L_overlay_start_0:
0x88: {  	s2 =	sld [smem:$0x3FD9]  }
0x89: {  	s3 =	sld [smem:$0x3FFE];
	_ =	sdelay $0x1  }
0x8a: {  	s1 =	srdreg.scid  }
0x8b: {  	s0 =	sand.u32 $0x1, s1  }
0x8c: {  	s17 =	sshll.u32 s0, $0xA;
	s2 =	sadd.s32 s3, s2  }
0x8d: {  	s2 =	sadd.s32 s2, s17  }
0x8e: {  	[smem:$0x3FC2] =	sst s2  }
0x8f: {  	_ = 	snop  }
0x90: {  	s2 =	sld [smem:$0x3FD0];
	(tm) =	ssettm $0x1  }
0x91: {  	s18 =	sld [smem:$0x3FFB];
	_ =	sdelay $0x3  }
0x92: {  	_ =	strace s18  }
0x93: {  	s3 =	sld [smem:$0x3FFC];
	_ =	sdelay $0x3  }
0x94: {  	_ =	strace s3  }
0x95: {  	s3 =	sld [smem:$0x3FFD];
	_ =	sdelay $0x3  }
0x96: {  	_ =	strace s3  }
0x97: {  	_ =	strace $0x8FFFFFFF  }
0x98: {  	s19 =	sld [smem:$0x3FDB];
	_ =	sdelay $0x1  }
0x99: {  	s4 =	simm.s32 $_scs_section_size  }
0x9a: {  	s5 =	simm.s32 $_size__tile_overlayer_lowered;
	s6 =	simm.s32 $_tile_overlayer_lowered  }
0x9b: {  	s22 =	simm.s32 $0x1BFF;
	s21 =	sshll.u32 s6, $0x1;
	s3 =	sadd.s32 s4, s19  }
0x9c: {  	s7 =	simm.s32 $0x0;
	s20 =	sshll.u32 s5, $0x1;
	s5 =	sadd.s32 s21, s3  }
0x9d: {  	[timem:s7], [sflag:s22] =	dma.local [hbm:s5], s20  }
0x9e: {  	_ =	swait.ge [sflag:s22], s20  }
0x9f: {  	s4 =	ssub.s32 $0x0, s20;
	[sflag:s22] =	ssyncset.done $0x0  }
0xa0: {  	[sflag:s22] =	ssyncadd.s32 s4;
	_ =	sdelay $0x1  }
0xa1: {  	s23 =	simm.s32 $0x1B8B  }
0xa2: {  	_ =	swait.ge [sflag:s23], $0x1  }
0xa3: {  	[sflag:s23] =	ssyncset.done $0x0  }
0xa4: {  	s25 =	simm.s32 $0x1B8E;
	s24 =	sld [smem:$0x3FFE];
	[sflag:s23] =	ssyncadd.s32 $0xFFFFFFFF  }
0xa5: {  	s26 =	simm.s32 $execute0_lowered;
	[smem:$0x3FD2] =	sst s25  }
0xa6: {  	s5 =	sshll.u32 s26, $0x1;
	_ =	strace $0x80000046;
	[dreg:$0x1] =	wrdreg $0xFFFFFFFF  }
0xa7: {  	s28 =	simm.s32 $_size_execute0_lowered;
	s3 =	sadd.s32 s3, s5;
	[dreg:$0x0] =	wrdreg $0x0  }
0xa8: {  	s5 =	sshll.u32 s28, $0x1;
	[dreg:$0x2] =	wrdreg s3  }
0xa9: {  	[dreg:$0x3] =	wrdreg s5  }
0xaa: {  	[dreg:$0x4] =	wrdreg $0xC0  }
0xab: {  	_ =	task [dreg:s7], $0x5FFFF  }
0xac: {  	[dreg:$0x1] =	wrdreg $0xFFFFFFFF  }
0xad: {  	[dreg:$0x0] =	wrdreg $0x60  }
0xae: {  	[dreg:$0x2] =	wrdreg s2  }
0xaf: {  	[dreg:$0x3] =	wrdreg s24  }
0xb0: {  	[dreg:$0x4] =	wrdreg $0x41000  }
0xb1: {  	[dreg:$0x5] =	wrdreg $0x9  }
0xb2: {  	_ =	task.clear_ibuf [dreg:s7], $0x6FFFF;
	_ =	strace $0x90000046  }
0xb3: {  	s29 =	simm.s32 $0x9;
	_ =	strace $0x80000048  }
0xb4: {  	_ =	swait.ge [sflag:s29], $0x1  }
0xb5: {  	[sflag:s29] =	ssyncadd.s32 $0xFFFFFFFF  }
0xb6: {  	_ =	strace $0x90000048  }
0xb7: {  	_ =	sfence  }
0xb8: {  	s30 =	sld [smem:$0x0];
	_ =	sdelay $0x2  }
0xb9: {  	s31 =	sshll.u32 s1, $0xD;
	s1 =	sshrl.u32 s1, $0x2  }
0xba: {  	s3 =	sand.u32 $0x4000, s31;
	s1 =	sadd.s32 s1, s30  }
0xbb: {  	s0 =	sor.u32 s3, s0;
	s1 =	sshll.u32 s1, $0x11  }
0xbc: {  	s0 =	sor.u32 s1, s0  }
0xbd: {  	s0 =	sadd.s32 $0x8F2B, s0  }
0xbe: {  	[sflag:s0] =	ssyncadd.remote.s32 $0x1  }
0xbf: {  	_ =	sfence.sel $0xFFFF  }
0xc0: {  	[dreg:$0x0] =	wrdreg $0xFFFFFFFF;
	(pc) =	sbr.abs _section_cstart, $3  }
0xc1: {  	[dreg:$0x1] =	wrdreg $0xFFFFFFFF  }
0xc2: {  	_ =	task.clear_ibuf [dreg:s7], $0x2FFFF;
	_ =	strace $0x9FFFFFFF  }
0xc3: {  	(tm) =	ssettm $0x7FFFFFFF  }
tec
execute0_lowered:
.L_overlay_start_1:
0x0: {  	(tag) =	ssettag $0x1  }
0x1: {  	s12 =	rddreg [dreg:$0x0]  }
0x2: {  	s6 =	rddreg [dreg:$0x1]  }
0x3: {  	s2 =	rddreg [dreg:$0x2]  }
0x4: {  	s0 =	rddreg [dreg:$0x3];
	s4 =	srdreg.scid  }
0x5: {  	s1 =	stileid.u32;
	s3 =	simm.s32 $0x0;
	s16 =	simm.s32 $0x80  }
0x6: {  	s17 =	simm.s32 $0x1;
	s18 =	simm.s32 $0x2;
	s8 =	smul.u32 $0x2800, s1  }
0x7: {  	s19 =	simm.s32 $0x0;
	s7 =	sand.u32 $0x1, s4;
	s10 =	smul.u32 $0x50000, s1  }
0x8: {  	[smem:$0x7FF] =	sst s3;
	s4 =	sadd.s32 $0x5000, s6;
	s13 =	smul.u32 $0x1400, s1  }
0x9: {  	s5 =	sadd.s32 $0x2800, s6;
	s25 =	sshll.u32 s1, $0x6;
	s9 =	smul.u32 $0x28000, s7  }
0xa: {  	_ =	strace $0x80000047;
	s11 =	ssub.s32 $0x2, s7;
	s7 =	smul.u32 $0x14000, s7  }
0xb: {  	s23 =	sshrl.u32 s11, $0x1;
	s24 =	sshrl.u32 s10, $0x2;
	s8 =	sadd.s32 s8, s9  }
0xc: {  	s9 =	ssub.s32 s11, s23;
	s14 =	sadd.s32 s24, s2;
	s26 =	sadd.s32 s13, s7  }
0xd: {  	s8 =	sadd.s32 s8, s6;
	s6 =	sor.u32 $0x1C03, s25;
	s28 =	sor.u32 $0x80, s26  }
0xe: {  	s13 =	sshrl.u32 s26, $0x3;
	s29 =	sor.u32 $0x180, s26;
	s15 =	sor.u32 $0x100, s26  }
0xf: {  	s7 =	sadd.s32 $0x5800, s8;
	s8 =	smax.u32 s9, $0x1;
	s9 =	sadd.s32 s12, s13  }
0x10: {  	s11 =	sshrl.u32 s28, $0x3;
	s30 =	sshrl.u32 s29, $0x3;
	s31 =	sshrl.u32 s15, $0x3  }
0x11: {  	s13 =	sshrl.u32 s14, $0x3;
	s14 =	simm.s32 $0x3;
	s15 =	simm.s32 $0x100  }
0x12: {  	s10 =	sadd.s32 s12, s11;
	s11 =	sadd.s32 s30, s12;
	s12 =	sadd.s32 s31, s12  }
.LBB2_1:
0x13: {  	[spmem:s13], [sflag:s6] =	dma.local [hbm:s5], $0x2800  }
0x14: {  	_ =	swait.ge [sflag:s14], $0x2800  }
0x15: {  	[sflag:s14] =	ssyncset.done $0x0  }
0x16: {  	[sflag:s14] =	ssyncadd.s32 $0xFFFFD800  }
0x17: {  	[tilespmem:s15], [sflag:$0x3] =	stream.linear.gather [hbm4b:s4+s3], $0x4000, $0x38;
	[tilespmem:$0x18100] =	vst v63  }
0x18: {  	_ =	swait.ge [sflag:s14], $0x4000  }
0x19: {  	[sflag:s14] =	ssyncset.done $0x0  }
0x1a: {  	[sflag:s14] =	ssyncadd.s32 $0xFFFFC000  }
0x1b: {  	[bflag:$0x0] =	sbarrier.arrive $0xFFFF  }
0x1c: {  	[tilespmem:s3], [sflag:$0x3] =	stream.linear.gather [hbm4b:s9+s3], $0x80, $0x38;
	[tilespmem:$0x18100] =	vst v63  }
0x1d: {  	_ =	swait.ge [sflag:s14], $0x80  }
0x1e: {  	[sflag:s14] =	ssyncset.done $0x0  }
0x1f: {  	[sflag:s14] =	ssyncadd.s32 $0xFFFFFF80  }
0x20: {  	[spmem:s2] =	stream.indirect.scatter.add.f32 [tilespmem:s15], [sflag:$0x1], $0x80, s3, s16, $0xb8;
	[tilespmem:$0x18100] =	vst v63  }
0x21: {  	_ = 	snop  }
0x22: {  	[tilespmem:s16], [sflag:$0x3] =	stream.linear.gather [hbm4b:s10+s3], $0x80, $0x38;
	[tilespmem:$0x18100] =	vst v63  }
0x23: {  	_ =	swait.ge [sflag:s14], $0x80  }
0x24: {  	[sflag:s14] =	ssyncset.done $0x0  }
0x25: {  	[sflag:s14] =	ssyncadd.s32 $0xFFFFFF80  }
0x26: {  	[spmem:s2] =	stream.indirect.scatter.add.f32 [tilespmem:s15], [sflag:$0x2], $0x80, s16, s16, $0xb8;
	[tilespmem:$0x18100] =	vst v63  }
0x27: {  	_ =	swait.ge [sflag:s17], $0x4000  }
0x28: {  	[sflag:s17] =	ssyncset.done $0x0  }
0x29: {  	s20 =	sadd.s32 $0x0, s12;
	[sflag:s17] =	ssyncadd.s32 $0xFFFFC000  }
0x2a: {  	[tilespmem:s3], [sflag:$0x3] =	stream.linear.gather [hbm4b:s20+s3], $0x80, $0x38;
	[tilespmem:$0x18100] =	vst v63  }
0x2b: {  	_ =	swait.ge [sflag:s14], $0x80  }
0x2c: {  	[sflag:s14] =	ssyncset.done $0x0  }
0x2d: {  	[sflag:s14] =	ssyncadd.s32 $0xFFFFFF80  }
0x2e: {  	[spmem:s2] =	stream.indirect.scatter.add.f32 [tilespmem:s15], [sflag:$0x1], $0x80, s3, s16, $0xb8;
	[tilespmem:$0x18100] =	vst v63  }
0x2f: {  	_ =	swait.ge [sflag:s18], $0x4000  }
0x30: {  	[sflag:s18] =	ssyncset.done $0x0  }
0x31: {  	s31 =	sadd.s32 $0x0, s11;
	[sflag:s18] =	ssyncadd.s32 $0xFFFFC000  }
0x32: {  	[tilespmem:s16], [sflag:$0x3] =	stream.linear.gather [hbm4b:s31+s3], $0x80, $0x38;
	[tilespmem:$0x18100] =	vst v63  }
0x33: {  	_ =	swait.ge [sflag:s14], $0x80  }
0x34: {  	[sflag:s14] =	ssyncset.done $0x0  }
0x35: {  	s20 =	simm.s32 $0x20;
	[sflag:s14] =	ssyncadd.s32 $0xFFFFFF80  }
.LBB2_2:
0x36: {  	[spmem:s2] =	stream.indirect.scatter.add.f32 [tilespmem:s15], [sflag:$0x2], $0x80, s16, s16, $0xb8;
	[tilespmem:$0x18100] =	vst v63  }
0x37: {  	s21 =	smov.u32 s20  }
0x38: {  	p0 =	sne.s32 s20, $0x240;
	s20 =	sadd.s32 $0x20, s20;
	_ =	swait.ge [sflag:s17], $0x4000  }
0x39: {  	[sflag:s17] =	ssyncset.done $0x0  }
0x3a: {  	s22 =	sadd.s32 s21, s12;
	[sflag:s17] =	ssyncadd.s32 $0xFFFFC000  }
0x3b: {  	[tilespmem:s3], [sflag:$0x3] =	stream.linear.gather [hbm4b:s22+s3], $0x80, $0x38;
	[tilespmem:$0x18100] =	vst v63  }
0x3c: {  	_ =	swait.ge [sflag:s14], $0x80  }
0x3d: {  	[sflag:s14] =	ssyncset.done $0x0  }
0x3e: {  	[sflag:s14] =	ssyncadd.s32 $0xFFFFFF80  }
0x3f: {  	[spmem:s2] =	stream.indirect.scatter.add.f32 [tilespmem:s15], [sflag:$0x1], $0x80, s3, s16, $0xb8;
	[tilespmem:$0x18100] =	vst v63  }
0x40: {  	_ =	swait.ge [sflag:s18], $0x4000  }
0x41: {  	[sflag:s18] =	ssyncset.done $0x0  }
.Ltmp0:
0x42: {  	s21 =	sadd.s32 s21, s11;
	[sflag:s18] =	ssyncadd.s32 $0xFFFFC000;
	(pc) =	sbr.rel @p0 .LBB2_2-.Ltmp0, $4  }
0x43: {  	[tilespmem:s16], [sflag:$0x3] =	stream.linear.gather [hbm4b:s21+s3], $0x80, $0x38;
	[tilespmem:$0x18100] =	vst v63  }
0x44: {  	_ =	swait.ge [sflag:s14], $0x80  }
0x45: {  	[sflag:s14] =	ssyncset.done $0x0  }
0x46: {  	[sflag:s14] =	ssyncadd.s32 $0xFFFFFF80  }
0x47: {  	[spmem:s2] =	stream.indirect.scatter.add.f32 [tilespmem:s15], [sflag:$0x2], $0x80, s16, s16, $0xb8;
	[tilespmem:$0x18100] =	vst v63  }
0x48: {  	_ =	swait.ge [sflag:s17], $0x4000  }
0x49: {  	[sflag:s17] =	ssyncset.done $0x0  }
0x4a: {  	[sflag:s17] =	ssyncadd.s32 $0xFFFFC000  }
0x4b: {  	_ =	swait.ge [sflag:s18], $0x4000  }
0x4c: {  	s19 =	sadd.s32 $0x1, s19;
	[sflag:s18] =	ssyncset.done $0x0  }
0x4d: {  	p0 =	sne.s32 s19, s8;
	[sflag:s18] =	ssyncadd.s32 $0xFFFFC000  }
.Ltmp1:
0x4e: {  	[bflag:$0x0] =	sbarrier.arrive $0xFFFF;
	(pc) =	sbr.rel @p0 .LBB2_1-.Ltmp1, $4  }
0x4f: {  	[hbm:s7], [sflag:s6] =	dma.local [spmem:s13], $0x2800  }
0x50: {  	_ =	swait.ge [sflag:s14], $0x2800  }
0x51: {  	[sflag:s14] =	ssyncset.done $0x0  }
0x52: {  	[sflag:s14] =	ssyncadd.s32 $0xFFFFD800  }
0x53: {  	_ =	sfence.sel $0x180000  }
0x54: {  	[bflag:$0x0] =	sbarrier.arrive $0xFFFF  }
0x55: {  	p0 =	sne.s32 s1, $0x0;
	_ =	strace $0x90000047  }
0x56: {  	s0 =	sadd.s32 @!p0 $0x100000, s0;
	[bflag:$0x2] =	sbarrier.arrive $0xFFFF  }
0x57: {  	[sflag:s0] =	ssyncadd.tile.s32 @!p0 $0x1;
	_ =	shalt  }
.Lfunc_end2:
_tile_overlayer_lowered:
.L_overlay_start_2:
0x58: {  	(tag) =	ssettag $0x2  }
0x59: {  	s0 =	rddreg [dreg:$0x0];
	s2 =	stileid.u32  }
0x5a: {  	s1 =	rddreg [dreg:$0x1];
	p0 =	sne.s32 s2, $0x0  }
0x5b: {  	s3 =	rddreg [dreg:$0x2];
	[bflag:$0x3] =	sbarrier.arrive $0xFFFF;
	s2 =	simm.s32 @!p0 $0x1C03  }
0x5c: {  	[timem:s3], [sflag:s2] =	dma.local @!p0 [hbm:s0], s1  }
0x5d: {  	s0 =	simm.s32 @!p0 $0x3  }
0x5e: {  	_ =	swait.ge @!p0 [sflag:s0], s1  }
0x5f: {  	s1 =	ssub.s32 @!p0 $0x0, s1;
	[sflag:s0] =	ssyncset.done @!p0 $0x0  }
0x60: {  	[sflag:s0] =	ssyncadd.s32 @!p0 s1  }
0x61: {  	[bflag:$0x3] =	sbarrier.arrive $0xFFFF  }
0x62: {  	_ =	shalt  }

</sc_bundles>
